<compile_context>
chip_gen: v7x
topology: tpu7x:2x2x1
jax: 0.10.2.dev20260603
libtpu: 0.0.44.dev20260713+nightly
codegen_flags: <defaults>
</compile_context>

<pallas_src>
import numpy as np
import jax
import jax.numpy as jnp
from jax import lax
from jax.experimental import pallas as pl
from jax.experimental.pallas import tpu as pltpu
from jax.experimental.pallas import tpu_sc as plsc

MAX_LEN = 200
EMBED_DIM = 128
BATCH = 4096

NUM_CORES = 2
NUM_SUBCORES = 16
NUM_WORKERS = NUM_CORES * NUM_SUBCORES

HALF = MAX_LEN // 2
NITEMS = BATCH * 2
IPW = NITEMS // NUM_WORKERS
NBUF = 4
LANES = 16
DCHUNKS = EMBED_DIM // LANES


def _pe_np():
    pos = np.arange(MAX_LEN, dtype=np.float64)[:, None]
    j = np.arange(EMBED_DIM, dtype=np.float64)[None, :]
    angle = pos / (10000.0 ** (j / float(EMBED_DIM)))
    even = (np.arange(EMBED_DIM)[None, :] % 2) == 0
    return np.where(even, np.sin(angle), np.cos(angle)).astype(np.float32)


_PE = _pe_np()


def _body(x_hbm, pe_hbm, tab_hbm, out_hbm,
          pe_v, idx_v, buf0, buf1, buf2, buf3,
          gs0, gs1, gs2, gs3, ss0, ss1, ss2, ss3):
    bufs = (buf0, buf1, buf2, buf3)
    gsems = (gs0, gs1, gs2, gs3)
    ssems = (ss0, ss1, ss2, ss3)

    wid = lax.axis_index("s") * NUM_CORES + lax.axis_index("c")
    item0 = wid * IPW

    pltpu.sync_copy(pe_hbm, pe_v)
    pltpu.sync_copy(x_hbm.at[pl.ds(item0, IPW)], idx_v)

    def fire_gather(k, p):
        pltpu.async_copy(tab_hbm.at[idx_v.at[k]], bufs[p], gsems[p])

    def drain_gather(p):
        pltpu.make_async_copy(out_hbm.at[0], bufs[p], gsems[p]).wait()

    def fire_store(k, p):
        pltpu.async_copy(bufs[p], out_hbm.at[item0 + k], ssems[p])

    def drain_store(p):
        pltpu.make_async_copy(bufs[p], out_hbm.at[0], ssems[p]).wait()

    def add_pe(k, p):
        poff = lax.rem(k, 2) * HALF

        def t_body(t, carry):
            for d in range(DCHUNKS):
                sl = pl.ds(LANES * d, LANES)
                plsc.addupdate(bufs[p].at[t, sl], pe_v[poff + t, sl])
            return carry
        lax.fori_loop(0, HALF, t_body, 0, unroll=4)

    for p in range(NBUF - 1):
        fire_gather(p, p)

    def j_body(j, carry):
        for p in range(NBUF):
            k = NBUF * j + p
            drain_gather(p)
            add_pe(k, p)
            fire_store(k, p)

            @pl.when(k < IPW - (NBUF - 1))
            def _():
                @pl.when(k >= 1)
                def _():
                    drain_store((p + NBUF - 1) % NBUF)
                fire_gather(k + NBUF - 1, (p + NBUF - 1) % NBUF)
        return carry

    lax.fori_loop(0, IPW // NBUF, j_body, 0)

    for p in range(NBUF):
        drain_store(p)


_run = pl.kernel(
    _body,
    out_type=jax.ShapeDtypeStruct((NITEMS, HALF, EMBED_DIM), jnp.float32),
    mesh=plsc.VectorSubcoreMesh(core_axis_name="c", subcore_axis_name="s"),
    compiler_params=pltpu.CompilerParams(use_tc_tiling_on_sc=False),
    scratch_types=(
        [pltpu.VMEM((MAX_LEN, EMBED_DIM), jnp.float32)]
        + [pltpu.VMEM((IPW, HALF), jnp.int32)]
        + [pltpu.VMEM((HALF, EMBED_DIM), jnp.float32)] * NBUF
        + [pltpu.SemaphoreType.DMA] * (2 * NBUF)
    ),
)


def kernel(x, embed_weight):
    x2 = x.astype(jnp.int32).reshape(NITEMS, HALF)
    pe = jnp.asarray(_PE)
    out = _run(x2, pe, embed_weight)
    return out.reshape(BATCH, MAX_LEN, EMBED_DIM)

# --- scband reference (transcript-rebuilt; emitter-appended) ---
"""Pipeline reference for scband-position-embedding-32152125178237 (READ-ONLY COPY).

The authoritative reference and input builder live on the scoring server;
editing this copy changes nothing except your own understanding.
"""

import jax, jax.numpy as jnp
import numpy as np

MAX_LEN = 200
EMBED_DIM = 128
NUM_CLASSES = 100000
BATCH = 4096


def _make_pe():
    # Faithful to torch loop: pe[i, j] = sin(i / 10000**(j/d)) if j even else cos(i / 10000**(j/d))
    pos = jnp.arange(MAX_LEN, dtype=jnp.float32)[:, None]
    j = jnp.arange(EMBED_DIM, dtype=jnp.float32)[None, :]
    angle = pos / (10000.0 ** (j / float(EMBED_DIM)))
    even_mask = (jnp.arange(EMBED_DIM)[None, :] % 2) == 0
    pe = jnp.where(even_mask, jnp.sin(angle), jnp.cos(angle))
    return pe[None, :, :]  # [1, max_len, embed_dim]


def setup_inputs(seed: int = 0) -> dict:
    key = jax.random.key(seed)
    k1, k2 = jax.random.split(key)
    x = jax.random.randint(k1, (BATCH, MAX_LEN), 0, NUM_CLASSES, dtype=jnp.int64 if jax.config.jax_enable_x64 else jnp.int32)
    embed_weight = jax.random.normal(k2, (NUM_CLASSES, EMBED_DIM), dtype=jnp.float32) * 0.1
    return {"x": x, "embed_weight": embed_weight}


def reference(x, embed_weight):
    embed = jnp.take(embed_weight, x, axis=0)  # [B, max_len, embed_dim]
    embed = embed + _make_pe()
    return embed

if __name__ == "__main__":
    import jax
    _d = setup_inputs()
    print(jax.jit(kernel)(*tuple(_d.values())))

</pallas_src>

<mosaic_0001>
#map = affine_map<(d0, d1) -> (0, 0)>
#map1 = affine_map<(d0, d1) -> (0, 0, 0)>
module attributes {stable_mosaic.version = 14 : i64} {
  func.func @_body(%arg0: i32, %arg1: i32, %arg2: memref<8192x100xi32, #tpu.memory_space<hbm>>, %arg3: memref<200x128xf32, #tpu.memory_space<hbm>>, %arg4: memref<100000x128xf32, #tpu.memory_space<hbm>>, %arg5: memref<8192x100x128xf32, #tpu.memory_space<hbm>>, %arg6: memref<200x128xf32, #tpu.memory_space<vmem>>, %arg7: memref<256x100xi32, #tpu.memory_space<vmem>>, %arg8: memref<100x128xf32, #tpu.memory_space<vmem>>, %arg9: memref<100x128xf32, #tpu.memory_space<vmem>>, %arg10: memref<100x128xf32, #tpu.memory_space<vmem>>, %arg11: memref<100x128xf32, #tpu.memory_space<vmem>>, %arg12: memref<!tpu.dma_semaphore, #tpu.memory_space<semaphore_mem>>, %arg13: memref<!tpu.dma_semaphore, #tpu.memory_space<semaphore_mem>>, %arg14: memref<!tpu.dma_semaphore, #tpu.memory_space<semaphore_mem>>, %arg15: memref<!tpu.dma_semaphore, #tpu.memory_space<semaphore_mem>>, %arg16: memref<!tpu.dma_semaphore, #tpu.memory_space<semaphore_mem>>, %arg17: memref<!tpu.dma_semaphore, #tpu.memory_space<semaphore_mem>>, %arg18: memref<!tpu.dma_semaphore, #tpu.memory_space<semaphore_mem>>, %arg19: memref<!tpu.dma_semaphore, #tpu.memory_space<semaphore_mem>>) attributes {dimension_semantics = [#tpu.dimension_semantics<core_parallel>, #tpu.dimension_semantics<subcore_parallel>], iteration_bounds = array<i64: 2, 16>, scalar_prefetch = 0 : i64, scratch_operands = 14 : i64, tpu.core_type = #tpu.core_type<sc_vector_subcore>, window_params = [{transform_indices = #map}, {transform_indices = #map}, {transform_indices = #map}, {transform_indices = #map1}]} {
    %mul3A = arith.constant 2 : i32
    %mul3A_0 = arith.muli %arg1, %mul3A : i32
    %add3A = arith.addi %mul3A_0, %arg0 : i32
    %mul3A_1 = arith.constant 256 : i32
    %mul3A_2 = arith.muli %add3A, %mul3A_1 : i32
    "tpu.region"() ({
      %run_scoped3A = tpu.sem_alloc : memref<!tpu.dma_semaphore, #tpu.memory_space<semaphore_mem>>
      tpu.enqueue_dma source(%arg3 : memref<200x128xf32, #tpu.memory_space<hbm>>) target(%arg6 : memref<200x128xf32, #tpu.memory_space<vmem>>) target_semaphore(%run_scoped3A : memref<!tpu.dma_semaphore, #tpu.memory_space<semaphore_mem>>)
      tpu.wait_dma2 semaphore(%run_scoped3A : memref<!tpu.dma_semaphore, #tpu.memory_space<semaphore_mem>>) src(%arg3 : memref<200x128xf32, #tpu.memory_space<hbm>>) dst(%arg6 : memref<200x128xf32, #tpu.memory_space<vmem>>)
      tpu.yield
    }) : () -> ()
    "tpu.region"() ({
      %run_scoped3A = tpu.sem_alloc : memref<!tpu.dma_semaphore, #tpu.memory_space<semaphore_mem>>
      %dma_start3A_63 = arith.constant 0 : i32
      %dma_start3A_64 = tpu.memref_slice %arg2[%mul3A_2, %dma_start3A_63] : memref<8192x100xi32, #tpu.memory_space<hbm>> -> memref<256x100xi32, #tpu.memory_space<hbm>>
      %dma_start3A_65 = arith.constant 0 : i32
      %dma_start3A_66 = tpu.memref_slice %arg2[%mul3A_2, %dma_start3A_65] : memref<8192x100xi32, #tpu.memory_space<hbm>> -> memref<256x100xi32, #tpu.memory_space<hbm>>
      tpu.enqueue_dma source(%dma_start3A_66 : memref<256x100xi32, #tpu.memory_space<hbm>>) target(%arg7 : memref<256x100xi32, #tpu.memory_space<vmem>>) target_semaphore(%run_scoped3A : memref<!tpu.dma_semaphore, #tpu.memory_space<semaphore_mem>>)
      %dma_wait3A_67 = arith.constant 0 : i32
      %dma_wait3A_68 = tpu.memref_slice %arg2[%mul3A_2, %dma_wait3A_67] : memref<8192x100xi32, #tpu.memory_space<hbm>> -> memref<256x100xi32, #tpu.memory_space<hbm>>
      %dma_wait3A_69 = arith.constant 0 : i32
      %dma_wait3A_70 = tpu.memref_slice %arg2[%mul3A_2, %dma_wait3A_69] : memref<8192x100xi32, #tpu.memory_space<hbm>> -> memref<256x100xi32, #tpu.memory_space<hbm>>
      tpu.wait_dma2 semaphore(%run_scoped3A : memref<!tpu.dma_semaphore, #tpu.memory_space<semaphore_mem>>) src(%dma_wait3A_70 : memref<256x100xi32, #tpu.memory_space<hbm>>) dst(%arg7 : memref<256x100xi32, #tpu.memory_space<vmem>>)
      tpu.yield
    }) : () -> ()
    %dma_start3A = arith.constant 0 : i32
    %dma_start3A_3 = arith.constant 0 : i32
    %dma_start3A_4 = tpu.memref_slice %arg7[%dma_start3A, %dma_start3A_3] : memref<256x100xi32, #tpu.memory_space<vmem>> -> memref<1x100xi32, #tpu.memory_space<vmem>>
    %dma_start3A_5 = tpu.memref_squeeze %dma_start3A_4 : memref<1x100xi32, #tpu.memory_space<vmem>> -> memref<100xi32, #tpu.memory_space<vmem>>
    %dma_start3A_6 = arith.constant 0 : i32
    %dma_start3A_7 = arith.constant 0 : i32
    %dma_start3A_8 = tpu.memref_slice %arg4[%dma_start3A_6, %dma_start3A_7] : memref<100000x128xf32, #tpu.memory_space<hbm>> -> memref<100000x128xf32, #tpu.memory_space<hbm>>
    tpu.enqueue_indirect_dma source(%dma_start3A_8 : memref<100000x128xf32, #tpu.memory_space<hbm>>) target(%arg8 : memref<100x128xf32, #tpu.memory_space<vmem>>) offsets(%dma_start3A_5 : memref<100xi32, #tpu.memory_space<vmem>>) semaphore(%arg12 : memref<!tpu.dma_semaphore, #tpu.memory_space<semaphore_mem>>)
    %dma_start3A_9 = arith.constant 1 : i32
    %dma_start3A_10 = arith.constant 0 : i32
    %dma_start3A_11 = tpu.memref_slice %arg7[%dma_start3A_9, %dma_start3A_10] : memref<256x100xi32, #tpu.memory_space<vmem>> -> memref<1x100xi32, #tpu.memory_space<vmem>>
    %dma_start3A_12 = tpu.memref_squeeze %dma_start3A_11 : memref<1x100xi32, #tpu.memory_space<vmem>> -> memref<100xi32, #tpu.memory_space<vmem>>
    %dma_start3A_13 = arith.constant 0 : i32
    %dma_start3A_14 = arith.constant 0 : i32
    %dma_start3A_15 = tpu.memref_slice %arg4[%dma_start3A_13, %dma_start3A_14] : memref<100000x128xf32, #tpu.memory_space<hbm>> -> memref<100000x128xf32, #tpu.memory_space<hbm>>
    tpu.enqueue_indirect_dma source(%dma_start3A_15 : memref<100000x128xf32, #tpu.memory_space<hbm>>) target(%arg9 : memref<100x128xf32, #tpu.memory_space<vmem>>) offsets(%dma_start3A_12 : memref<100xi32, #tpu.memory_space<vmem>>) semaphore(%arg13 : memref<!tpu.dma_semaphore, #tpu.memory_space<semaphore_mem>>)
    %dma_start3A_16 = arith.constant 2 : i32
    %dma_start3A_17 = arith.constant 0 : i32
    %dma_start3A_18 = tpu.memref_slice %arg7[%dma_start3A_16, %dma_start3A_17] : memref<256x100xi32, #tpu.memory_space<vmem>> -> memref<1x100xi32, #tpu.memory_space<vmem>>
    %dma_start3A_19 = tpu.memref_squeeze %dma_start3A_18 : memref<1x100xi32, #tpu.memory_space<vmem>> -> memref<100xi32, #tpu.memory_space<vmem>>
    %dma_start3A_20 = arith.constant 0 : i32
    %dma_start3A_21 = arith.constant 0 : i32
    %dma_start3A_22 = tpu.memref_slice %arg4[%dma_start3A_20, %dma_start3A_21] : memref<100000x128xf32, #tpu.memory_space<hbm>> -> memref<100000x128xf32, #tpu.memory_space<hbm>>
    tpu.enqueue_indirect_dma source(%dma_start3A_22 : memref<100000x128xf32, #tpu.memory_space<hbm>>) target(%arg10 : memref<100x128xf32, #tpu.memory_space<vmem>>) offsets(%dma_start3A_19 : memref<100xi32, #tpu.memory_space<vmem>>) semaphore(%arg14 : memref<!tpu.dma_semaphore, #tpu.memory_space<semaphore_mem>>)
    %scan3A = arith.constant 0 : i32
    %scan3A_23 = arith.constant 0 : i32
    %scan3A_24 = arith.constant 64 : i32
    %scan3A_25 = arith.addi %scan3A_23, %scan3A_24 : i32
    %scan3A_26 = arith.constant 1 : i32
    scf.for %scan3A_63 = %scan3A_23 to %scan3A_25 step %scan3A_26  : i32 {
      %mul3A_64 = arith.constant 4 : i32
      %mul3A_65 = arith.muli %mul3A_64, %scan3A_63 : i32
      %add3A_66 = arith.constant 0 : i32
      %add3A_67 = arith.addi %mul3A_65, %add3A_66 : i32
      %dma_wait3A_68 = arith.constant 0 : i32
      %dma_wait3A_69 = arith.constant 0 : i32
      %dma_wait3A_70 = arith.constant 0 : i32
      %dma_wait3A_71 = tpu.memref_slice %arg5[%dma_wait3A_68, %dma_wait3A_69, %dma_wait3A_70] : memref<8192x100x128xf32, #tpu.memory_space<hbm>> -> memref<1x100x128xf32, #tpu.memory_space<hbm>>
      %dma_wait3A_72 = tpu.memref_squeeze %dma_wait3A_71 : memref<1x100x128xf32, #tpu.memory_space<hbm>> -> memref<100x128xf32, #tpu.memory_space<hbm>>
      %dma_wait3A_73 = arith.constant 0 : i32
      %dma_wait3A_74 = arith.constant 0 : i32
      %dma_wait3A_75 = tpu.memref_slice %arg5[%dma_wait3A_68, %dma_wait3A_73, %dma_wait3A_74] : memref<8192x100x128xf32, #tpu.memory_space<hbm>> -> memref<1x100x128xf32, #tpu.memory_space<hbm>>
      %dma_wait3A_76 = tpu.memref_squeeze %dma_wait3A_75 : memref<1x100x128xf32, #tpu.memory_space<hbm>> -> memref<100x128xf32, #tpu.memory_space<hbm>>
      tpu.wait_dma2 semaphore(%arg12 : memref<!tpu.dma_semaphore, #tpu.memory_space<semaphore_mem>>) src(%dma_wait3A_76 : memref<100x128xf32, #tpu.memory_space<hbm>>) dst(%arg8 : memref<100x128xf32, #tpu.memory_space<vmem>>)
      %rem3A = arith.constant 2 : i32
      %rem3A_77 = arith.remsi %add3A_67, %rem3A : i32
      %mul3A_78 = arith.constant 100 : i32
      %mul3A_79 = arith.muli %rem3A_77, %mul3A_78 : i32
      %scan3A_80 = arith.constant 0 : i32
      %scan3A_81 = arith.constant 0 : i32
      %scan3A_82 = arith.constant 100 : i32
      %scan3A_83 = arith.addi %scan3A_81, %scan3A_82 : i32
      %scan3A_84 = arith.constant 4 : i32
      scf.for %scan3A_208 = %scan3A_81 to %scan3A_83 step %scan3A_84  : i32 {
        %add3A_209 = arith.addi %mul3A_79, %scan3A_208 : i32
        %get3A = arith.index_cast %add3A_209 : i32 to index
        %get3A_210 = arith.constant 0 : index
        %get3A_211 = tpu.vector_load %arg6[%get3A, %get3A_210] {strides = array<i32>} : memref<200x128xf32, #tpu.memory_space<vmem>>, vector<1x16xf32>,
        %get3A_212 = vector.shape_cast %get3A_211 : vector<1x16xf32> to vector<16xf32>
        %swap3A = arith.index_cast %scan3A_208 : i32 to index
        %swap3A_213 = arith.constant 0 : index
        %swap3A_214 = tpu.vector_load %arg8[%swap3A, %swap3A_213] {strides = array<i32>} : memref<100x128xf32, #tpu.memory_space<vmem>>, vector<1x16xf32>,
        %swap3A_215 = vector.shape_cast %swap3A_214 : vector<1x16xf32> to vector<16xf32>
        %swap3A_216 = vector.shape_cast %get3A_212 : vector<16xf32> to vector<1x16xf32>
        tpu.vector_store %arg8[%swap3A, %swap3A_213], %swap3A_216 {add = true, strides = array<i32>} : memref<100x128xf32, #tpu.memory_space<vmem>>, vector<1x16xf32>,
        %add3A_217 = arith.addi %mul3A_79, %scan3A_208 : i32
        %get3A_218 = arith.index_cast %add3A_217 : i32 to index
        %get3A_219 = arith.constant 16 : index
        %get3A_220 = tpu.vector_load %arg6[%get3A_218, %get3A_219] {strides = array<i32>} : memref<200x128xf32, #tpu.memory_space<vmem>>, vector<1x16xf32>,
        %get3A_221 = vector.shape_cast %get3A_220 : vector<1x16xf32> to vector<16xf32>
        %swap3A_222 = arith.index_cast %scan3A_208 : i32 to index
        %swap3A_223 = arith.constant 16 : index
        %swap3A_224 = tpu.vector_load %arg8[%swap3A_222, %swap3A_223] {strides = array<i32>} : memref<100x128xf32, #tpu.memory_space<vmem>>, vector<1x16xf32>,
        %swap3A_225 = vector.shape_cast %swap3A_224 : vector<1x16xf32> to vector<16xf32>
        %swap3A_226 = vector.shape_cast %get3A_221 : vector<16xf32> to vector<1x16xf32>
        tpu.vector_store %arg8[%swap3A_222, %swap3A_223], %swap3A_226 {add = true, strides = array<i32>} : memref<100x128xf32, #tpu.memory_space<vmem>>, vector<1x16xf32>,
        %add3A_227 = arith.addi %mul3A_79, %scan3A_208 : i32
        %get3A_228 = arith.index_cast %add3A_227 : i32 to index
        %get3A_229 = arith.constant 32 : index
        %get3A_230 = tpu.vector_load %arg6[%get3A_228, %get3A_229] {strides = array<i32>} : memref<200x128xf32, #tpu.memory_space<vmem>>, vector<1x16xf32>,
        %get3A_231 = vector.shape_cast %get3A_230 : vector<1x16xf32> to vector<16xf32>
        %swap3A_232 = arith.index_cast %scan3A_208 : i32 to index
        %swap3A_233 = arith.constant 32 : index
        %swap3A_234 = tpu.vector_load %arg8[%swap3A_232, %swap3A_233] {strides = array<i32>} : memref<100x128xf32, #tpu.memory_space<vmem>>, vector<1x16xf32>,
        %swap3A_235 = vector.shape_cast %swap3A_234 : vector<1x16xf32> to vector<16xf32>
        %swap3A_236 = vector.shape_cast %get3A_231 : vector<16xf32> to vector<1x16xf32>
        tpu.vector_store %arg8[%swap3A_232, %swap3A_233], %swap3A_236 {add = true, strides = array<i32>} : memref<100x128xf32, #tpu.memory_space<vmem>>, vector<1x16xf32>,
        %add3A_237 = arith.addi %mul3A_79, %scan3A_208 : i32
        %get3A_238 = arith.index_cast %add3A_237 : i32 to index
        %get3A_239 = arith.constant 48 : index
        %get3A_240 = tpu.vector_load %arg6[%get3A_238, %get3A_239] {strides = array<i32>} : memref<200x128xf32, #tpu.memory_space<vmem>>, vector<1x16xf32>,
        %get3A_241 = vector.shape_cast %get3A_240 : vector<1x16xf32> to vector<16xf32>
        %swap3A_242 = arith.index_cast %scan3A_208 : i32 to index
        %swap3A_243 = arith.constant 48 : index
        %swap3A_244 = tpu.vector_load %arg8[%swap3A_242, %swap3A_243] {strides = array<i32>} : memref<100x128xf32, #tpu.memory_space<vmem>>, vector<1x16xf32>,
        %swap3A_245 = vector.shape_cast %swap3A_244 : vector<1x16xf32> to vector<16xf32>
        %swap3A_246 = vector.shape_cast %get3A_241 : vector<16xf32> to vector<1x16xf32>
        tpu.vector_store %arg8[%swap3A_242, %swap3A_243], %swap3A_246 {add = true, strides = array<i32>} : memref<100x128xf32, #tpu.memory_space<vmem>>, vector<1x16xf32>,
        %add3A_247 = arith.addi %mul3A_79, %scan3A_208 : i32
        %get3A_248 = arith.index_cast %add3A_247 : i32 to index
        %get3A_249 = arith.constant 64 : index
        %get3A_250 = tpu.vector_load %arg6[%get3A_248, %get3A_249] {strides = array<i32>} : memref<200x128xf32, #tpu.memory_space<vmem>>, vector<1x16xf32>,
        %get3A_251 = vector.shape_cast %get3A_250 : vector<1x16xf32> to vector<16xf32>
        %swap3A_252 = arith.index_cast %scan3A_208 : i32 to index
        %swap3A_253 = arith.constant 64 : index
        %swap3A_254 = tpu.vector_load %arg8[%swap3A_252, %swap3A_253] {strides = array<i32>} : memref<100x128xf32, #tpu.memory_space<vmem>>, vector<1x16xf32>,
        %swap3A_255 = vector.shape_cast %swap3A_254 : vector<1x16xf32> to vector<16xf32>
        %swap3A_256 = vector.shape_cast %get3A_251 : vector<16xf32> to vector<1x16xf32>
        tpu.vector_store %arg8[%swap3A_252, %swap3A_253], %swap3A_256 {add = true, strides = array<i32>} : memref<100x128xf32, #tpu.memory_space<vmem>>, vector<1x16xf32>,
        %add3A_257 = arith.addi %mul3A_79, %scan3A_208 : i32
        %get3A_258 = arith.index_cast %add3A_257 : i32 to index
        %get3A_259 = arith.constant 80 : index
        %get3A_260 = tpu.vector_load %arg6[%get3A_258, %get3A_259] {strides = array<i32>} : memref<200x128xf32, #tpu.memory_space<vmem>>, vector<1x16xf32>,
        %get3A_261 = vector.shape_cast %get3A_260 : vector<1x16xf32> to vector<16xf32>
        %swap3A_262 = arith.index_cast %scan3A_208 : i32 to index
        %swap3A_263 = arith.constant 80 : index
        %swap3A_264 = tpu.vector_load %arg8[%swap3A_262, %swap3A_263] {strides = array<i32>} : memref<100x128xf32, #tpu.memory_space<vmem>>, vector<1x16xf32>,
        %swap3A_265 = vector.shape_cast %swap3A_264 : vector<1x16xf32> to vector<16xf32>
        %swap3A_266 = vector.shape_cast %get3A_261 : vector<16xf32> to vector<1x16xf32>
        tpu.vector_store %arg8[%swap3A_262, %swap3A_263], %swap3A_266 {add = true, strides = array<i32>} : memref<100x128xf32, #tpu.memory_space<vmem>>, vector<1x16xf32>,
        %add3A_267 = arith.addi %mul3A_79, %scan3A_208 : i32
        %get3A_268 = arith.index_cast %add3A_267 : i32 to index
        %get3A_269 = arith.constant 96 : index
        %get3A_270 = tpu.vector_load %arg6[%get3A_268, %get3A_269] {strides = array<i32>} : memref<200x128xf32, #tpu.memory_space<vmem>>, vector<1x16xf32>,
        %get3A_271 = vector.shape_cast %get3A_270 : vector<1x16xf32> to vector<16xf32>
        %swap3A_272 = arith.index_cast %scan3A_208 : i32 to index
        %swap3A_273 = arith.constant 96 : index
        %swap3A_274 = tpu.vector_load %arg8[%swap3A_272, %swap3A_273] {strides = array<i32>} : memref<100x128xf32, #tpu.memory_space<vmem>>, vector<1x16xf32>,
        %swap3A_275 = vector.shape_cast %swap3A_274 : vector<1x16xf32> to vector<16xf32>
        %swap3A_276 = vector.shape_cast %get3A_271 : vector<16xf32> to vector<1x16xf32>
        tpu.vector_store %arg8[%swap3A_272, %swap3A_273], %swap3A_276 {add = true, strides = array<i32>} : memref<100x128xf32, #tpu.memory_space<vmem>>, vector<1x16xf32>,
        %add3A_277 = arith.addi %mul3A_79, %scan3A_208 : i32
        %get3A_278 = arith.index_cast %add3A_277 : i32 to index
        %get3A_279 = arith.constant 112 : index
        %get3A_280 = tpu.vector_load %arg6[%get3A_278, %get3A_279] {strides = array<i32>} : memref<200x128xf32, #tpu.memory_space<vmem>>, vector<1x16xf32>,
        %get3A_281 = vector.shape_cast %get3A_280 : vector<1x16xf32> to vector<16xf32>
        %swap3A_282 = arith.index_cast %scan3A_208 : i32 to index
        %swap3A_283 = arith.constant 112 : index
        %swap3A_284 = tpu.vector_load %arg8[%swap3A_282, %swap3A_283] {strides = array<i32>} : memref<100x128xf32, #tpu.memory_space<vmem>>, vector<1x16xf32>,
        %swap3A_285 = vector.shape_cast %swap3A_284 : vector<1x16xf32> to vector<16xf32>
        %swap3A_286 = vector.shape_cast %get3A_281 : vector<16xf32> to vector<1x16xf32>
        tpu.vector_store %arg8[%swap3A_282, %swap3A_283], %swap3A_286 {add = true, strides = array<i32>} : memref<100x128xf32, #tpu.memory_space<vmem>>, vector<1x16xf32>,
        %scan3A_287 = arith.constant 1 : i32
        %scan3A_288 = arith.addi %scan3A_208, %scan3A_287 : i32
        %add3A_289 = arith.addi %mul3A_79, %scan3A_288 : i32
        %get3A_290 = arith.index_cast %add3A_289 : i32 to index
        %get3A_291 = arith.constant 0 : index
        %get3A_292 = tpu.vector_load %arg6[%get3A_290, %get3A_291] {strides = array<i32>} : memref<200x128xf32, #tpu.memory_space<vmem>>, vector<1x16xf32>,
        %get3A_293 = vector.shape_cast %get3A_292 : vector<1x16xf32> to vector<16xf32>
        %swap3A_294 = arith.index_cast %scan3A_288 : i32 to index
        %swap3A_295 = arith.constant 0 : index
        %swap3A_296 = tpu.vector_load %arg8[%swap3A_294, %swap3A_295] {strides = array<i32>} : memref<100x128xf32, #tpu.memory_space<vmem>>, vector<1x16xf32>,
        %swap3A_297 = vector.shape_cast %swap3A_296 : vector<1x16xf32> to vector<16xf32>
        %swap3A_298 = vector.shape_cast %get3A_293 : vector<16xf32> to vector<1x16xf32>
        tpu.vector_store %arg8[%swap3A_294, %swap3A_295], %swap3A_298 {add = true, strides = array<i32>} : memref<100x128xf32, #tpu.memory_space<vmem>>, vector<1x16xf32>,
        %add3A_299 = arith.addi %mul3A_79, %scan3A_288 : i32
        %get3A_300 = arith.index_cast %add3A_299 : i32 to index
        %get3A_301 = arith.constant 16 : index
        %get3A_302 = tpu.vector_load %arg6[%get3A_300, %get3A_301] {strides = array<i32>} : memref<200x128xf32, #tpu.memory_space<vmem>>, vector<1x16xf32>,
        %get3A_303 = vector.shape_cast %get3A_302 : vector<1x16xf32> to vector<16xf32>
        %swap3A_304 = arith.index_cast %scan3A_288 : i32 to index
        %swap3A_305 = arith.constant 16 : index
        %swap3A_306 = tpu.vector_load %arg8[%swap3A_304, %swap3A_305] {strides = array<i32>} : memref<100x128xf32, #tpu.memory_space<vmem>>, vector<1x16xf32>,
        %swap3A_307 = vector.shape_cast %swap3A_306 : vector<1x16xf32> to vector<16xf32>
        %swap3A_308 = vector.shape_cast %get3A_303 : vector<16xf32> to vector<1x16xf32>
        tpu.vector_store %arg8[%swap3A_304, %swap3A_305], %swap3A_308 {add = true, strides = array<i32>} : memref<100x128xf32, #tpu.memory_space<vmem>>, vector<1x16xf32>,
        %add3A_309 = arith.addi %mul3A_79, %scan3A_288 : i32
        %get3A_310 = arith.index_cast %add3A_309 : i32 to index
        %get3A_311 = arith.constant 32 : index
        %get3A_312 = tpu.vector_load %arg6[%get3A_310, %get3A_311] {strides = array<i32>} : memref<200x128xf32, #tpu.memory_space<vmem>>, vector<1x16xf32>,
        %get3A_313 = vector.shape_cast %get3A_312 : vector<1x16xf32> to vector<16xf32>
        %swap3A_314 = arith.index_cast %scan3A_288 : i32 to index
        %swap3A_315 = arith.constant 32 : index
        %swap3A_316 = tpu.vector_load %arg8[%swap3A_314, %swap3A_315] {strides = array<i32>} : memref<100x128xf32, #tpu.memory_space<vmem>>, vector<1x16xf32>,
        %swap3A_317 = vector.shape_cast %swap3A_316 : vector<1x16xf32> to vector<16xf32>
        %swap3A_318 = vector.shape_cast %get3A_313 : vector<16xf32> to vector<1x16xf32>
        tpu.vector_store %arg8[%swap3A_314, %swap3A_315], %swap3A_318 {add = true, strides = array<i32>} : memref<100x128xf32, #tpu.memory_space<vmem>>, vector<1x16xf32>,
        %add3A_319 = arith.addi %mul3A_79, %scan3A_288 : i32
        %get3A_320 = arith.index_cast %add3A_319 : i32 to index
        %get3A_321 = arith.constant 48 : index
        %get3A_322 = tpu.vector_load %arg6[%get3A_320, %get3A_321] {strides = array<i32>} : memref<200x128xf32, #tpu.memory_space<vmem>>, vector<1x16xf32>,
        %get3A_323 = vector.shape_cast %get3A_322 : vector<1x16xf32> to vector<16xf32>
        %swap3A_324 = arith.index_cast %scan3A_288 : i32 to index
        %swap3A_325 = arith.constant 48 : index
        %swap3A_326 = tpu.vector_load %arg8[%swap3A_324, %swap3A_325] {strides = array<i32>} : memref<100x128xf32, #tpu.memory_space<vmem>>, vector<1x16xf32>,
        %swap3A_327 = vector.shape_cast %swap3A_326 : vector<1x16xf32> to vector<16xf32>
        %swap3A_328 = vector.shape_cast %get3A_323 : vector<16xf32> to vector<1x16xf32>
        tpu.vector_store %arg8[%swap3A_324, %swap3A_325], %swap3A_328 {add = true, strides = array<i32>} : memref<100x128xf32, #tpu.memory_space<vmem>>, vector<1x16xf32>,
        %add3A_329 = arith.addi %mul3A_79, %scan3A_288 : i32
        %get3A_330 = arith.index_cast %add3A_329 : i32 to index
        %get3A_331 = arith.constant 64 : index
        %get3A_332 = tpu.vector_load %arg6[%get3A_330, %get3A_331] {strides = array<i32>} : memref<200x128xf32, #tpu.memory_space<vmem>>, vector<1x16xf32>,
        %get3A_333 = vector.shape_cast %get3A_332 : vector<1x16xf32> to vector<16xf32>
        %swap3A_334 = arith.index_cast %scan3A_288 : i32 to index
        %swap3A_335 = arith.constant 64 : index
        %swap3A_336 = tpu.vector_load %arg8[%swap3A_334, %swap3A_335] {strides = array<i32>} : memref<100x128xf32, #tpu.memory_space<vmem>>, vector<1x16xf32>,
        %swap3A_337 = vector.shape_cast %swap3A_336 : vector<1x16xf32> to vector<16xf32>
        %swap3A_338 = vector.shape_cast %get3A_333 : vector<16xf32> to vector<1x16xf32>
        tpu.vector_store %arg8[%swap3A_334, %swap3A_335], %swap3A_338 {add = true, strides = array<i32>} : memref<100x128xf32, #tpu.memory_space<vmem>>, vector<1x16xf32>,
        %add3A_339 = arith.addi %mul3A_79, %scan3A_288 : i32
        %get3A_340 = arith.index_cast %add3A_339 : i32 to index
        %get3A_341 = arith.constant 80 : index
        %get3A_342 = tpu.vector_load %arg6[%get3A_340, %get3A_341] {strides = array<i32>} : memref<200x128xf32, #tpu.memory_space<vmem>>, vector<1x16xf32>,
        %get3A_343 = vector.shape_cast %get3A_342 : vector<1x16xf32> to vector<16xf32>
        %swap3A_344 = arith.index_cast %scan3A_288 : i32 to index
        %swap3A_345 = arith.constant 80 : index
        %swap3A_346 = tpu.vector_load %arg8[%swap3A_344, %swap3A_345] {strides = array<i32>} : memref<100x128xf32, #tpu.memory_space<vmem>>, vector<1x16xf32>,
        %swap3A_347 = vector.shape_cast %swap3A_346 : vector<1x16xf32> to vector<16xf32>
        %swap3A_348 = vector.shape_cast %get3A_343 : vector<16xf32> to vector<1x16xf32>
        tpu.vector_store %arg8[%swap3A_344, %swap3A_345], %swap3A_348 {add = true, strides = array<i32>} : memref<100x128xf32, #tpu.memory_space<vmem>>, vector<1x16xf32>,
        %add3A_349 = arith.addi %mul3A_79, %scan3A_288 : i32
        %get3A_350 = arith.index_cast %add3A_349 : i32 to index
        %get3A_351 = arith.constant 96 : index
        %get3A_352 = tpu.vector_load %arg6[%get3A_350, %get3A_351] {strides = array<i32>} : memref<200x128xf32, #tpu.memory_space<vmem>>, vector<1x16xf32>,
        %get3A_353 = vector.shape_cast %get3A_352 : vector<1x16xf32> to vector<16xf32>
        %swap3A_354 = arith.index_cast %scan3A_288 : i32 to index
        %swap3A_355 = arith.constant 96 : index
        %swap3A_356 = tpu.vector_load %arg8[%swap3A_354, %swap3A_355] {strides = array<i32>} : memref<100x128xf32, #tpu.memory_space<vmem>>, vector<1x16xf32>,
        %swap3A_357 = vector.shape_cast %swap3A_356 : vector<1x16xf32> to vector<16xf32>
        %swap3A_358 = vector.shape_cast %get3A_353 : vector<16xf32> to vector<1x16xf32>
        tpu.vector_store %arg8[%swap3A_354, %swap3A_355], %swap3A_358 {add = true, strides = array<i32>} : memref<100x128xf32, #tpu.memory_space<vmem>>, vector<1x16xf32>,
        %add3A_359 = arith.addi %mul3A_79, %scan3A_288 : i32
        %get3A_360 = arith.index_cast %add3A_359 : i32 to index
        %get3A_361 = arith.constant 112 : index
        %get3A_362 = tpu.vector_load %arg6[%get3A_360, %get3A_361] {strides = array<i32>} : memref<200x128xf32, #tpu.memory_space<vmem>>, vector<1x16xf32>,
        %get3A_363 = vector.shape_cast %get3A_362 : vector<1x16xf32> to vector<16xf32>
        %swap3A_364 = arith.index_cast %scan3A_288 : i32 to index
        %swap3A_365 = arith.constant 112 : index
        %swap3A_366 = tpu.vector_load %arg8[%swap3A_364, %swap3A_365] {strides = array<i32>} : memref<100x128xf32, #tpu.memory_space<vmem>>, vector<1x16xf32>,
        %swap3A_367 = vector.shape_cast %swap3A_366 : vector<1x16xf32> to vector<16xf32>
        %swap3A_368 = vector.shape_cast %get3A_363 : vector<16xf32> to vector<1x16xf32>
        tpu.vector_store %arg8[%swap3A_364, %swap3A_365], %swap3A_368 {add = true, strides = array<i32>} : memref<100x128xf32, #tpu.memory_space<vmem>>, vector<1x16xf32>,
        %scan3A_369 = arith.constant 2 : i32
        %scan3A_370 = arith.addi %scan3A_208, %scan3A_369 : i32
        %add3A_371 = arith.addi %mul3A_79, %scan3A_370 : i32
        %get3A_372 = arith.index_cast %add3A_371 : i32 to index
        %get3A_373 = arith.constant 0 : index
        %get3A_374 = tpu.vector_load %arg6[%get3A_372, %get3A_373] {strides = array<i32>} : memref<200x128xf32, #tpu.memory_space<vmem>>, vector<1x16xf32>,
        %get3A_375 = vector.shape_cast %get3A_374 : vector<1x16xf32> to vector<16xf32>
        %swap3A_376 = arith.index_cast %scan3A_370 : i32 to index
        %swap3A_377 = arith.constant 0 : index
        %swap3A_378 = tpu.vector_load %arg8[%swap3A_376, %swap3A_377] {strides = array<i32>} : memref<100x128xf32, #tpu.memory_space<vmem>>, vector<1x16xf32>,
        %swap3A_379 = vector.shape_cast %swap3A_378 : vector<1x16xf32> to vector<16xf32>
        %swap3A_380 = vector.shape_cast %get3A_375 : vector<16xf32> to vector<1x16xf32>
        tpu.vector_store %arg8[%swap3A_376, %swap3A_377], %swap3A_380 {add = true, strides = array<i32>} : memref<100x128xf32, #tpu.memory_space<vmem>>, vector<1x16xf32>,
        %add3A_381 = arith.addi %mul3A_79, %scan3A_370 : i32
        %get3A_382 = arith.index_cast %add3A_381 : i32 to index
        %get3A_383 = arith.constant 16 : index
        %get3A_384 = tpu.vector_load %arg6[%get3A_382, %get3A_383] {strides = array<i32>} : memref<200x128xf32, #tpu.memory_space<vmem>>, vector<1x16xf32>,
        %get3A_385 = vector.shape_cast %get3A_384 : vector<1x16xf32> to vector<16xf32>
        %swap3A_386 = arith.index_cast %scan3A_370 : i32 to index
        %swap3A_387 = arith.constant 16 : index
        %swap3A_388 = tpu.vector_load %arg8[%swap3A_386, %swap3A_387] {strides = array<i32>} : memref<100x128xf32, #tpu.memory_space<vmem>>, vector<1x16xf32>,
        %swap3A_389 = vector.shape_cast %swap3A_388 : vector<1x16xf32> to vector<16xf32>
        %swap3A_390 = vector.shape_cast %get3A_385 : vector<16xf32> to vector<1x16xf32>
        tpu.vector_store %arg8[%swap3A_386, %swap3A_387], %swap3A_390 {add = true, strides = array<i32>} : memref<100x128xf32, #tpu.memory_space<vmem>>, vector<1x16xf32>,
        %add3A_391 = arith.addi %mul3A_79, %scan3A_370 : i32
        %get3A_392 = arith.index_cast %add3A_391 : i32 to index
        %get3A_393 = arith.constant 32 : index
        %get3A_394 = tpu.vector_load %arg6[%get3A_392, %get3A_393] {strides = array<i32>} : memref<200x128xf32, #tpu.memory_space<vmem>>, vector<1x16xf32>,
        %get3A_395 = vector.shape_cast %get3A_394 : vector<1x16xf32> to vector<16xf32>
        %swap3A_396 = arith.index_cast %scan3A_370 : i32 to index
        %swap3A_397 = arith.constant 32 : index
        %swap3A_398 = tpu.vector_load %arg8[%swap3A_396, %swap3A_397] {strides = array<i32>} : memref<100x128xf32, #tpu.memory_space<vmem>>, vector<1x16xf32>,
        %swap3A_399 = vector.shape_cast %swap3A_398 : vector<1x16xf32> to vector<16xf32>
        %swap3A_400 = vector.shape_cast %get3A_395 : vector<16xf32> to vector<1x16xf32>
        tpu.vector_store %arg8[%swap3A_396, %swap3A_397], %swap3A_400 {add = true, strides = array<i32>} : memref<100x128xf32, #tpu.memory_space<vmem>>, vector<1x16xf32>,
        %add3A_401 = arith.addi %mul3A_79, %scan3A_370 : i32
        %get3A_402 = arith.index_cast %add3A_401 : i32 to index
        %get3A_403 = arith.constant 48 : index
        %get3A_404 = tpu.vector_load %arg6[%get3A_402, %get3A_403] {strides = array<i32>} : memref<200x128xf32, #tpu.memory_space<vmem>>, vector<1x16xf32>,
        %get3A_405 = vector.shape_cast %get3A_404 : vector<1x16xf32> to vector<16xf32>
        %swap3A_406 = arith.index_cast %scan3A_370 : i32 to index
        %swap3A_407 = arith.constant 48 : index
        %swap3A_408 = tpu.vector_load %arg8[%swap3A_406, %swap3A_407] {strides = array<i32>} : memref<100x128xf32, #tpu.memory_space<vmem>>, vector<1x16xf32>,
        %swap3A_409 = vector.shape_cast %swap3A_408 : vector<1x16xf32> to vector<16xf32>
        %swap3A_410 = vector.shape_cast %get3A_405 : vector<16xf32> to vector<1x16xf32>
        tpu.vector_store %arg8[%swap3A_406, %swap3A_407], %swap3A_410 {add = true, strides = array<i32>} : memref<100x128xf32, #tpu.memory_space<vmem>>, vector<1x16xf32>,
        %add3A_411 = arith.addi %mul3A_79, %scan3A_370 : i32
        %get3A_412 = arith.index_cast %add3A_411 : i32 to index
        %get3A_413 = arith.constant 64 : index
        %get3A_414 = tpu.vector_load %arg6[%get3A_412, %get3A_413] {strides = array<i32>} : memref<200x128xf32, #tpu.memory_space<vmem>>, vector<1x16xf32>,
        %get3A_415 = vector.shape_cast %get3A_414 : vector<1x16xf32> to vector<16xf32>
        %swap3A_416 = arith.index_cast %scan3A_370 : i32 to index
        %swap3A_417 = arith.constant 64 : index
        %swap3A_418 = tpu.vector_load %arg8[%swap3A_416, %swap3A_417] {strides = array<i32>} : memref<100x128xf32, #tpu.memory_space<vmem>>, vector<1x16xf32>,
        %swap3A_419 = vector.shape_cast %swap3A_418 : vector<1x16xf32> to vector<16xf32>
        %swap3A_420 = vector.shape_cast %get3A_415 : vector<16xf32> to vector<1x16xf32>
        tpu.vector_store %arg8[%swap3A_416, %swap3A_417], %swap3A_420 {add = true, strides = array<i32>} : memref<100x128xf32, #tpu.memory_space<vmem>>, vector<1x16xf32>,
        %add3A_421 = arith.addi %mul3A_79, %scan3A_370 : i32
        %get3A_422 = arith.index_cast %add3A_421 : i32 to index
        %get3A_423 = arith.constant 80 : index
        %get3A_424 = tpu.vector_load %arg6[%get3A_422, %get3A_423] {strides = array<i32>} : memref<200x128xf32, #tpu.memory_space<vmem>>, vector<1x16xf32>,
        %get3A_425 = vector.shape_cast %get3A_424 : vector<1x16xf32> to vector<16xf32>
        %swap3A_426 = arith.index_cast %scan3A_370 : i32 to index
        %swap3A_427 = arith.constant 80 : index
        %swap3A_428 = tpu.vector_load %arg8[%swap3A_426, %swap3A_427] {strides = array<i32>} : memref<100x128xf32, #tpu.memory_space<vmem>>, vector<1x16xf32>,
        %swap3A_429 = vector.shape_cast %swap3A_428 : vector<1x16xf32> to vector<16xf32>
        %swap3A_430 = vector.shape_cast %get3A_425 : vector<16xf32> to vector<1x16xf32>
        tpu.vector_store %arg8[%swap3A_426, %swap3A_427], %swap3A_430 {add = true, strides = array<i32>} : memref<100x128xf32, #tpu.memory_space<vmem>>, vector<1x16xf32>,
        %add3A_431 = arith.addi %mul3A_79, %scan3A_370 : i32
        %get3A_432 = arith.index_cast %add3A_431 : i32 to index
        %get3A_433 = arith.constant 96 : index
        %get3A_434 = tpu.vector_load %arg6[%get3A_432, %get3A_433] {strides = array<i32>} : memref<200x128xf32, #tpu.memory_space<vmem>>, vector<1x16xf32>,
        %get3A_435 = vector.shape_cast %get3A_434 : vector<1x16xf32> to vector<16xf32>
        %swap3A_436 = arith.index_cast %scan3A_370 : i32 to index
        %swap3A_437 = arith.constant 96 : index
        %swap3A_438 = tpu.vector_load %arg8[%swap3A_436, %swap3A_437] {strides = array<i32>} : memref<100x128xf32, #tpu.memory_space<vmem>>, vector<1x16xf32>,
        %swap3A_439 = vector.shape_cast %swap3A_438 : vector<1x16xf32> to vector<16xf32>
        %swap3A_440 = vector.shape_cast %get3A_435 : vector<16xf32> to vector<1x16xf32>
        tpu.vector_store %arg8[%swap3A_436, %swap3A_437], %swap3A_440 {add = true, strides = array<i32>} : memref<100x128xf32, #tpu.memory_space<vmem>>, vector<1x16xf32>,
        %add3A_441 = arith.addi %mul3A_79, %scan3A_370 : i32
        %get3A_442 = arith.index_cast %add3A_441 : i32 to index
        %get3A_443 = arith.constant 112 : index
        %get3A_444 = tpu.vector_load %arg6[%get3A_442, %get3A_443] {strides = array<i32>} : memref<200x128xf32, #tpu.memory_space<vmem>>, vector<1x16xf32>,
        %get3A_445 = vector.shape_cast %get3A_444 : vector<1x16xf32> to vector<16xf32>
        %swap3A_446 = arith.index_cast %scan3A_370 : i32 to index
        %swap3A_447 = arith.constant 112 : index
        %swap3A_448 = tpu.vector_load %arg8[%swap3A_446, %swap3A_447] {strides = array<i32>} : memref<100x128xf32, #tpu.memory_space<vmem>>, vector<1x16xf32>,
        %swap3A_449 = vector.shape_cast %swap3A_448 : vector<1x16xf32> to vector<16xf32>
        %swap3A_450 = vector.shape_cast %get3A_445 : vector<16xf32> to vector<1x16xf32>
        tpu.vector_store %arg8[%swap3A_446, %swap3A_447], %swap3A_450 {add = true, strides = array<i32>} : memref<100x128xf32, #tpu.memory_space<vmem>>, vector<1x16xf32>,
        %scan3A_451 = arith.constant 3 : i32
        %scan3A_452 = arith.addi %scan3A_208, %scan3A_451 : i32
        %add3A_453 = arith.addi %mul3A_79, %scan3A_452 : i32
        %get3A_454 = arith.index_cast %add3A_453 : i32 to index
        %get3A_455 = arith.constant 0 : index
        %get3A_456 = tpu.vector_load %arg6[%get3A_454, %get3A_455] {strides = array<i32>} : memref<200x128xf32, #tpu.memory_space<vmem>>, vector<1x16xf32>,
        %get3A_457 = vector.shape_cast %get3A_456 : vector<1x16xf32> to vector<16xf32>
        %swap3A_458 = arith.index_cast %scan3A_452 : i32 to index
        %swap3A_459 = arith.constant 0 : index
        %swap3A_460 = tpu.vector_load %arg8[%swap3A_458, %swap3A_459] {strides = array<i32>} : memref<100x128xf32, #tpu.memory_space<vmem>>, vector<1x16xf32>,
        %swap3A_461 = vector.shape_cast %swap3A_460 : vector<1x16xf32> to vector<16xf32>
        %swap3A_462 = vector.shape_cast %get3A_457 : vector<16xf32> to vector<1x16xf32>
        tpu.vector_store %arg8[%swap3A_458, %swap3A_459], %swap3A_462 {add = true, strides = array<i32>} : memref<100x128xf32, #tpu.memory_space<vmem>>, vector<1x16xf32>,
        %add3A_463 = arith.addi %mul3A_79, %scan3A_452 : i32
        %get3A_464 = arith.index_cast %add3A_463 : i32 to index
        %get3A_465 = arith.constant 16 : index
        %get3A_466 = tpu.vector_load %arg6[%get3A_464, %get3A_465] {strides = array<i32>} : memref<200x128xf32, #tpu.memory_space<vmem>>, vector<1x16xf32>,
        %get3A_467 = vector.shape_cast %get3A_466 : vector<1x16xf32> to vector<16xf32>
        %swap3A_468 = arith.index_cast %scan3A_452 : i32 to index
        %swap3A_469 = arith.constant 16 : index
        %swap3A_470 = tpu.vector_load %arg8[%swap3A_468, %swap3A_469] {strides = array<i32>} : memref<100x128xf32, #tpu.memory_space<vmem>>, vector<1x16xf32>,
        %swap3A_471 = vector.shape_cast %swap3A_470 : vector<1x16xf32> to vector<16xf32>
        %swap3A_472 = vector.shape_cast %get3A_467 : vector<16xf32> to vector<1x16xf32>
        tpu.vector_store %arg8[%swap3A_468, %swap3A_469], %swap3A_472 {add = true, strides = array<i32>} : memref<100x128xf32, #tpu.memory_space<vmem>>, vector<1x16xf32>,
        %add3A_473 = arith.addi %mul3A_79, %scan3A_452 : i32
        %get3A_474 = arith.index_cast %add3A_473 : i32 to index
        %get3A_475 = arith.constant 32 : index
        %get3A_476 = tpu.vector_load %arg6[%get3A_474, %get3A_475] {strides = array<i32>} : memref<200x128xf32, #tpu.memory_space<vmem>>, vector<1x16xf32>,
        %get3A_477 = vector.shape_cast %get3A_476 : vector<1x16xf32> to vector<16xf32>
        %swap3A_478 = arith.index_cast %scan3A_452 : i32 to index
        %swap3A_479 = arith.constant 32 : index
        %swap3A_480 = tpu.vector_load %arg8[%swap3A_478, %swap3A_479] {strides = array<i32>} : memref<100x128xf32, #tpu.memory_space<vmem>>, vector<1x16xf32>,
        %swap3A_481 = vector.shape_cast %swap3A_480 : vector<1x16xf32> to vector<16xf32>
        %swap3A_482 = vector.shape_cast %get3A_477 : vector<16xf32> to vector<1x16xf32>
        tpu.vector_store %arg8[%swap3A_478, %swap3A_479], %swap3A_482 {add = true, strides = array<i32>} : memref<100x128xf32, #tpu.memory_space<vmem>>, vector<1x16xf32>,
        %add3A_483 = arith.addi %mul3A_79, %scan3A_452 : i32
        %get3A_484 = arith.index_cast %add3A_483 : i32 to index
        %get3A_485 = arith.constant 48 : index
        %get3A_486 = tpu.vector_load %arg6[%get3A_484, %get3A_485] {strides = array<i32>} : memref<200x128xf32, #tpu.memory_space<vmem>>, vector<1x16xf32>,
        %get3A_487 = vector.shape_cast %get3A_486 : vector<1x16xf32> to vector<16xf32>
        %swap3A_488 = arith.index_cast %scan3A_452 : i32 to index
        %swap3A_489 = arith.constant 48 : index
        %swap3A_490 = tpu.vector_load %arg8[%swap3A_488, %swap3A_489] {strides = array<i32>} : memref<100x128xf32, #tpu.memory_space<vmem>>, vector<1x16xf32>,
        %swap3A_491 = vector.shape_cast %swap3A_490 : vector<1x16xf32> to vector<16xf32>
        %swap3A_492 = vector.shape_cast %get3A_487 : vector<16xf32> to vector<1x16xf32>
        tpu.vector_store %arg8[%swap3A_488, %swap3A_489], %swap3A_492 {add = true, strides = array<i32>} : memref<100x128xf32, #tpu.memory_space<vmem>>, vector<1x16xf32>,
        %add3A_493 = arith.addi %mul3A_79, %scan3A_452 : i32
        %get3A_494 = arith.index_cast %add3A_493 : i32 to index
        %get3A_495 = arith.constant 64 : index
        %get3A_496 = tpu.vector_load %arg6[%get3A_494, %get3A_495] {strides = array<i32>} : memref<200x128xf32, #tpu.memory_space<vmem>>, vector<1x16xf32>,
        %get3A_497 = vector.shape_cast %get3A_496 : vector<1x16xf32> to vector<16xf32>
        %swap3A_498 = arith.index_cast %scan3A_452 : i32 to index
        %swap3A_499 = arith.constant 64 : index
        %swap3A_500 = tpu.vector_load %arg8[%swap3A_498, %swap3A_499] {strides = array<i32>} : memref<100x128xf32, #tpu.memory_space<vmem>>, vector<1x16xf32>,
        %swap3A_501 = vector.shape_cast %swap3A_500 : vector<1x16xf32> to vector<16xf32>
        %swap3A_502 = vector.shape_cast %get3A_497 : vector<16xf32> to vector<1x16xf32>
        tpu.vector_store %arg8[%swap3A_498, %swap3A_499], %swap3A_502 {add = true, strides = array<i32>} : memref<100x128xf32, #tpu.memory_space<vmem>>, vector<1x16xf32>,
        %add3A_503 = arith.addi %mul3A_79, %scan3A_452 : i32
        %get3A_504 = arith.index_cast %add3A_503 : i32 to index
        %get3A_505 = arith.constant 80 : index
        %get3A_506 = tpu.vector_load %arg6[%get3A_504, %get3A_505] {strides = array<i32>} : memref<200x128xf32, #tpu.memory_space<vmem>>, vector<1x16xf32>,
        %get3A_507 = vector.shape_cast %get3A_506 : vector<1x16xf32> to vector<16xf32>
        %swap3A_508 = arith.index_cast %scan3A_452 : i32 to index
        %swap3A_509 = arith.constant 80 : index
        %swap3A_510 = tpu.vector_load %arg8[%swap3A_508, %swap3A_509] {strides = array<i32>} : memref<100x128xf32, #tpu.memory_space<vmem>>, vector<1x16xf32>,
        %swap3A_511 = vector.shape_cast %swap3A_510 : vector<1x16xf32> to vector<16xf32>
        %swap3A_512 = vector.shape_cast %get3A_507 : vector<16xf32> to vector<1x16xf32>
        tpu.vector_store %arg8[%swap3A_508, %swap3A_509], %swap3A_512 {add = true, strides = array<i32>} : memref<100x128xf32, #tpu.memory_space<vmem>>, vector<1x16xf32>,
        %add3A_513 = arith.addi %mul3A_79, %scan3A_452 : i32
        %get3A_514 = arith.index_cast %add3A_513 : i32 to index
        %get3A_515 = arith.constant 96 : index
        %get3A_516 = tpu.vector_load %arg6[%get3A_514, %get3A_515] {strides = array<i32>} : memref<200x128xf32, #tpu.memory_space<vmem>>, vector<1x16xf32>,
        %get3A_517 = vector.shape_cast %get3A_516 : vector<1x16xf32> to vector<16xf32>
        %swap3A_518 = arith.index_cast %scan3A_452 : i32 to index
        %swap3A_519 = arith.constant 96 : index
        %swap3A_520 = tpu.vector_load %arg8[%swap3A_518, %swap3A_519] {strides = array<i32>} : memref<100x128xf32, #tpu.memory_space<vmem>>, vector<1x16xf32>,
        %swap3A_521 = vector.shape_cast %swap3A_520 : vector<1x16xf32> to vector<16xf32>
        %swap3A_522 = vector.shape_cast %get3A_517 : vector<16xf32> to vector<1x16xf32>
        tpu.vector_store %arg8[%swap3A_518, %swap3A_519], %swap3A_522 {add = true, strides = array<i32>} : memref<100x128xf32, #tpu.memory_space<vmem>>, vector<1x16xf32>,
        %add3A_523 = arith.addi %mul3A_79, %scan3A_452 : i32
        %get3A_524 = arith.index_cast %add3A_523 : i32 to index
        %get3A_525 = arith.constant 112 : index
        %get3A_526 = tpu.vector_load %arg6[%get3A_524, %get3A_525] {strides = array<i32>} : memref<200x128xf32, #tpu.memory_space<vmem>>, vector<1x16xf32>,
        %get3A_527 = vector.shape_cast %get3A_526 : vector<1x16xf32> to vector<16xf32>
        %swap3A_528 = arith.index_cast %scan3A_452 : i32 to index
        %swap3A_529 = arith.constant 112 : index
        %swap3A_530 = tpu.vector_load %arg8[%swap3A_528, %swap3A_529] {strides = array<i32>} : memref<100x128xf32, #tpu.memory_space<vmem>>, vector<1x16xf32>,
        %swap3A_531 = vector.shape_cast %swap3A_530 : vector<1x16xf32> to vector<16xf32>
        %swap3A_532 = vector.shape_cast %get3A_527 : vector<16xf32> to vector<1x16xf32>
        tpu.vector_store %arg8[%swap3A_528, %swap3A_529], %swap3A_532 {add = true, strides = array<i32>} : memref<100x128xf32, #tpu.memory_space<vmem>>, vector<1x16xf32>,
      }
      %scan3A_85 = arith.constant 100 : i32
      %add3A_86 = arith.addi %mul3A_2, %add3A_67 : i32
      %dma_start3A_87 = arith.constant 0 : i32
      %dma_start3A_88 = arith.constant 0 : i32
      %dma_start3A_89 = tpu.memref_slice %arg5[%add3A_86, %dma_start3A_87, %dma_start3A_88] : memref<8192x100x128xf32, #tpu.memory_space<hbm>> -> memref<1x100x128xf32, #tpu.memory_space<hbm>>
      %dma_start3A_90 = tpu.memref_squeeze %dma_start3A_89 : memref<1x100x128xf32, #tpu.memory_space<hbm>> -> memref<100x128xf32, #tpu.memory_space<hbm>>
      %dma_start3A_91 = arith.constant 0 : i32
      %dma_start3A_92 = arith.constant 0 : i32
      %dma_start3A_93 = tpu.memref_slice %arg5[%add3A_86, %dma_start3A_91, %dma_start3A_92] : memref<8192x100x128xf32, #tpu.memory_space<hbm>> -> memref<1x100x128xf32, #tpu.memory_space<hbm>>
      %dma_start3A_94 = tpu.memref_squeeze %dma_start3A_93 : memref<1x100x128xf32, #tpu.memory_space<hbm>> -> memref<100x128xf32, #tpu.memory_space<hbm>>
      tpu.enqueue_dma source(%arg8 : memref<100x128xf32, #tpu.memory_space<vmem>>) target(%dma_start3A_94 : memref<100x128xf32, #tpu.memory_space<hbm>>) target_semaphore(%arg16 : memref<!tpu.dma_semaphore, #tpu.memory_space<semaphore_mem>>)
      %lt3A = arith.constant 253 : i32
      %lt3A_95 = arith.cmpi slt, %add3A_67, %lt3A : i32
      %convert_element_type3A = arith.extui %lt3A_95 : i1 to i32
      %cond3A = arith.constant 0 : i32
      %cond3A_96 = arith.cmpi ne, %convert_element_type3A, %cond3A : i32
      scf.if %cond3A_96 {
        %ge3A = arith.constant 1 : i32
        %ge3A_208 = arith.cmpi sge, %add3A_67, %ge3A : i32
        %convert_element_type3A_209 = arith.extui %ge3A_208 : i1 to i32
        %cond3A_210 = arith.constant 0 : i32
        %cond3A_211 = arith.cmpi ne, %convert_element_type3A_209, %cond3A_210 : i32
        scf.if %cond3A_211 {
          %dma_wait3A_221 = arith.constant 0 : i32
          %dma_wait3A_222 = arith.constant 0 : i32
          %dma_wait3A_223 = arith.constant 0 : i32
          %dma_wait3A_224 = tpu.memref_slice %arg5[%dma_wait3A_221, %dma_wait3A_222, %dma_wait3A_223] : memref<8192x100x128xf32, #tpu.memory_space<hbm>> -> memref<1x100x128xf32, #tpu.memory_space<hbm>>
          %dma_wait3A_225 = tpu.memref_squeeze %dma_wait3A_224 : memref<1x100x128xf32, #tpu.memory_space<hbm>> -> memref<100x128xf32, #tpu.memory_space<hbm>>
          %dma_wait3A_226 = arith.constant 0 : i32
          %dma_wait3A_227 = arith.constant 0 : i32
          %dma_wait3A_228 = tpu.memref_slice %arg5[%dma_wait3A_221, %dma_wait3A_226, %dma_wait3A_227] : memref<8192x100x128xf32, #tpu.memory_space<hbm>> -> memref<1x100x128xf32, #tpu.memory_space<hbm>>
          %dma_wait3A_229 = tpu.memref_squeeze %dma_wait3A_228 : memref<1x100x128xf32, #tpu.memory_space<hbm>> -> memref<100x128xf32, #tpu.memory_space<hbm>>
          tpu.wait_dma2 semaphore(%arg19 : memref<!tpu.dma_semaphore, #tpu.memory_space<semaphore_mem>>) src(%arg11 : memref<100x128xf32, #tpu.memory_space<vmem>>) dst(%dma_wait3A_229 : memref<100x128xf32, #tpu.memory_space<hbm>>)
        } else {
        }
        %add3A_212 = arith.constant 4 : i32
        %add3A_213 = arith.addi %add3A_67, %add3A_212 : i32
        %sub3A = arith.constant 1 : i32
        %sub3A_214 = arith.subi %add3A_213, %sub3A : i32
        %dma_start3A_215 = arith.constant 0 : i32
        %dma_start3A_216 = tpu.memref_slice %arg7[%sub3A_214, %dma_start3A_215] : memref<256x100xi32, #tpu.memory_space<vmem>> -> memref<1x100xi32, #tpu.memory_space<vmem>>
        %dma_start3A_217 = tpu.memref_squeeze %dma_start3A_216 : memref<1x100xi32, #tpu.memory_space<vmem>> -> memref<100xi32, #tpu.memory_space<vmem>>
        %dma_start3A_218 = arith.constant 0 : i32
        %dma_start3A_219 = arith.constant 0 : i32
        %dma_start3A_220 = tpu.memref_slice %arg4[%dma_start3A_218, %dma_start3A_219] : memref<100000x128xf32, #tpu.memory_space<hbm>> -> memref<100000x128xf32, #tpu.memory_space<hbm>>
        tpu.enqueue_indirect_dma source(%dma_start3A_220 : memref<100000x128xf32, #tpu.memory_space<hbm>>) target(%arg11 : memref<100x128xf32, #tpu.memory_space<vmem>>) offsets(%dma_start3A_217 : memref<100xi32, #tpu.memory_space<vmem>>) semaphore(%arg15 : memref<!tpu.dma_semaphore, #tpu.memory_space<semaphore_mem>>)
      } else {
      }
      %mul3A_97 = arith.constant 4 : i32
      %mul3A_98 = arith.muli %mul3A_97, %scan3A_63 : i32
      %add3A_99 = arith.constant 1 : i32
      %add3A_100 = arith.addi %mul3A_98, %add3A_99 : i32
      %dma_wait3A_101 = arith.constant 0 : i32
      %dma_wait3A_102 = arith.constant 0 : i32
      %dma_wait3A_103 = arith.constant 0 : i32
      %dma_wait3A_104 = tpu.memref_slice %arg5[%dma_wait3A_101, %dma_wait3A_102, %dma_wait3A_103] : memref<8192x100x128xf32, #tpu.memory_space<hbm>> -> memref<1x100x128xf32, #tpu.memory_space<hbm>>
      %dma_wait3A_105 = tpu.memref_squeeze %dma_wait3A_104 : memref<1x100x128xf32, #tpu.memory_space<hbm>> -> memref<100x128xf32, #tpu.memory_space<hbm>>
      %dma_wait3A_106 = arith.constant 0 : i32
      %dma_wait3A_107 = arith.constant 0 : i32
      %dma_wait3A_108 = tpu.memref_slice %arg5[%dma_wait3A_101, %dma_wait3A_106, %dma_wait3A_107] : memref<8192x100x128xf32, #tpu.memory_space<hbm>> -> memref<1x100x128xf32, #tpu.memory_space<hbm>>
      %dma_wait3A_109 = tpu.memref_squeeze %dma_wait3A_108 : memref<1x100x128xf32, #tpu.memory_space<hbm>> -> memref<100x128xf32, #tpu.memory_space<hbm>>
      tpu.wait_dma2 semaphore(%arg13 : memref<!tpu.dma_semaphore, #tpu.memory_space<semaphore_mem>>) src(%dma_wait3A_109 : memref<100x128xf32, #tpu.memory_space<hbm>>) dst(%arg9 : memref<100x128xf32, #tpu.memory_space<vmem>>)
      %rem3A_110 = arith.constant 2 : i32
      %rem3A_111 = arith.remsi %add3A_100, %rem3A_110 : i32
      %mul3A_112 = arith.constant 100 : i32
      %mul3A_113 = arith.muli %rem3A_111, %mul3A_112 : i32
      %scan3A_114 = arith.constant 0 : i32
      %scan3A_115 = arith.constant 0 : i32
      %scan3A_116 = arith.constant 100 : i32
      %scan3A_117 = arith.addi %scan3A_115, %scan3A_116 : i32
      %scan3A_118 = arith.constant 4 : i32
      scf.for %scan3A_208 = %scan3A_115 to %scan3A_117 step %scan3A_118  : i32 {
        %add3A_209 = arith.addi %mul3A_113, %scan3A_208 : i32
        %get3A = arith.index_cast %add3A_209 : i32 to index
        %get3A_210 = arith.constant 0 : index
        %get3A_211 = tpu.vector_load %arg6[%get3A, %get3A_210] {strides = array<i32>} : memref<200x128xf32, #tpu.memory_space<vmem>>, vector<1x16xf32>,
        %get3A_212 = vector.shape_cast %get3A_211 : vector<1x16xf32> to vector<16xf32>
        %swap3A = arith.index_cast %scan3A_208 : i32 to index
        %swap3A_213 = arith.constant 0 : index
        %swap3A_214 = tpu.vector_load %arg9[%swap3A, %swap3A_213] {strides = array<i32>} : memref<100x128xf32, #tpu.memory_space<vmem>>, vector<1x16xf32>,
        %swap3A_215 = vector.shape_cast %swap3A_214 : vector<1x16xf32> to vector<16xf32>
        %swap3A_216 = vector.shape_cast %get3A_212 : vector<16xf32> to vector<1x16xf32>
        tpu.vector_store %arg9[%swap3A, %swap3A_213], %swap3A_216 {add = true, strides = array<i32>} : memref<100x128xf32, #tpu.memory_space<vmem>>, vector<1x16xf32>,
        %add3A_217 = arith.addi %mul3A_113, %scan3A_208 : i32
        %get3A_218 = arith.index_cast %add3A_217 : i32 to index
        %get3A_219 = arith.constant 16 : index
        %get3A_220 = tpu.vector_load %arg6[%get3A_218, %get3A_219] {strides = array<i32>} : memref<200x128xf32, #tpu.memory_space<vmem>>, vector<1x16xf32>,
        %get3A_221 = vector.shape_cast %get3A_220 : vector<1x16xf32> to vector<16xf32>
        %swap3A_222 = arith.index_cast %scan3A_208 : i32 to index
        %swap3A_223 = arith.constant 16 : index
        %swap3A_224 = tpu.vector_load %arg9[%swap3A_222, %swap3A_223] {strides = array<i32>} : memref<100x128xf32, #tpu.memory_space<vmem>>, vector<1x16xf32>,
        %swap3A_225 = vector.shape_cast %swap3A_224 : vector<1x16xf32> to vector<16xf32>
        %swap3A_226 = vector.shape_cast %get3A_221 : vector<16xf32> to vector<1x16xf32>
        tpu.vector_store %arg9[%swap3A_222, %swap3A_223], %swap3A_226 {add = true, strides = array<i32>} : memref<100x128xf32, #tpu.memory_space<vmem>>, vector<1x16xf32>,
        %add3A_227 = arith.addi %mul3A_113, %scan3A_208 : i32
        %get3A_228 = arith.index_cast %add3A_227 : i32 to index
        %get3A_229 = arith.constant 32 : index
        %get3A_230 = tpu.vector_load %arg6[%get3A_228, %get3A_229] {strides = array<i32>} : memref<200x128xf32, #tpu.memory_space<vmem>>, vector<1x16xf32>,
        %get3A_231 = vector.shape_cast %get3A_230 : vector<1x16xf32> to vector<16xf32>
        %swap3A_232 = arith.index_cast %scan3A_208 : i32 to index
        %swap3A_233 = arith.constant 32 : index
        %swap3A_234 = tpu.vector_load %arg9[%swap3A_232, %swap3A_233] {strides = array<i32>} : memref<100x128xf32, #tpu.memory_space<vmem>>, vector<1x16xf32>,
        %swap3A_235 = vector.shape_cast %swap3A_234 : vector<1x16xf32> to vector<16xf32>
        %swap3A_236 = vector.shape_cast %get3A_231 : vector<16xf32> to vector<1x16xf32>
        tpu.vector_store %arg9[%swap3A_232, %swap3A_233], %swap3A_236 {add = true, strides = array<i32>} : memref<100x128xf32, #tpu.memory_space<vmem>>, vector<1x16xf32>,
        %add3A_237 = arith.addi %mul3A_113, %scan3A_208 : i32
        %get3A_238 = arith.index_cast %add3A_237 : i32 to index
        %get3A_239 = arith.constant 48 : index
        %get3A_240 = tpu.vector_load %arg6[%get3A_238, %get3A_239] {strides = array<i32>} : memref<200x128xf32, #tpu.memory_space<vmem>>, vector<1x16xf32>,
        %get3A_241 = vector.shape_cast %get3A_240 : vector<1x16xf32> to vector<16xf32>
        %swap3A_242 = arith.index_cast %scan3A_208 : i32 to index
        %swap3A_243 = arith.constant 48 : index
        %swap3A_244 = tpu.vector_load %arg9[%swap3A_242, %swap3A_243] {strides = array<i32>} : memref<100x128xf32, #tpu.memory_space<vmem>>, vector<1x16xf32>,
        %swap3A_245 = vector.shape_cast %swap3A_244 : vector<1x16xf32> to vector<16xf32>
        %swap3A_246 = vector.shape_cast %get3A_241 : vector<16xf32> to vector<1x16xf32>
        tpu.vector_store %arg9[%swap3A_242, %swap3A_243], %swap3A_246 {add = true, strides = array<i32>} : memref<100x128xf32, #tpu.memory_space<vmem>>, vector<1x16xf32>,
        %add3A_247 = arith.addi %mul3A_113, %scan3A_208 : i32
        %get3A_248 = arith.index_cast %add3A_247 : i32 to index
        %get3A_249 = arith.constant 64 : index
        %get3A_250 = tpu.vector_load %arg6[%get3A_248, %get3A_249] {strides = array<i32>} : memref<200x128xf32, #tpu.memory_space<vmem>>, vector<1x16xf32>,
        %get3A_251 = vector.shape_cast %get3A_250 : vector<1x16xf32> to vector<16xf32>
        %swap3A_252 = arith.index_cast %scan3A_208 : i32 to index
        %swap3A_253 = arith.constant 64 : index
        %swap3A_254 = tpu.vector_load %arg9[%swap3A_252, %swap3A_253] {strides = array<i32>} : memref<100x128xf32, #tpu.memory_space<vmem>>, vector<1x16xf32>,
        %swap3A_255 = vector.shape_cast %swap3A_254 : vector<1x16xf32> to vector<16xf32>
        %swap3A_256 = vector.shape_cast %get3A_251 : vector<16xf32> to vector<1x16xf32>
        tpu.vector_store %arg9[%swap3A_252, %swap3A_253], %swap3A_256 {add = true, strides = array<i32>} : memref<100x128xf32, #tpu.memory_space<vmem>>, vector<1x16xf32>,
        %add3A_257 = arith.addi %mul3A_113, %scan3A_208 : i32
        %get3A_258 = arith.index_cast %add3A_257 : i32 to index
        %get3A_259 = arith.constant 80 : index
        %get3A_260 = tpu.vector_load %arg6[%get3A_258, %get3A_259] {strides = array<i32>} : memref<200x128xf32, #tpu.memory_space<vmem>>, vector<1x16xf32>,
        %get3A_261 = vector.shape_cast %get3A_260 : vector<1x16xf32> to vector<16xf32>
        %swap3A_262 = arith.index_cast %scan3A_208 : i32 to index
        %swap3A_263 = arith.constant 80 : index
        %swap3A_264 = tpu.vector_load %arg9[%swap3A_262, %swap3A_263] {strides = array<i32>} : memref<100x128xf32, #tpu.memory_space<vmem>>, vector<1x16xf32>,
        %swap3A_265 = vector.shape_cast %swap3A_264 : vector<1x16xf32> to vector<16xf32>
        %swap3A_266 = vector.shape_cast %get3A_261 : vector<16xf32> to vector<1x16xf32>
        tpu.vector_store %arg9[%swap3A_262, %swap3A_263], %swap3A_266 {add = true, strides = array<i32>} : memref<100x128xf32, #tpu.memory_space<vmem>>, vector<1x16xf32>,
        %add3A_267 = arith.addi %mul3A_113, %scan3A_208 : i32
        %get3A_268 = arith.index_cast %add3A_267 : i32 to index
        %get3A_269 = arith.constant 96 : index
        %get3A_270 = tpu.vector_load %arg6[%get3A_268, %get3A_269] {strides = array<i32>} : memref<200x128xf32, #tpu.memory_space<vmem>>, vector<1x16xf32>,
        %get3A_271 = vector.shape_cast %get3A_270 : vector<1x16xf32> to vector<16xf32>
        %swap3A_272 = arith.index_cast %scan3A_208 : i32 to index
        %swap3A_273 = arith.constant 96 : index
        %swap3A_274 = tpu.vector_load %arg9[%swap3A_272, %swap3A_273] {strides = array<i32>} : memref<100x128xf32, #tpu.memory_space<vmem>>, vector<1x16xf32>,
        %swap3A_275 = vector.shape_cast %swap3A_274 : vector<1x16xf32> to vector<16xf32>
        %swap3A_276 = vector.shape_cast %get3A_271 : vector<16xf32> to vector<1x16xf32>
        tpu.vector_store %arg9[%swap3A_272, %swap3A_273], %swap3A_276 {add = true, strides = array<i32>} : memref<100x128xf32, #tpu.memory_space<vmem>>, vector<1x16xf32>,
        %add3A_277 = arith.addi %mul3A_113, %scan3A_208 : i32
        %get3A_278 = arith.index_cast %add3A_277 : i32 to index
        %get3A_279 = arith.constant 112 : index
        %get3A_280 = tpu.vector_load %arg6[%get3A_278, %get3A_279] {strides = array<i32>} : memref<200x128xf32, #tpu.memory_space<vmem>>, vector<1x16xf32>,
        %get3A_281 = vector.shape_cast %get3A_280 : vector<1x16xf32> to vector<16xf32>
        %swap3A_282 = arith.index_cast %scan3A_208 : i32 to index
        %swap3A_283 = arith.constant 112 : index
        %swap3A_284 = tpu.vector_load %arg9[%swap3A_282, %swap3A_283] {strides = array<i32>} : memref<100x128xf32, #tpu.memory_space<vmem>>, vector<1x16xf32>,
        %swap3A_285 = vector.shape_cast %swap3A_284 : vector<1x16xf32> to vector<16xf32>
        %swap3A_286 = vector.shape_cast %get3A_281 : vector<16xf32> to vector<1x16xf32>
        tpu.vector_store %arg9[%swap3A_282, %swap3A_283], %swap3A_286 {add = true, strides = array<i32>} : memref<100x128xf32, #tpu.memory_space<vmem>>, vector<1x16xf32>,
        %scan3A_287 = arith.constant 1 : i32
        %scan3A_288 = arith.addi %scan3A_208, %scan3A_287 : i32
        %add3A_289 = arith.addi %mul3A_113, %scan3A_288 : i32
        %get3A_290 = arith.index_cast %add3A_289 : i32 to index
        %get3A_291 = arith.constant 0 : index
        %get3A_292 = tpu.vector_load %arg6[%get3A_290, %get3A_291] {strides = array<i32>} : memref<200x128xf32, #tpu.memory_space<vmem>>, vector<1x16xf32>,
        %get3A_293 = vector.shape_cast %get3A_292 : vector<1x16xf32> to vector<16xf32>
        %swap3A_294 = arith.index_cast %scan3A_288 : i32 to index
        %swap3A_295 = arith.constant 0 : index
        %swap3A_296 = tpu.vector_load %arg9[%swap3A_294, %swap3A_295] {strides = array<i32>} : memref<100x128xf32, #tpu.memory_space<vmem>>, vector<1x16xf32>,
        %swap3A_297 = vector.shape_cast %swap3A_296 : vector<1x16xf32> to vector<16xf32>
        %swap3A_298 = vector.shape_cast %get3A_293 : vector<16xf32> to vector<1x16xf32>
        tpu.vector_store %arg9[%swap3A_294, %swap3A_295], %swap3A_298 {add = true, strides = array<i32>} : memref<100x128xf32, #tpu.memory_space<vmem>>, vector<1x16xf32>,
        %add3A_299 = arith.addi %mul3A_113, %scan3A_288 : i32
        %get3A_300 = arith.index_cast %add3A_299 : i32 to index
        %get3A_301 = arith.constant 16 : index
        %get3A_302 = tpu.vector_load %arg6[%get3A_300, %get3A_301] {strides = array<i32>} : memref<200x128xf32, #tpu.memory_space<vmem>>, vector<1x16xf32>,
        %get3A_303 = vector.shape_cast %get3A_302 : vector<1x16xf32> to vector<16xf32>
        %swap3A_304 = arith.index_cast %scan3A_288 : i32 to index
        %swap3A_305 = arith.constant 16 : index
        %swap3A_306 = tpu.vector_load %arg9[%swap3A_304, %swap3A_305] {strides = array<i32>} : memref<100x128xf32, #tpu.memory_space<vmem>>, vector<1x16xf32>,
        %swap3A_307 = vector.shape_cast %swap3A_306 : vector<1x16xf32> to vector<16xf32>
        %swap3A_308 = vector.shape_cast %get3A_303 : vector<16xf32> to vector<1x16xf32>
        tpu.vector_store %arg9[%swap3A_304, %swap3A_305], %swap3A_308 {add = true, strides = array<i32>} : memref<100x128xf32, #tpu.memory_space<vmem>>, vector<1x16xf32>,
        %add3A_309 = arith.addi %mul3A_113, %scan3A_288 : i32
        %get3A_310 = arith.index_cast %add3A_309 : i32 to index
        %get3A_311 = arith.constant 32 : index
        %get3A_312 = tpu.vector_load %arg6[%get3A_310, %get3A_311] {strides = array<i32>} : memref<200x128xf32, #tpu.memory_space<vmem>>, vector<1x16xf32>,
        %get3A_313 = vector.shape_cast %get3A_312 : vector<1x16xf32> to vector<16xf32>
        %swap3A_314 = arith.index_cast %scan3A_288 : i32 to index
        %swap3A_315 = arith.constant 32 : index
        %swap3A_316 = tpu.vector_load %arg9[%swap3A_314, %swap3A_315] {strides = array<i32>} : memref<100x128xf32, #tpu.memory_space<vmem>>, vector<1x16xf32>,
        %swap3A_317 = vector.shape_cast %swap3A_316 : vector<1x16xf32> to vector<16xf32>
        %swap3A_318 = vector.shape_cast %get3A_313 : vector<16xf32> to vector<1x16xf32>
        tpu.vector_store %arg9[%swap3A_314, %swap3A_315], %swap3A_318 {add = true, strides = array<i32>} : memref<100x128xf32, #tpu.memory_space<vmem>>, vector<1x16xf32>,
        %add3A_319 = arith.addi %mul3A_113, %scan3A_288 : i32
        %get3A_320 = arith.index_cast %add3A_319 : i32 to index
        %get3A_321 = arith.constant 48 : index
        %get3A_322 = tpu.vector_load %arg6[%get3A_320, %get3A_321] {strides = array<i32>} : memref<200x128xf32, #tpu.memory_space<vmem>>, vector<1x16xf32>,
        %get3A_323 = vector.shape_cast %get3A_322 : vector<1x16xf32> to vector<16xf32>
        %swap3A_324 = arith.index_cast %scan3A_288 : i32 to index
        %swap3A_325 = arith.constant 48 : index
        %swap3A_326 = tpu.vector_load %arg9[%swap3A_324, %swap3A_325] {strides = array<i32>} : memref<100x128xf32, #tpu.memory_space<vmem>>, vector<1x16xf32>,
        %swap3A_327 = vector.shape_cast %swap3A_326 : vector<1x16xf32> to vector<16xf32>
        %swap3A_328 = vector.shape_cast %get3A_323 : vector<16xf32> to vector<1x16xf32>
        tpu.vector_store %arg9[%swap3A_324, %swap3A_325], %swap3A_328 {add = true, strides = array<i32>} : memref<100x128xf32, #tpu.memory_space<vmem>>, vector<1x16xf32>,
        %add3A_329 = arith.addi %mul3A_113, %scan3A_288 : i32
        %get3A_330 = arith.index_cast %add3A_329 : i32 to index
        %get3A_331 = arith.constant 64 : index
        %get3A_332 = tpu.vector_load %arg6[%get3A_330, %get3A_331] {strides = array<i32>} : memref<200x128xf32, #tpu.memory_space<vmem>>, vector<1x16xf32>,
        %get3A_333 = vector.shape_cast %get3A_332 : vector<1x16xf32> to vector<16xf32>
        %swap3A_334 = arith.index_cast %scan3A_288 : i32 to index
        %swap3A_335 = arith.constant 64 : index
        %swap3A_336 = tpu.vector_load %arg9[%swap3A_334, %swap3A_335] {strides = array<i32>} : memref<100x128xf32, #tpu.memory_space<vmem>>, vector<1x16xf32>,
        %swap3A_337 = vector.shape_cast %swap3A_336 : vector<1x16xf32> to vector<16xf32>
        %swap3A_338 = vector.shape_cast %get3A_333 : vector<16xf32> to vector<1x16xf32>
        tpu.vector_store %arg9[%swap3A_334, %swap3A_335], %swap3A_338 {add = true, strides = array<i32>} : memref<100x128xf32, #tpu.memory_space<vmem>>, vector<1x16xf32>,
        %add3A_339 = arith.addi %mul3A_113, %scan3A_288 : i32
        %get3A_340 = arith.index_cast %add3A_339 : i32 to index
        %get3A_341 = arith.constant 80 : index
        %get3A_342 = tpu.vector_load %arg6[%get3A_340, %get3A_341] {strides = array<i32>} : memref<200x128xf32, #tpu.memory_space<vmem>>, vector<1x16xf32>,
        %get3A_343 = vector.shape_cast %get3A_342 : vector<1x16xf32> to vector<16xf32>
        %swap3A_344 = arith.index_cast %scan3A_288 : i32 to index
        %swap3A_345 = arith.constant 80 : index
        %swap3A_346 = tpu.vector_load %arg9[%swap3A_344, %swap3A_345] {strides = array<i32>} : memref<100x128xf32, #tpu.memory_space<vmem>>, vector<1x16xf32>,
        %swap3A_347 = vector.shape_cast %swap3A_346 : vector<1x16xf32> to vector<16xf32>
        %swap3A_348 = vector.shape_cast %get3A_343 : vector<16xf32> to vector<1x16xf32>
        tpu.vector_store %arg9[%swap3A_344, %swap3A_345], %swap3A_348 {add = true, strides = array<i32>} : memref<100x128xf32, #tpu.memory_space<vmem>>, vector<1x16xf32>,
        %add3A_349 = arith.addi %mul3A_113, %scan3A_288 : i32
        %get3A_350 = arith.index_cast %add3A_349 : i32 to index
        %get3A_351 = arith.constant 96 : index
        %get3A_352 = tpu.vector_load %arg6[%get3A_350, %get3A_351] {strides = array<i32>} : memref<200x128xf32, #tpu.memory_space<vmem>>, vector<1x16xf32>,
        %get3A_353 = vector.shape_cast %get3A_352 : vector<1x16xf32> to vector<16xf32>
        %swap3A_354 = arith.index_cast %scan3A_288 : i32 to index
        %swap3A_355 = arith.constant 96 : index
        %swap3A_356 = tpu.vector_load %arg9[%swap3A_354, %swap3A_355] {strides = array<i32>} : memref<100x128xf32, #tpu.memory_space<vmem>>, vector<1x16xf32>,
        %swap3A_357 = vector.shape_cast %swap3A_356 : vector<1x16xf32> to vector<16xf32>
        %swap3A_358 = vector.shape_cast %get3A_353 : vector<16xf32> to vector<1x16xf32>
        tpu.vector_store %arg9[%swap3A_354, %swap3A_355], %swap3A_358 {add = true, strides = array<i32>} : memref<100x128xf32, #tpu.memory_space<vmem>>, vector<1x16xf32>,
        %add3A_359 = arith.addi %mul3A_113, %scan3A_288 : i32
        %get3A_360 = arith.index_cast %add3A_359 : i32 to index
        %get3A_361 = arith.constant 112 : index
        %get3A_362 = tpu.vector_load %arg6[%get3A_360, %get3A_361] {strides = array<i32>} : memref<200x128xf32, #tpu.memory_space<vmem>>, vector<1x16xf32>,
        %get3A_363 = vector.shape_cast %get3A_362 : vector<1x16xf32> to vector<16xf32>
        %swap3A_364 = arith.index_cast %scan3A_288 : i32 to index
        %swap3A_365 = arith.constant 112 : index
        %swap3A_366 = tpu.vector_load %arg9[%swap3A_364, %swap3A_365] {strides = array<i32>} : memref<100x128xf32, #tpu.memory_space<vmem>>, vector<1x16xf32>,
        %swap3A_367 = vector.shape_cast %swap3A_366 : vector<1x16xf32> to vector<16xf32>
        %swap3A_368 = vector.shape_cast %get3A_363 : vector<16xf32> to vector<1x16xf32>
        tpu.vector_store %arg9[%swap3A_364, %swap3A_365], %swap3A_368 {add = true, strides = array<i32>} : memref<100x128xf32, #tpu.memory_space<vmem>>, vector<1x16xf32>,
        %scan3A_369 = arith.constant 2 : i32
        %scan3A_370 = arith.addi %scan3A_208, %scan3A_369 : i32
        %add3A_371 = arith.addi %mul3A_113, %scan3A_370 : i32
        %get3A_372 = arith.index_cast %add3A_371 : i32 to index
        %get3A_373 = arith.constant 0 : index
        %get3A_374 = tpu.vector_load %arg6[%get3A_372, %get3A_373] {strides = array<i32>} : memref<200x128xf32, #tpu.memory_space<vmem>>, vector<1x16xf32>,
        %get3A_375 = vector.shape_cast %get3A_374 : vector<1x16xf32> to vector<16xf32>
        %swap3A_376 = arith.index_cast %scan3A_370 : i32 to index
        %swap3A_377 = arith.constant 0 : index
        %swap3A_378 = tpu.vector_load %arg9[%swap3A_376, %swap3A_377] {strides = array<i32>} : memref<100x128xf32, #tpu.memory_space<vmem>>, vector<1x16xf32>,
        %swap3A_379 = vector.shape_cast %swap3A_378 : vector<1x16xf32> to vector<16xf32>
        %swap3A_380 = vector.shape_cast %get3A_375 : vector<16xf32> to vector<1x16xf32>
        tpu.vector_store %arg9[%swap3A_376, %swap3A_377], %swap3A_380 {add = true, strides = array<i32>} : memref<100x128xf32, #tpu.memory_space<vmem>>, vector<1x16xf32>,
        %add3A_381 = arith.addi %mul3A_113, %scan3A_370 : i32
        %get3A_382 = arith.index_cast %add3A_381 : i32 to index
        %get3A_383 = arith.constant 16 : index
        %get3A_384 = tpu.vector_load %arg6[%get3A_382, %get3A_383] {strides = array<i32>} : memref<200x128xf32, #tpu.memory_space<vmem>>, vector<1x16xf32>,
        %get3A_385 = vector.shape_cast %get3A_384 : vector<1x16xf32> to vector<16xf32>
        %swap3A_386 = arith.index_cast %scan3A_370 : i32 to index
        %swap3A_387 = arith.constant 16 : index
        %swap3A_388 = tpu.vector_load %arg9[%swap3A_386, %swap3A_387] {strides = array<i32>} : memref<100x128xf32, #tpu.memory_space<vmem>>, vector<1x16xf32>,
        %swap3A_389 = vector.shape_cast %swap3A_388 : vector<1x16xf32> to vector<16xf32>
        %swap3A_390 = vector.shape_cast %get3A_385 : vector<16xf32> to vector<1x16xf32>
        tpu.vector_store %arg9[%swap3A_386, %swap3A_387], %swap3A_390 {add = true, strides = array<i32>} : memref<100x128xf32, #tpu.memory_space<vmem>>, vector<1x16xf32>,
        %add3A_391 = arith.addi %mul3A_113, %scan3A_370 : i32
        %get3A_392 = arith.index_cast %add3A_391 : i32 to index
        %get3A_393 = arith.constant 32 : index
        %get3A_394 = tpu.vector_load %arg6[%get3A_392, %get3A_393] {strides = array<i32>} : memref<200x128xf32, #tpu.memory_space<vmem>>, vector<1x16xf32>,
        %get3A_395 = vector.shape_cast %get3A_394 : vector<1x16xf32> to vector<16xf32>
        %swap3A_396 = arith.index_cast %scan3A_370 : i32 to index
        %swap3A_397 = arith.constant 32 : index
        %swap3A_398 = tpu.vector_load %arg9[%swap3A_396, %swap3A_397] {strides = array<i32>} : memref<100x128xf32, #tpu.memory_space<vmem>>, vector<1x16xf32>,
        %swap3A_399 = vector.shape_cast %swap3A_398 : vector<1x16xf32> to vector<16xf32>
        %swap3A_400 = vector.shape_cast %get3A_395 : vector<16xf32> to vector<1x16xf32>
        tpu.vector_store %arg9[%swap3A_396, %swap3A_397], %swap3A_400 {add = true, strides = array<i32>} : memref<100x128xf32, #tpu.memory_space<vmem>>, vector<1x16xf32>,
        %add3A_401 = arith.addi %mul3A_113, %scan3A_370 : i32
        %get3A_402 = arith.index_cast %add3A_401 : i32 to index
        %get3A_403 = arith.constant 48 : index
        %get3A_404 = tpu.vector_load %arg6[%get3A_402, %get3A_403] {strides = array<i32>} : memref<200x128xf32, #tpu.memory_space<vmem>>, vector<1x16xf32>,
        %get3A_405 = vector.shape_cast %get3A_404 : vector<1x16xf32> to vector<16xf32>
        %swap3A_406 = arith.index_cast %scan3A_370 : i32 to index
        %swap3A_407 = arith.constant 48 : index
        %swap3A_408 = tpu.vector_load %arg9[%swap3A_406, %swap3A_407] {strides = array<i32>} : memref<100x128xf32, #tpu.memory_space<vmem>>, vector<1x16xf32>,
        %swap3A_409 = vector.shape_cast %swap3A_408 : vector<1x16xf32> to vector<16xf32>
        %swap3A_410 = vector.shape_cast %get3A_405 : vector<16xf32> to vector<1x16xf32>
        tpu.vector_store %arg9[%swap3A_406, %swap3A_407], %swap3A_410 {add = true, strides = array<i32>} : memref<100x128xf32, #tpu.memory_space<vmem>>, vector<1x16xf32>,
        %add3A_411 = arith.addi %mul3A_113, %scan3A_370 : i32
        %get3A_412 = arith.index_cast %add3A_411 : i32 to index
        %get3A_413 = arith.constant 64 : index
        %get3A_414 = tpu.vector_load %arg6[%get3A_412, %get3A_413] {strides = array<i32>} : memref<200x128xf32, #tpu.memory_space<vmem>>, vector<1x16xf32>,
        %get3A_415 = vector.shape_cast %get3A_414 : vector<1x16xf32> to vector<16xf32>
        %swap3A_416 = arith.index_cast %scan3A_370 : i32 to index
        %swap3A_417 = arith.constant 64 : index
        %swap3A_418 = tpu.vector_load %arg9[%swap3A_416, %swap3A_417] {strides = array<i32>} : memref<100x128xf32, #tpu.memory_space<vmem>>, vector<1x16xf32>,
        %swap3A_419 = vector.shape_cast %swap3A_418 : vector<1x16xf32> to vector<16xf32>
        %swap3A_420 = vector.shape_cast %get3A_415 : vector<16xf32> to vector<1x16xf32>
        tpu.vector_store %arg9[%swap3A_416, %swap3A_417], %swap3A_420 {add = true, strides = array<i32>} : memref<100x128xf32, #tpu.memory_space<vmem>>, vector<1x16xf32>,
        %add3A_421 = arith.addi %mul3A_113, %scan3A_370 : i32
        %get3A_422 = arith.index_cast %add3A_421 : i32 to index
        %get3A_423 = arith.constant 80 : index
        %get3A_424 = tpu.vector_load %arg6[%get3A_422, %get3A_423] {strides = array<i32>} : memref<200x128xf32, #tpu.memory_space<vmem>>, vector<1x16xf32>,
        %get3A_425 = vector.shape_cast %get3A_424 : vector<1x16xf32> to vector<16xf32>
        %swap3A_426 = arith.index_cast %scan3A_370 : i32 to index
        %swap3A_427 = arith.constant 80 : index
        %swap3A_428 = tpu.vector_load %arg9[%swap3A_426, %swap3A_427] {strides = array<i32>} : memref<100x128xf32, #tpu.memory_space<vmem>>, vector<1x16xf32>,
        %swap3A_429 = vector.shape_cast %swap3A_428 : vector<1x16xf32> to vector<16xf32>
        %swap3A_430 = vector.shape_cast %get3A_425 : vector<16xf32> to vector<1x16xf32>
        tpu.vector_store %arg9[%swap3A_426, %swap3A_427], %swap3A_430 {add = true, strides = array<i32>} : memref<100x128xf32, #tpu.memory_space<vmem>>, vector<1x16xf32>,
        %add3A_431 = arith.addi %mul3A_113, %scan3A_370 : i32
        %get3A_432 = arith.index_cast %add3A_431 : i32 to index
        %get3A_433 = arith.constant 96 : index
        %get3A_434 = tpu.vector_load %arg6[%get3A_432, %get3A_433] {strides = array<i32>} : memref<200x128xf32, #tpu.memory_space<vmem>>, vector<1x16xf32>,
        %get3A_435 = vector.shape_cast %get3A_434 : vector<1x16xf32> to vector<16xf32>
        %swap3A_436 = arith.index_cast %scan3A_370 : i32 to index
        %swap3A_437 = arith.constant 96 : index
        %swap3A_438 = tpu.vector_load %arg9[%swap3A_436, %swap3A_437] {strides = array<i32>} : memref<100x128xf32, #tpu.memory_space<vmem>>, vector<1x16xf32>,
        %swap3A_439 = vector.shape_cast %swap3A_438 : vector<1x16xf32> to vector<16xf32>
        %swap3A_440 = vector.shape_cast %get3A_435 : vector<16xf32> to vector<1x16xf32>
        tpu.vector_store %arg9[%swap3A_436, %swap3A_437], %swap3A_440 {add = true, strides = array<i32>} : memref<100x128xf32, #tpu.memory_space<vmem>>, vector<1x16xf32>,
        %add3A_441 = arith.addi %mul3A_113, %scan3A_370 : i32
        %get3A_442 = arith.index_cast %add3A_441 : i32 to index
        %get3A_443 = arith.constant 112 : index
        %get3A_444 = tpu.vector_load %arg6[%get3A_442, %get3A_443] {strides = array<i32>} : memref<200x128xf32, #tpu.memory_space<vmem>>, vector<1x16xf32>,
        %get3A_445 = vector.shape_cast %get3A_444 : vector<1x16xf32> to vector<16xf32>
        %swap3A_446 = arith.index_cast %scan3A_370 : i32 to index
        %swap3A_447 = arith.constant 112 : index
        %swap3A_448 = tpu.vector_load %arg9[%swap3A_446, %swap3A_447] {strides = array<i32>} : memref<100x128xf32, #tpu.memory_space<vmem>>, vector<1x16xf32>,
        %swap3A_449 = vector.shape_cast %swap3A_448 : vector<1x16xf32> to vector<16xf32>
        %swap3A_450 = vector.shape_cast %get3A_445 : vector<16xf32> to vector<1x16xf32>
        tpu.vector_store %arg9[%swap3A_446, %swap3A_447], %swap3A_450 {add = true, strides = array<i32>} : memref<100x128xf32, #tpu.memory_space<vmem>>, vector<1x16xf32>,
        %scan3A_451 = arith.constant 3 : i32
        %scan3A_452 = arith.addi %scan3A_208, %scan3A_451 : i32
        %add3A_453 = arith.addi %mul3A_113, %scan3A_452 : i32
        %get3A_454 = arith.index_cast %add3A_453 : i32 to index
        %get3A_455 = arith.constant 0 : index
        %get3A_456 = tpu.vector_load %arg6[%get3A_454, %get3A_455] {strides = array<i32>} : memref<200x128xf32, #tpu.memory_space<vmem>>, vector<1x16xf32>,
        %get3A_457 = vector.shape_cast %get3A_456 : vector<1x16xf32> to vector<16xf32>
        %swap3A_458 = arith.index_cast %scan3A_452 : i32 to index
        %swap3A_459 = arith.constant 0 : index
        %swap3A_460 = tpu.vector_load %arg9[%swap3A_458, %swap3A_459] {strides = array<i32>} : memref<100x128xf32, #tpu.memory_space<vmem>>, vector<1x16xf32>,
        %swap3A_461 = vector.shape_cast %swap3A_460 : vector<1x16xf32> to vector<16xf32>
        %swap3A_462 = vector.shape_cast %get3A_457 : vector<16xf32> to vector<1x16xf32>
        tpu.vector_store %arg9[%swap3A_458, %swap3A_459], %swap3A_462 {add = true, strides = array<i32>} : memref<100x128xf32, #tpu.memory_space<vmem>>, vector<1x16xf32>,
        %add3A_463 = arith.addi %mul3A_113, %scan3A_452 : i32
        %get3A_464 = arith.index_cast %add3A_463 : i32 to index
        %get3A_465 = arith.constant 16 : index
        %get3A_466 = tpu.vector_load %arg6[%get3A_464, %get3A_465] {strides = array<i32>} : memref<200x128xf32, #tpu.memory_space<vmem>>, vector<1x16xf32>,
        %get3A_467 = vector.shape_cast %get3A_466 : vector<1x16xf32> to vector<16xf32>
        %swap3A_468 = arith.index_cast %scan3A_452 : i32 to index
        %swap3A_469 = arith.constant 16 : index
        %swap3A_470 = tpu.vector_load %arg9[%swap3A_468, %swap3A_469] {strides = array<i32>} : memref<100x128xf32, #tpu.memory_space<vmem>>, vector<1x16xf32>,
        %swap3A_471 = vector.shape_cast %swap3A_470 : vector<1x16xf32> to vector<16xf32>
        %swap3A_472 = vector.shape_cast %get3A_467 : vector<16xf32> to vector<1x16xf32>
        tpu.vector_store %arg9[%swap3A_468, %swap3A_469], %swap3A_472 {add = true, strides = array<i32>} : memref<100x128xf32, #tpu.memory_space<vmem>>, vector<1x16xf32>,
        %add3A_473 = arith.addi %mul3A_113, %scan3A_452 : i32
        %get3A_474 = arith.index_cast %add3A_473 : i32 to index
        %get3A_475 = arith.constant 32 : index
        %get3A_476 = tpu.vector_load %arg6[%get3A_474, %get3A_475] {strides = array<i32>} : memref<200x128xf32, #tpu.memory_space<vmem>>, vector<1x16xf32>,
        %get3A_477 = vector.shape_cast %get3A_476 : vector<1x16xf32> to vector<16xf32>
        %swap3A_478 = arith.index_cast %scan3A_452 : i32 to index
        %swap3A_479 = arith.constant 32 : index
        %swap3A_480 = tpu.vector_load %arg9[%swap3A_478, %swap3A_479] {strides = array<i32>} : memref<100x128xf32, #tpu.memory_space<vmem>>, vector<1x16xf32>,
        %swap3A_481 = vector.shape_cast %swap3A_480 : vector<1x16xf32> to vector<16xf32>
        %swap3A_482 = vector.shape_cast %get3A_477 : vector<16xf32> to vector<1x16xf32>
        tpu.vector_store %arg9[%swap3A_478, %swap3A_479], %swap3A_482 {add = true, strides = array<i32>} : memref<100x128xf32, #tpu.memory_space<vmem>>, vector<1x16xf32>,
        %add3A_483 = arith.addi %mul3A_113, %scan3A_452 : i32
        %get3A_484 = arith.index_cast %add3A_483 : i32 to index
        %get3A_485 = arith.constant 48 : index
        %get3A_486 = tpu.vector_load %arg6[%get3A_484, %get3A_485] {strides = array<i32>} : memref<200x128xf32, #tpu.memory_space<vmem>>, vector<1x16xf32>,
        %get3A_487 = vector.shape_cast %get3A_486 : vector<1x16xf32> to vector<16xf32>
        %swap3A_488 = arith.index_cast %scan3A_452 : i32 to index
        %swap3A_489 = arith.constant 48 : index
        %swap3A_490 = tpu.vector_load %arg9[%swap3A_488, %swap3A_489] {strides = array<i32>} : memref<100x128xf32, #tpu.memory_space<vmem>>, vector<1x16xf32>,
        %swap3A_491 = vector.shape_cast %swap3A_490 : vector<1x16xf32> to vector<16xf32>
        %swap3A_492 = vector.shape_cast %get3A_487 : vector<16xf32> to vector<1x16xf32>
        tpu.vector_store %arg9[%swap3A_488, %swap3A_489], %swap3A_492 {add = true, strides = array<i32>} : memref<100x128xf32, #tpu.memory_space<vmem>>, vector<1x16xf32>,
        %add3A_493 = arith.addi %mul3A_113, %scan3A_452 : i32
        %get3A_494 = arith.index_cast %add3A_493 : i32 to index
        %get3A_495 = arith.constant 64 : index
        %get3A_496 = tpu.vector_load %arg6[%get3A_494, %get3A_495] {strides = array<i32>} : memref<200x128xf32, #tpu.memory_space<vmem>>, vector<1x16xf32>,
        %get3A_497 = vector.shape_cast %get3A_496 : vector<1x16xf32> to vector<16xf32>
        %swap3A_498 = arith.index_cast %scan3A_452 : i32 to index
        %swap3A_499 = arith.constant 64 : index
        %swap3A_500 = tpu.vector_load %arg9[%swap3A_498, %swap3A_499] {strides = array<i32>} : memref<100x128xf32, #tpu.memory_space<vmem>>, vector<1x16xf32>,
        %swap3A_501 = vector.shape_cast %swap3A_500 : vector<1x16xf32> to vector<16xf32>
        %swap3A_502 = vector.shape_cast %get3A_497 : vector<16xf32> to vector<1x16xf32>
        tpu.vector_store %arg9[%swap3A_498, %swap3A_499], %swap3A_502 {add = true, strides = array<i32>} : memref<100x128xf32, #tpu.memory_space<vmem>>, vector<1x16xf32>,
        %add3A_503 = arith.addi %mul3A_113, %scan3A_452 : i32
        %get3A_504 = arith.index_cast %add3A_503 : i32 to index
        %get3A_505 = arith.constant 80 : index
        %get3A_506 = tpu.vector_load %arg6[%get3A_504, %get3A_505] {strides = array<i32>} : memref<200x128xf32, #tpu.memory_space<vmem>>, vector<1x16xf32>,
        %get3A_507 = vector.shape_cast %get3A_506 : vector<1x16xf32> to vector<16xf32>
        %swap3A_508 = arith.index_cast %scan3A_452 : i32 to index
        %swap3A_509 = arith.constant 80 : index
        %swap3A_510 = tpu.vector_load %arg9[%swap3A_508, %swap3A_509] {strides = array<i32>} : memref<100x128xf32, #tpu.memory_space<vmem>>, vector<1x16xf32>,
        %swap3A_511 = vector.shape_cast %swap3A_510 : vector<1x16xf32> to vector<16xf32>
        %swap3A_512 = vector.shape_cast %get3A_507 : vector<16xf32> to vector<1x16xf32>
        tpu.vector_store %arg9[%swap3A_508, %swap3A_509], %swap3A_512 {add = true, strides = array<i32>} : memref<100x128xf32, #tpu.memory_space<vmem>>, vector<1x16xf32>,
        %add3A_513 = arith.addi %mul3A_113, %scan3A_452 : i32
        %get3A_514 = arith.index_cast %add3A_513 : i32 to index
        %get3A_515 = arith.constant 96 : index
        %get3A_516 = tpu.vector_load %arg6[%get3A_514, %get3A_515] {strides = array<i32>} : memref<200x128xf32, #tpu.memory_space<vmem>>, vector<1x16xf32>,
        %get3A_517 = vector.shape_cast %get3A_516 : vector<1x16xf32> to vector<16xf32>
        %swap3A_518 = arith.index_cast %scan3A_452 : i32 to index
        %swap3A_519 = arith.constant 96 : index
        %swap3A_520 = tpu.vector_load %arg9[%swap3A_518, %swap3A_519] {strides = array<i32>} : memref<100x128xf32, #tpu.memory_space<vmem>>, vector<1x16xf32>,
        %swap3A_521 = vector.shape_cast %swap3A_520 : vector<1x16xf32> to vector<16xf32>
        %swap3A_522 = vector.shape_cast %get3A_517 : vector<16xf32> to vector<1x16xf32>
        tpu.vector_store %arg9[%swap3A_518, %swap3A_519], %swap3A_522 {add = true, strides = array<i32>} : memref<100x128xf32, #tpu.memory_space<vmem>>, vector<1x16xf32>,
        %add3A_523 = arith.addi %mul3A_113, %scan3A_452 : i32
        %get3A_524 = arith.index_cast %add3A_523 : i32 to index
        %get3A_525 = arith.constant 112 : index
        %get3A_526 = tpu.vector_load %arg6[%get3A_524, %get3A_525] {strides = array<i32>} : memref<200x128xf32, #tpu.memory_space<vmem>>, vector<1x16xf32>,
        %get3A_527 = vector.shape_cast %get3A_526 : vector<1x16xf32> to vector<16xf32>
        %swap3A_528 = arith.index_cast %scan3A_452 : i32 to index
        %swap3A_529 = arith.constant 112 : index
        %swap3A_530 = tpu.vector_load %arg9[%swap3A_528, %swap3A_529] {strides = array<i32>} : memref<100x128xf32, #tpu.memory_space<vmem>>, vector<1x16xf32>,
        %swap3A_531 = vector.shape_cast %swap3A_530 : vector<1x16xf32> to vector<16xf32>
        %swap3A_532 = vector.shape_cast %get3A_527 : vector<16xf32> to vector<1x16xf32>
        tpu.vector_store %arg9[%swap3A_528, %swap3A_529], %swap3A_532 {add = true, strides = array<i32>} : memref<100x128xf32, #tpu.memory_space<vmem>>, vector<1x16xf32>,
      }
      %scan3A_119 = arith.constant 100 : i32
      %add3A_120 = arith.addi %mul3A_2, %add3A_100 : i32
      %dma_start3A_121 = arith.constant 0 : i32
      %dma_start3A_122 = arith.constant 0 : i32
      %dma_start3A_123 = tpu.memref_slice %arg5[%add3A_120, %dma_start3A_121, %dma_start3A_122] : memref<8192x100x128xf32, #tpu.memory_space<hbm>> -> memref<1x100x128xf32, #tpu.memory_space<hbm>>
      %dma_start3A_124 = tpu.memref_squeeze %dma_start3A_123 : memref<1x100x128xf32, #tpu.memory_space<hbm>> -> memref<100x128xf32, #tpu.memory_space<hbm>>
      %dma_start3A_125 = arith.constant 0 : i32
      %dma_start3A_126 = arith.constant 0 : i32
      %dma_start3A_127 = tpu.memref_slice %arg5[%add3A_120, %dma_start3A_125, %dma_start3A_126] : memref<8192x100x128xf32, #tpu.memory_space<hbm>> -> memref<1x100x128xf32, #tpu.memory_space<hbm>>
      %dma_start3A_128 = tpu.memref_squeeze %dma_start3A_127 : memref<1x100x128xf32, #tpu.memory_space<hbm>> -> memref<100x128xf32, #tpu.memory_space<hbm>>
      tpu.enqueue_dma source(%arg9 : memref<100x128xf32, #tpu.memory_space<vmem>>) target(%dma_start3A_128 : memref<100x128xf32, #tpu.memory_space<hbm>>) target_semaphore(%arg17 : memref<!tpu.dma_semaphore, #tpu.memory_space<semaphore_mem>>)
      %lt3A_129 = arith.constant 253 : i32
      %lt3A_130 = arith.cmpi slt, %add3A_100, %lt3A_129 : i32
      %convert_element_type3A_131 = arith.extui %lt3A_130 : i1 to i32
      %cond3A_132 = arith.constant 0 : i32
      %cond3A_133 = arith.cmpi ne, %convert_element_type3A_131, %cond3A_132 : i32
      scf.if %cond3A_133 {
        %ge3A = arith.constant 1 : i32
        %ge3A_208 = arith.cmpi sge, %add3A_100, %ge3A : i32
        %convert_element_type3A_209 = arith.extui %ge3A_208 : i1 to i32
        %cond3A_210 = arith.constant 0 : i32
        %cond3A_211 = arith.cmpi ne, %convert_element_type3A_209, %cond3A_210 : i32
        scf.if %cond3A_211 {
          %dma_wait3A_221 = arith.constant 0 : i32
          %dma_wait3A_222 = arith.constant 0 : i32
          %dma_wait3A_223 = arith.constant 0 : i32
          %dma_wait3A_224 = tpu.memref_slice %arg5[%dma_wait3A_221, %dma_wait3A_222, %dma_wait3A_223] : memref<8192x100x128xf32, #tpu.memory_space<hbm>> -> memref<1x100x128xf32, #tpu.memory_space<hbm>>
          %dma_wait3A_225 = tpu.memref_squeeze %dma_wait3A_224 : memref<1x100x128xf32, #tpu.memory_space<hbm>> -> memref<100x128xf32, #tpu.memory_space<hbm>>
          %dma_wait3A_226 = arith.constant 0 : i32
          %dma_wait3A_227 = arith.constant 0 : i32
          %dma_wait3A_228 = tpu.memref_slice %arg5[%dma_wait3A_221, %dma_wait3A_226, %dma_wait3A_227] : memref<8192x100x128xf32, #tpu.memory_space<hbm>> -> memref<1x100x128xf32, #tpu.memory_space<hbm>>
          %dma_wait3A_229 = tpu.memref_squeeze %dma_wait3A_228 : memref<1x100x128xf32, #tpu.memory_space<hbm>> -> memref<100x128xf32, #tpu.memory_space<hbm>>
          tpu.wait_dma2 semaphore(%arg16 : memref<!tpu.dma_semaphore, #tpu.memory_space<semaphore_mem>>) src(%arg8 : memref<100x128xf32, #tpu.memory_space<vmem>>) dst(%dma_wait3A_229 : memref<100x128xf32, #tpu.memory_space<hbm>>)
        } else {
        }
        %add3A_212 = arith.constant 4 : i32
        %add3A_213 = arith.addi %add3A_100, %add3A_212 : i32
        %sub3A = arith.constant 1 : i32
        %sub3A_214 = arith.subi %add3A_213, %sub3A : i32
        %dma_start3A_215 = arith.constant 0 : i32
        %dma_start3A_216 = tpu.memref_slice %arg7[%sub3A_214, %dma_start3A_215] : memref<256x100xi32, #tpu.memory_space<vmem>> -> memref<1x100xi32, #tpu.memory_space<vmem>>
        %dma_start3A_217 = tpu.memref_squeeze %dma_start3A_216 : memref<1x100xi32, #tpu.memory_space<vmem>> -> memref<100xi32, #tpu.memory_space<vmem>>
        %dma_start3A_218 = arith.constant 0 : i32
        %dma_start3A_219 = arith.constant 0 : i32
        %dma_start3A_220 = tpu.memref_slice %arg4[%dma_start3A_218, %dma_start3A_219] : memref<100000x128xf32, #tpu.memory_space<hbm>> -> memref<100000x128xf32, #tpu.memory_space<hbm>>
        tpu.enqueue_indirect_dma source(%dma_start3A_220 : memref<100000x128xf32, #tpu.memory_space<hbm>>) target(%arg8 : memref<100x128xf32, #tpu.memory_space<vmem>>) offsets(%dma_start3A_217 : memref<100xi32, #tpu.memory_space<vmem>>) semaphore(%arg12 : memref<!tpu.dma_semaphore, #tpu.memory_space<semaphore_mem>>)
      } else {
      }
      %mul3A_134 = arith.constant 4 : i32
      %mul3A_135 = arith.muli %mul3A_134, %scan3A_63 : i32
      %add3A_136 = arith.constant 2 : i32
      %add3A_137 = arith.addi %mul3A_135, %add3A_136 : i32
      %dma_wait3A_138 = arith.constant 0 : i32
      %dma_wait3A_139 = arith.constant 0 : i32
      %dma_wait3A_140 = arith.constant 0 : i32
      %dma_wait3A_141 = tpu.memref_slice %arg5[%dma_wait3A_138, %dma_wait3A_139, %dma_wait3A_140] : memref<8192x100x128xf32, #tpu.memory_space<hbm>> -> memref<1x100x128xf32, #tpu.memory_space<hbm>>
      %dma_wait3A_142 = tpu.memref_squeeze %dma_wait3A_141 : memref<1x100x128xf32, #tpu.memory_space<hbm>> -> memref<100x128xf32, #tpu.memory_space<hbm>>
      %dma_wait3A_143 = arith.constant 0 : i32
      %dma_wait3A_144 = arith.constant 0 : i32
      %dma_wait3A_145 = tpu.memref_slice %arg5[%dma_wait3A_138, %dma_wait3A_143, %dma_wait3A_144] : memref<8192x100x128xf32, #tpu.memory_space<hbm>> -> memref<1x100x128xf32, #tpu.memory_space<hbm>>
      %dma_wait3A_146 = tpu.memref_squeeze %dma_wait3A_145 : memref<1x100x128xf32, #tpu.memory_space<hbm>> -> memref<100x128xf32, #tpu.memory_space<hbm>>
      tpu.wait_dma2 semaphore(%arg14 : memref<!tpu.dma_semaphore, #tpu.memory_space<semaphore_mem>>) src(%dma_wait3A_146 : memref<100x128xf32, #tpu.memory_space<hbm>>) dst(%arg10 : memref<100x128xf32, #tpu.memory_space<vmem>>)
      %rem3A_147 = arith.constant 2 : i32
      %rem3A_148 = arith.remsi %add3A_137, %rem3A_147 : i32
      %mul3A_149 = arith.constant 100 : i32
      %mul3A_150 = arith.muli %rem3A_148, %mul3A_149 : i32
      %scan3A_151 = arith.constant 0 : i32
      %scan3A_152 = arith.constant 0 : i32
      %scan3A_153 = arith.constant 100 : i32
      %scan3A_154 = arith.addi %scan3A_152, %scan3A_153 : i32
      %scan3A_155 = arith.constant 4 : i32
      scf.for %scan3A_208 = %scan3A_152 to %scan3A_154 step %scan3A_155  : i32 {
        %add3A_209 = arith.addi %mul3A_150, %scan3A_208 : i32
        %get3A = arith.index_cast %add3A_209 : i32 to index
        %get3A_210 = arith.constant 0 : index
        %get3A_211 = tpu.vector_load %arg6[%get3A, %get3A_210] {strides = array<i32>} : memref<200x128xf32, #tpu.memory_space<vmem>>, vector<1x16xf32>,
        %get3A_212 = vector.shape_cast %get3A_211 : vector<1x16xf32> to vector<16xf32>
        %swap3A = arith.index_cast %scan3A_208 : i32 to index
        %swap3A_213 = arith.constant 0 : index
        %swap3A_214 = tpu.vector_load %arg10[%swap3A, %swap3A_213] {strides = array<i32>} : memref<100x128xf32, #tpu.memory_space<vmem>>, vector<1x16xf32>,
        %swap3A_215 = vector.shape_cast %swap3A_214 : vector<1x16xf32> to vector<16xf32>
        %swap3A_216 = vector.shape_cast %get3A_212 : vector<16xf32> to vector<1x16xf32>
        tpu.vector_store %arg10[%swap3A, %swap3A_213], %swap3A_216 {add = true, strides = array<i32>} : memref<100x128xf32, #tpu.memory_space<vmem>>, vector<1x16xf32>,
        %add3A_217 = arith.addi %mul3A_150, %scan3A_208 : i32
        %get3A_218 = arith.index_cast %add3A_217 : i32 to index
        %get3A_219 = arith.constant 16 : index
        %get3A_220 = tpu.vector_load %arg6[%get3A_218, %get3A_219] {strides = array<i32>} : memref<200x128xf32, #tpu.memory_space<vmem>>, vector<1x16xf32>,
        %get3A_221 = vector.shape_cast %get3A_220 : vector<1x16xf32> to vector<16xf32>
        %swap3A_222 = arith.index_cast %scan3A_208 : i32 to index
        %swap3A_223 = arith.constant 16 : index
        %swap3A_224 = tpu.vector_load %arg10[%swap3A_222, %swap3A_223] {strides = array<i32>} : memref<100x128xf32, #tpu.memory_space<vmem>>, vector<1x16xf32>,
        %swap3A_225 = vector.shape_cast %swap3A_224 : vector<1x16xf32> to vector<16xf32>
        %swap3A_226 = vector.shape_cast %get3A_221 : vector<16xf32> to vector<1x16xf32>
        tpu.vector_store %arg10[%swap3A_222, %swap3A_223], %swap3A_226 {add = true, strides = array<i32>} : memref<100x128xf32, #tpu.memory_space<vmem>>, vector<1x16xf32>,
        %add3A_227 = arith.addi %mul3A_150, %scan3A_208 : i32
        %get3A_228 = arith.index_cast %add3A_227 : i32 to index
        %get3A_229 = arith.constant 32 : index
        %get3A_230 = tpu.vector_load %arg6[%get3A_228, %get3A_229] {strides = array<i32>} : memref<200x128xf32, #tpu.memory_space<vmem>>, vector<1x16xf32>,
        %get3A_231 = vector.shape_cast %get3A_230 : vector<1x16xf32> to vector<16xf32>
        %swap3A_232 = arith.index_cast %scan3A_208 : i32 to index
        %swap3A_233 = arith.constant 32 : index
        %swap3A_234 = tpu.vector_load %arg10[%swap3A_232, %swap3A_233] {strides = array<i32>} : memref<100x128xf32, #tpu.memory_space<vmem>>, vector<1x16xf32>,
        %swap3A_235 = vector.shape_cast %swap3A_234 : vector<1x16xf32> to vector<16xf32>
        %swap3A_236 = vector.shape_cast %get3A_231 : vector<16xf32> to vector<1x16xf32>
        tpu.vector_store %arg10[%swap3A_232, %swap3A_233], %swap3A_236 {add = true, strides = array<i32>} : memref<100x128xf32, #tpu.memory_space<vmem>>, vector<1x16xf32>,
        %add3A_237 = arith.addi %mul3A_150, %scan3A_208 : i32
        %get3A_238 = arith.index_cast %add3A_237 : i32 to index
        %get3A_239 = arith.constant 48 : index
        %get3A_240 = tpu.vector_load %arg6[%get3A_238, %get3A_239] {strides = array<i32>} : memref<200x128xf32, #tpu.memory_space<vmem>>, vector<1x16xf32>,
        %get3A_241 = vector.shape_cast %get3A_240 : vector<1x16xf32> to vector<16xf32>
        %swap3A_242 = arith.index_cast %scan3A_208 : i32 to index
        %swap3A_243 = arith.constant 48 : index
        %swap3A_244 = tpu.vector_load %arg10[%swap3A_242, %swap3A_243] {strides = array<i32>} : memref<100x128xf32, #tpu.memory_space<vmem>>, vector<1x16xf32>,
        %swap3A_245 = vector.shape_cast %swap3A_244 : vector<1x16xf32> to vector<16xf32>
        %swap3A_246 = vector.shape_cast %get3A_241 : vector<16xf32> to vector<1x16xf32>
        tpu.vector_store %arg10[%swap3A_242, %swap3A_243], %swap3A_246 {add = true, strides = array<i32>} : memref<100x128xf32, #tpu.memory_space<vmem>>, vector<1x16xf32>,
        %add3A_247 = arith.addi %mul3A_150, %scan3A_208 : i32
        %get3A_248 = arith.index_cast %add3A_247 : i32 to index
        %get3A_249 = arith.constant 64 : index
        %get3A_250 = tpu.vector_load %arg6[%get3A_248, %get3A_249] {strides = array<i32>} : memref<200x128xf32, #tpu.memory_space<vmem>>, vector<1x16xf32>,
        %get3A_251 = vector.shape_cast %get3A_250 : vector<1x16xf32> to vector<16xf32>
        %swap3A_252 = arith.index_cast %scan3A_208 : i32 to index
        %swap3A_253 = arith.constant 64 : index
        %swap3A_254 = tpu.vector_load %arg10[%swap3A_252, %swap3A_253] {strides = array<i32>} : memref<100x128xf32, #tpu.memory_space<vmem>>, vector<1x16xf32>,
        %swap3A_255 = vector.shape_cast %swap3A_254 : vector<1x16xf32> to vector<16xf32>
        %swap3A_256 = vector.shape_cast %get3A_251 : vector<16xf32> to vector<1x16xf32>
        tpu.vector_store %arg10[%swap3A_252, %swap3A_253], %swap3A_256 {add = true, strides = array<i32>} : memref<100x128xf32, #tpu.memory_space<vmem>>, vector<1x16xf32>,
        %add3A_257 = arith.addi %mul3A_150, %scan3A_208 : i32
        %get3A_258 = arith.index_cast %add3A_257 : i32 to index
        %get3A_259 = arith.constant 80 : index
        %get3A_260 = tpu.vector_load %arg6[%get3A_258, %get3A_259] {strides = array<i32>} : memref<200x128xf32, #tpu.memory_space<vmem>>, vector<1x16xf32>,
        %get3A_261 = vector.shape_cast %get3A_260 : vector<1x16xf32> to vector<16xf32>
        %swap3A_262 = arith.index_cast %scan3A_208 : i32 to index
        %swap3A_263 = arith.constant 80 : index
        %swap3A_264 = tpu.vector_load %arg10[%swap3A_262, %swap3A_263] {strides = array<i32>} : memref<100x128xf32, #tpu.memory_space<vmem>>, vector<1x16xf32>,
        %swap3A_265 = vector.shape_cast %swap3A_264 : vector<1x16xf32> to vector<16xf32>
        %swap3A_266 = vector.shape_cast %get3A_261 : vector<16xf32> to vector<1x16xf32>
        tpu.vector_store %arg10[%swap3A_262, %swap3A_263], %swap3A_266 {add = true, strides = array<i32>} : memref<100x128xf32, #tpu.memory_space<vmem>>, vector<1x16xf32>,
        %add3A_267 = arith.addi %mul3A_150, %scan3A_208 : i32
        %get3A_268 = arith.index_cast %add3A_267 : i32 to index
        %get3A_269 = arith.constant 96 : index
        %get3A_270 = tpu.vector_load %arg6[%get3A_268, %get3A_269] {strides = array<i32>} : memref<200x128xf32, #tpu.memory_space<vmem>>, vector<1x16xf32>,
        %get3A_271 = vector.shape_cast %get3A_270 : vector<1x16xf32> to vector<16xf32>
        %swap3A_272 = arith.index_cast %scan3A_208 : i32 to index
        %swap3A_273 = arith.constant 96 : index
        %swap3A_274 = tpu.vector_load %arg10[%swap3A_272, %swap3A_273] {strides = array<i32>} : memref<100x128xf32, #tpu.memory_space<vmem>>, vector<1x16xf32>,
        %swap3A_275 = vector.shape_cast %swap3A_274 : vector<1x16xf32> to vector<16xf32>
        %swap3A_276 = vector.shape_cast %get3A_271 : vector<16xf32> to vector<1x16xf32>
        tpu.vector_store %arg10[%swap3A_272, %swap3A_273], %swap3A_276 {add = true, strides = array<i32>} : memref<100x128xf32, #tpu.memory_space<vmem>>, vector<1x16xf32>,
        %add3A_277 = arith.addi %mul3A_150, %scan3A_208 : i32
        %get3A_278 = arith.index_cast %add3A_277 : i32 to index
        %get3A_279 = arith.constant 112 : index
        %get3A_280 = tpu.vector_load %arg6[%get3A_278, %get3A_279] {strides = array<i32>} : memref<200x128xf32, #tpu.memory_space<vmem>>, vector<1x16xf32>,
        %get3A_281 = vector.shape_cast %get3A_280 : vector<1x16xf32> to vector<16xf32>
        %swap3A_282 = arith.index_cast %scan3A_208 : i32 to index
        %swap3A_283 = arith.constant 112 : index
        %swap3A_284 = tpu.vector_load %arg10[%swap3A_282, %swap3A_283] {strides = array<i32>} : memref<100x128xf32, #tpu.memory_space<vmem>>, vector<1x16xf32>,
        %swap3A_285 = vector.shape_cast %swap3A_284 : vector<1x16xf32> to vector<16xf32>
        %swap3A_286 = vector.shape_cast %get3A_281 : vector<16xf32> to vector<1x16xf32>
        tpu.vector_store %arg10[%swap3A_282, %swap3A_283], %swap3A_286 {add = true, strides = array<i32>} : memref<100x128xf32, #tpu.memory_space<vmem>>, vector<1x16xf32>,
        %scan3A_287 = arith.constant 1 : i32
        %scan3A_288 = arith.addi %scan3A_208, %scan3A_287 : i32
        %add3A_289 = arith.addi %mul3A_150, %scan3A_288 : i32
        %get3A_290 = arith.index_cast %add3A_289 : i32 to index
        %get3A_291 = arith.constant 0 : index
        %get3A_292 = tpu.vector_load %arg6[%get3A_290, %get3A_291] {strides = array<i32>} : memref<200x128xf32, #tpu.memory_space<vmem>>, vector<1x16xf32>,
        %get3A_293 = vector.shape_cast %get3A_292 : vector<1x16xf32> to vector<16xf32>
        %swap3A_294 = arith.index_cast %scan3A_288 : i32 to index
        %swap3A_295 = arith.constant 0 : index
        %swap3A_296 = tpu.vector_load %arg10[%swap3A_294, %swap3A_295] {strides = array<i32>} : memref<100x128xf32, #tpu.memory_space<vmem>>, vector<1x16xf32>,
        %swap3A_297 = vector.shape_cast %swap3A_296 : vector<1x16xf32> to vector<16xf32>
        %swap3A_298 = vector.shape_cast %get3A_293 : vector<16xf32> to vector<1x16xf32>
        tpu.vector_store %arg10[%swap3A_294, %swap3A_295], %swap3A_298 {add = true, strides = array<i32>} : memref<100x128xf32, #tpu.memory_space<vmem>>, vector<1x16xf32>,
        %add3A_299 = arith.addi %mul3A_150, %scan3A_288 : i32
        %get3A_300 = arith.index_cast %add3A_299 : i32 to index
        %get3A_301 = arith.constant 16 : index
        %get3A_302 = tpu.vector_load %arg6[%get3A_300, %get3A_301] {strides = array<i32>} : memref<200x128xf32, #tpu.memory_space<vmem>>, vector<1x16xf32>,
        %get3A_303 = vector.shape_cast %get3A_302 : vector<1x16xf32> to vector<16xf32>
        %swap3A_304 = arith.index_cast %scan3A_288 : i32 to index
        %swap3A_305 = arith.constant 16 : index
        %swap3A_306 = tpu.vector_load %arg10[%swap3A_304, %swap3A_305] {strides = array<i32>} : memref<100x128xf32, #tpu.memory_space<vmem>>, vector<1x16xf32>,
        %swap3A_307 = vector.shape_cast %swap3A_306 : vector<1x16xf32> to vector<16xf32>
        %swap3A_308 = vector.shape_cast %get3A_303 : vector<16xf32> to vector<1x16xf32>
        tpu.vector_store %arg10[%swap3A_304, %swap3A_305], %swap3A_308 {add = true, strides = array<i32>} : memref<100x128xf32, #tpu.memory_space<vmem>>, vector<1x16xf32>,
        %add3A_309 = arith.addi %mul3A_150, %scan3A_288 : i32
        %get3A_310 = arith.index_cast %add3A_309 : i32 to index
        %get3A_311 = arith.constant 32 : index
        %get3A_312 = tpu.vector_load %arg6[%get3A_310, %get3A_311] {strides = array<i32>} : memref<200x128xf32, #tpu.memory_space<vmem>>, vector<1x16xf32>,
        %get3A_313 = vector.shape_cast %get3A_312 : vector<1x16xf32> to vector<16xf32>
        %swap3A_314 = arith.index_cast %scan3A_288 : i32 to index
        %swap3A_315 = arith.constant 32 : index
        %swap3A_316 = tpu.vector_load %arg10[%swap3A_314, %swap3A_315] {strides = array<i32>} : memref<100x128xf32, #tpu.memory_space<vmem>>, vector<1x16xf32>,
        %swap3A_317 = vector.shape_cast %swap3A_316 : vector<1x16xf32> to vector<16xf32>
        %swap3A_318 = vector.shape_cast %get3A_313 : vector<16xf32> to vector<1x16xf32>
        tpu.vector_store %arg10[%swap3A_314, %swap3A_315], %swap3A_318 {add = true, strides = array<i32>} : memref<100x128xf32, #tpu.memory_space<vmem>>, vector<1x16xf32>,
        %add3A_319 = arith.addi %mul3A_150, %scan3A_288 : i32
        %get3A_320 = arith.index_cast %add3A_319 : i32 to index
        %get3A_321 = arith.constant 48 : index
        %get3A_322 = tpu.vector_load %arg6[%get3A_320, %get3A_321] {strides = array<i32>} : memref<200x128xf32, #tpu.memory_space<vmem>>, vector<1x16xf32>,
        %get3A_323 = vector.shape_cast %get3A_322 : vector<1x16xf32> to vector<16xf32>
        %swap3A_324 = arith.index_cast %scan3A_288 : i32 to index
        %swap3A_325 = arith.constant 48 : index
        %swap3A_326 = tpu.vector_load %arg10[%swap3A_324, %swap3A_325] {strides = array<i32>} : memref<100x128xf32, #tpu.memory_space<vmem>>, vector<1x16xf32>,
        %swap3A_327 = vector.shape_cast %swap3A_326 : vector<1x16xf32> to vector<16xf32>
        %swap3A_328 = vector.shape_cast %get3A_323 : vector<16xf32> to vector<1x16xf32>
        tpu.vector_store %arg10[%swap3A_324, %swap3A_325], %swap3A_328 {add = true, strides = array<i32>} : memref<100x128xf32, #tpu.memory_space<vmem>>, vector<1x16xf32>,
        %add3A_329 = arith.addi %mul3A_150, %scan3A_288 : i32
        %get3A_330 = arith.index_cast %add3A_329 : i32 to index
        %get3A_331 = arith.constant 64 : index
        %get3A_332 = tpu.vector_load %arg6[%get3A_330, %get3A_331] {strides = array<i32>} : memref<200x128xf32, #tpu.memory_space<vmem>>, vector<1x16xf32>,
        %get3A_333 = vector.shape_cast %get3A_332 : vector<1x16xf32> to vector<16xf32>
        %swap3A_334 = arith.index_cast %scan3A_288 : i32 to index
        %swap3A_335 = arith.constant 64 : index
        %swap3A_336 = tpu.vector_load %arg10[%swap3A_334, %swap3A_335] {strides = array<i32>} : memref<100x128xf32, #tpu.memory_space<vmem>>, vector<1x16xf32>,
        %swap3A_337 = vector.shape_cast %swap3A_336 : vector<1x16xf32> to vector<16xf32>
        %swap3A_338 = vector.shape_cast %get3A_333 : vector<16xf32> to vector<1x16xf32>
        tpu.vector_store %arg10[%swap3A_334, %swap3A_335], %swap3A_338 {add = true, strides = array<i32>} : memref<100x128xf32, #tpu.memory_space<vmem>>, vector<1x16xf32>,
        %add3A_339 = arith.addi %mul3A_150, %scan3A_288 : i32
        %get3A_340 = arith.index_cast %add3A_339 : i32 to index
        %get3A_341 = arith.constant 80 : index
        %get3A_342 = tpu.vector_load %arg6[%get3A_340, %get3A_341] {strides = array<i32>} : memref<200x128xf32, #tpu.memory_space<vmem>>, vector<1x16xf32>,
        %get3A_343 = vector.shape_cast %get3A_342 : vector<1x16xf32> to vector<16xf32>
        %swap3A_344 = arith.index_cast %scan3A_288 : i32 to index
        %swap3A_345 = arith.constant 80 : index
        %swap3A_346 = tpu.vector_load %arg10[%swap3A_344, %swap3A_345] {strides = array<i32>} : memref<100x128xf32, #tpu.memory_space<vmem>>, vector<1x16xf32>,
        %swap3A_347 = vector.shape_cast %swap3A_346 : vector<1x16xf32> to vector<16xf32>
        %swap3A_348 = vector.shape_cast %get3A_343 : vector<16xf32> to vector<1x16xf32>
        tpu.vector_store %arg10[%swap3A_344, %swap3A_345], %swap3A_348 {add = true, strides = array<i32>} : memref<100x128xf32, #tpu.memory_space<vmem>>, vector<1x16xf32>,
        %add3A_349 = arith.addi %mul3A_150, %scan3A_288 : i32
        %get3A_350 = arith.index_cast %add3A_349 : i32 to index
        %get3A_351 = arith.constant 96 : index
        %get3A_352 = tpu.vector_load %arg6[%get3A_350, %get3A_351] {strides = array<i32>} : memref<200x128xf32, #tpu.memory_space<vmem>>, vector<1x16xf32>,
        %get3A_353 = vector.shape_cast %get3A_352 : vector<1x16xf32> to vector<16xf32>
        %swap3A_354 = arith.index_cast %scan3A_288 : i32 to index
        %swap3A_355 = arith.constant 96 : index
        %swap3A_356 = tpu.vector_load %arg10[%swap3A_354, %swap3A_355] {strides = array<i32>} : memref<100x128xf32, #tpu.memory_space<vmem>>, vector<1x16xf32>,
        %swap3A_357 = vector.shape_cast %swap3A_356 : vector<1x16xf32> to vector<16xf32>
        %swap3A_358 = vector.shape_cast %get3A_353 : vector<16xf32> to vector<1x16xf32>
        tpu.vector_store %arg10[%swap3A_354, %swap3A_355], %swap3A_358 {add = true, strides = array<i32>} : memref<100x128xf32, #tpu.memory_space<vmem>>, vector<1x16xf32>,
        %add3A_359 = arith.addi %mul3A_150, %scan3A_288 : i32
        %get3A_360 = arith.index_cast %add3A_359 : i32 to index
        %get3A_361 = arith.constant 112 : index
        %get3A_362 = tpu.vector_load %arg6[%get3A_360, %get3A_361] {strides = array<i32>} : memref<200x128xf32, #tpu.memory_space<vmem>>, vector<1x16xf32>,
        %get3A_363 = vector.shape_cast %get3A_362 : vector<1x16xf32> to vector<16xf32>
        %swap3A_364 = arith.index_cast %scan3A_288 : i32 to index
        %swap3A_365 = arith.constant 112 : index
        %swap3A_366 = tpu.vector_load %arg10[%swap3A_364, %swap3A_365] {strides = array<i32>} : memref<100x128xf32, #tpu.memory_space<vmem>>, vector<1x16xf32>,
        %swap3A_367 = vector.shape_cast %swap3A_366 : vector<1x16xf32> to vector<16xf32>
        %swap3A_368 = vector.shape_cast %get3A_363 : vector<16xf32> to vector<1x16xf32>
        tpu.vector_store %arg10[%swap3A_364, %swap3A_365], %swap3A_368 {add = true, strides = array<i32>} : memref<100x128xf32, #tpu.memory_space<vmem>>, vector<1x16xf32>,
        %scan3A_369 = arith.constant 2 : i32
        %scan3A_370 = arith.addi %scan3A_208, %scan3A_369 : i32
        %add3A_371 = arith.addi %mul3A_150, %scan3A_370 : i32
        %get3A_372 = arith.index_cast %add3A_371 : i32 to index
        %get3A_373 = arith.constant 0 : index
        %get3A_374 = tpu.vector_load %arg6[%get3A_372, %get3A_373] {strides = array<i32>} : memref<200x128xf32, #tpu.memory_space<vmem>>, vector<1x16xf32>,
        %get3A_375 = vector.shape_cast %get3A_374 : vector<1x16xf32> to vector<16xf32>
        %swap3A_376 = arith.index_cast %scan3A_370 : i32 to index
        %swap3A_377 = arith.constant 0 : index
        %swap3A_378 = tpu.vector_load %arg10[%swap3A_376, %swap3A_377] {strides = array<i32>} : memref<100x128xf32, #tpu.memory_space<vmem>>, vector<1x16xf32>,
        %swap3A_379 = vector.shape_cast %swap3A_378 : vector<1x16xf32> to vector<16xf32>
        %swap3A_380 = vector.shape_cast %get3A_375 : vector<16xf32> to vector<1x16xf32>
        tpu.vector_store %arg10[%swap3A_376, %swap3A_377], %swap3A_380 {add = true, strides = array<i32>} : memref<100x128xf32, #tpu.memory_space<vmem>>, vector<1x16xf32>,
        %add3A_381 = arith.addi %mul3A_150, %scan3A_370 : i32
        %get3A_382 = arith.index_cast %add3A_381 : i32 to index
        %get3A_383 = arith.constant 16 : index
        %get3A_384 = tpu.vector_load %arg6[%get3A_382, %get3A_383] {strides = array<i32>} : memref<200x128xf32, #tpu.memory_space<vmem>>, vector<1x16xf32>,
        %get3A_385 = vector.shape_cast %get3A_384 : vector<1x16xf32> to vector<16xf32>
        %swap3A_386 = arith.index_cast %scan3A_370 : i32 to index
        %swap3A_387 = arith.constant 16 : index
        %swap3A_388 = tpu.vector_load %arg10[%swap3A_386, %swap3A_387] {strides = array<i32>} : memref<100x128xf32, #tpu.memory_space<vmem>>, vector<1x16xf32>,
        %swap3A_389 = vector.shape_cast %swap3A_388 : vector<1x16xf32> to vector<16xf32>
        %swap3A_390 = vector.shape_cast %get3A_385 : vector<16xf32> to vector<1x16xf32>
        tpu.vector_store %arg10[%swap3A_386, %swap3A_387], %swap3A_390 {add = true, strides = array<i32>} : memref<100x128xf32, #tpu.memory_space<vmem>>, vector<1x16xf32>,
        %add3A_391 = arith.addi %mul3A_150, %scan3A_370 : i32
        %get3A_392 = arith.index_cast %add3A_391 : i32 to index
        %get3A_393 = arith.constant 32 : index
        %get3A_394 = tpu.vector_load %arg6[%get3A_392, %get3A_393] {strides = array<i32>} : memref<200x128xf32, #tpu.memory_space<vmem>>, vector<1x16xf32>,
        %get3A_395 = vector.shape_cast %get3A_394 : vector<1x16xf32> to vector<16xf32>
        %swap3A_396 = arith.index_cast %scan3A_370 : i32 to index
        %swap3A_397 = arith.constant 32 : index
        %swap3A_398 = tpu.vector_load %arg10[%swap3A_396, %swap3A_397] {strides = array<i32>} : memref<100x128xf32, #tpu.memory_space<vmem>>, vector<1x16xf32>,
        %swap3A_399 = vector.shape_cast %swap3A_398 : vector<1x16xf32> to vector<16xf32>
        %swap3A_400 = vector.shape_cast %get3A_395 : vector<16xf32> to vector<1x16xf32>
        tpu.vector_store %arg10[%swap3A_396, %swap3A_397], %swap3A_400 {add = true, strides = array<i32>} : memref<100x128xf32, #tpu.memory_space<vmem>>, vector<1x16xf32>,
        %add3A_401 = arith.addi %mul3A_150, %scan3A_370 : i32
        %get3A_402 = arith.index_cast %add3A_401 : i32 to index
        %get3A_403 = arith.constant 48 : index
        %get3A_404 = tpu.vector_load %arg6[%get3A_402, %get3A_403] {strides = array<i32>} : memref<200x128xf32, #tpu.memory_space<vmem>>, vector<1x16xf32>,
        %get3A_405 = vector.shape_cast %get3A_404 : vector<1x16xf32> to vector<16xf32>
        %swap3A_406 = arith.index_cast %scan3A_370 : i32 to index
        %swap3A_407 = arith.constant 48 : index
        %swap3A_408 = tpu.vector_load %arg10[%swap3A_406, %swap3A_407] {strides = array<i32>} : memref<100x128xf32, #tpu.memory_space<vmem>>, vector<1x16xf32>,
        %swap3A_409 = vector.shape_cast %swap3A_408 : vector<1x16xf32> to vector<16xf32>
        %swap3A_410 = vector.shape_cast %get3A_405 : vector<16xf32> to vector<1x16xf32>
        tpu.vector_store %arg10[%swap3A_406, %swap3A_407], %swap3A_410 {add = true, strides = array<i32>} : memref<100x128xf32, #tpu.memory_space<vmem>>, vector<1x16xf32>,
        %add3A_411 = arith.addi %mul3A_150, %scan3A_370 : i32
        %get3A_412 = arith.index_cast %add3A_411 : i32 to index
        %get3A_413 = arith.constant 64 : index
        %get3A_414 = tpu.vector_load %arg6[%get3A_412, %get3A_413] {strides = array<i32>} : memref<200x128xf32, #tpu.memory_space<vmem>>, vector<1x16xf32>,
        %get3A_415 = vector.shape_cast %get3A_414 : vector<1x16xf32> to vector<16xf32>
        %swap3A_416 = arith.index_cast %scan3A_370 : i32 to index
        %swap3A_417 = arith.constant 64 : index
        %swap3A_418 = tpu.vector_load %arg10[%swap3A_416, %swap3A_417] {strides = array<i32>} : memref<100x128xf32, #tpu.memory_space<vmem>>, vector<1x16xf32>,
        %swap3A_419 = vector.shape_cast %swap3A_418 : vector<1x16xf32> to vector<16xf32>
        %swap3A_420 = vector.shape_cast %get3A_415 : vector<16xf32> to vector<1x16xf32>
        tpu.vector_store %arg10[%swap3A_416, %swap3A_417], %swap3A_420 {add = true, strides = array<i32>} : memref<100x128xf32, #tpu.memory_space<vmem>>, vector<1x16xf32>,
        %add3A_421 = arith.addi %mul3A_150, %scan3A_370 : i32
        %get3A_422 = arith.index_cast %add3A_421 : i32 to index
        %get3A_423 = arith.constant 80 : index
        %get3A_424 = tpu.vector_load %arg6[%get3A_422, %get3A_423] {strides = array<i32>} : memref<200x128xf32, #tpu.memory_space<vmem>>, vector<1x16xf32>,
        %get3A_425 = vector.shape_cast %get3A_424 : vector<1x16xf32> to vector<16xf32>
        %swap3A_426 = arith.index_cast %scan3A_370 : i32 to index
        %swap3A_427 = arith.constant 80 : index
        %swap3A_428 = tpu.vector_load %arg10[%swap3A_426, %swap3A_427] {strides = array<i32>} : memref<100x128xf32, #tpu.memory_space<vmem>>, vector<1x16xf32>,
        %swap3A_429 = vector.shape_cast %swap3A_428 : vector<1x16xf32> to vector<16xf32>
        %swap3A_430 = vector.shape_cast %get3A_425 : vector<16xf32> to vector<1x16xf32>
        tpu.vector_store %arg10[%swap3A_426, %swap3A_427], %swap3A_430 {add = true, strides = array<i32>} : memref<100x128xf32, #tpu.memory_space<vmem>>, vector<1x16xf32>,
        %add3A_431 = arith.addi %mul3A_150, %scan3A_370 : i32
        %get3A_432 = arith.index_cast %add3A_431 : i32 to index
        %get3A_433 = arith.constant 96 : index
        %get3A_434 = tpu.vector_load %arg6[%get3A_432, %get3A_433] {strides = array<i32>} : memref<200x128xf32, #tpu.memory_space<vmem>>, vector<1x16xf32>,
        %get3A_435 = vector.shape_cast %get3A_434 : vector<1x16xf32> to vector<16xf32>
        %swap3A_436 = arith.index_cast %scan3A_370 : i32 to index
        %swap3A_437 = arith.constant 96 : index
        %swap3A_438 = tpu.vector_load %arg10[%swap3A_436, %swap3A_437] {strides = array<i32>} : memref<100x128xf32, #tpu.memory_space<vmem>>, vector<1x16xf32>,
        %swap3A_439 = vector.shape_cast %swap3A_438 : vector<1x16xf32> to vector<16xf32>
        %swap3A_440 = vector.shape_cast %get3A_435 : vector<16xf32> to vector<1x16xf32>
        tpu.vector_store %arg10[%swap3A_436, %swap3A_437], %swap3A_440 {add = true, strides = array<i32>} : memref<100x128xf32, #tpu.memory_space<vmem>>, vector<1x16xf32>,
        %add3A_441 = arith.addi %mul3A_150, %scan3A_370 : i32
        %get3A_442 = arith.index_cast %add3A_441 : i32 to index
        %get3A_443 = arith.constant 112 : index
        %get3A_444 = tpu.vector_load %arg6[%get3A_442, %get3A_443] {strides = array<i32>} : memref<200x128xf32, #tpu.memory_space<vmem>>, vector<1x16xf32>,
        %get3A_445 = vector.shape_cast %get3A_444 : vector<1x16xf32> to vector<16xf32>
        %swap3A_446 = arith.index_cast %scan3A_370 : i32 to index
        %swap3A_447 = arith.constant 112 : index
        %swap3A_448 = tpu.vector_load %arg10[%swap3A_446, %swap3A_447] {strides = array<i32>} : memref<100x128xf32, #tpu.memory_space<vmem>>, vector<1x16xf32>,
        %swap3A_449 = vector.shape_cast %swap3A_448 : vector<1x16xf32> to vector<16xf32>
        %swap3A_450 = vector.shape_cast %get3A_445 : vector<16xf32> to vector<1x16xf32>
        tpu.vector_store %arg10[%swap3A_446, %swap3A_447], %swap3A_450 {add = true, strides = array<i32>} : memref<100x128xf32, #tpu.memory_space<vmem>>, vector<1x16xf32>,
        %scan3A_451 = arith.constant 3 : i32
        %scan3A_452 = arith.addi %scan3A_208, %scan3A_451 : i32
        %add3A_453 = arith.addi %mul3A_150, %scan3A_452 : i32
        %get3A_454 = arith.index_cast %add3A_453 : i32 to index
        %get3A_455 = arith.constant 0 : index
        %get3A_456 = tpu.vector_load %arg6[%get3A_454, %get3A_455] {strides = array<i32>} : memref<200x128xf32, #tpu.memory_space<vmem>>, vector<1x16xf32>,
        %get3A_457 = vector.shape_cast %get3A_456 : vector<1x16xf32> to vector<16xf32>
        %swap3A_458 = arith.index_cast %scan3A_452 : i32 to index
        %swap3A_459 = arith.constant 0 : index
        %swap3A_460 = tpu.vector_load %arg10[%swap3A_458, %swap3A_459] {strides = array<i32>} : memref<100x128xf32, #tpu.memory_space<vmem>>, vector<1x16xf32>,
        %swap3A_461 = vector.shape_cast %swap3A_460 : vector<1x16xf32> to vector<16xf32>
        %swap3A_462 = vector.shape_cast %get3A_457 : vector<16xf32> to vector<1x16xf32>
        tpu.vector_store %arg10[%swap3A_458, %swap3A_459], %swap3A_462 {add = true, strides = array<i32>} : memref<100x128xf32, #tpu.memory_space<vmem>>, vector<1x16xf32>,
        %add3A_463 = arith.addi %mul3A_150, %scan3A_452 : i32
        %get3A_464 = arith.index_cast %add3A_463 : i32 to index
        %get3A_465 = arith.constant 16 : index
        %get3A_466 = tpu.vector_load %arg6[%get3A_464, %get3A_465] {strides = array<i32>} : memref<200x128xf32, #tpu.memory_space<vmem>>, vector<1x16xf32>,
        %get3A_467 = vector.shape_cast %get3A_466 : vector<1x16xf32> to vector<16xf32>
        %swap3A_468 = arith.index_cast %scan3A_452 : i32 to index
        %swap3A_469 = arith.constant 16 : index
        %swap3A_470 = tpu.vector_load %arg10[%swap3A_468, %swap3A_469] {strides = array<i32>} : memref<100x128xf32, #tpu.memory_space<vmem>>, vector<1x16xf32>,
        %swap3A_471 = vector.shape_cast %swap3A_470 : vector<1x16xf32> to vector<16xf32>
        %swap3A_472 = vector.shape_cast %get3A_467 : vector<16xf32> to vector<1x16xf32>
        tpu.vector_store %arg10[%swap3A_468, %swap3A_469], %swap3A_472 {add = true, strides = array<i32>} : memref<100x128xf32, #tpu.memory_space<vmem>>, vector<1x16xf32>,
        %add3A_473 = arith.addi %mul3A_150, %scan3A_452 : i32
        %get3A_474 = arith.index_cast %add3A_473 : i32 to index
        %get3A_475 = arith.constant 32 : index
        %get3A_476 = tpu.vector_load %arg6[%get3A_474, %get3A_475] {strides = array<i32>} : memref<200x128xf32, #tpu.memory_space<vmem>>, vector<1x16xf32>,
        %get3A_477 = vector.shape_cast %get3A_476 : vector<1x16xf32> to vector<16xf32>
        %swap3A_478 = arith.index_cast %scan3A_452 : i32 to index
        %swap3A_479 = arith.constant 32 : index
        %swap3A_480 = tpu.vector_load %arg10[%swap3A_478, %swap3A_479] {strides = array<i32>} : memref<100x128xf32, #tpu.memory_space<vmem>>, vector<1x16xf32>,
        %swap3A_481 = vector.shape_cast %swap3A_480 : vector<1x16xf32> to vector<16xf32>
        %swap3A_482 = vector.shape_cast %get3A_477 : vector<16xf32> to vector<1x16xf32>
        tpu.vector_store %arg10[%swap3A_478, %swap3A_479], %swap3A_482 {add = true, strides = array<i32>} : memref<100x128xf32, #tpu.memory_space<vmem>>, vector<1x16xf32>,
        %add3A_483 = arith.addi %mul3A_150, %scan3A_452 : i32
        %get3A_484 = arith.index_cast %add3A_483 : i32 to index
        %get3A_485 = arith.constant 48 : index
        %get3A_486 = tpu.vector_load %arg6[%get3A_484, %get3A_485] {strides = array<i32>} : memref<200x128xf32, #tpu.memory_space<vmem>>, vector<1x16xf32>,
        %get3A_487 = vector.shape_cast %get3A_486 : vector<1x16xf32> to vector<16xf32>
        %swap3A_488 = arith.index_cast %scan3A_452 : i32 to index
        %swap3A_489 = arith.constant 48 : index
        %swap3A_490 = tpu.vector_load %arg10[%swap3A_488, %swap3A_489] {strides = array<i32>} : memref<100x128xf32, #tpu.memory_space<vmem>>, vector<1x16xf32>,
        %swap3A_491 = vector.shape_cast %swap3A_490 : vector<1x16xf32> to vector<16xf32>
        %swap3A_492 = vector.shape_cast %get3A_487 : vector<16xf32> to vector<1x16xf32>
        tpu.vector_store %arg10[%swap3A_488, %swap3A_489], %swap3A_492 {add = true, strides = array<i32>} : memref<100x128xf32, #tpu.memory_space<vmem>>, vector<1x16xf32>,
        %add3A_493 = arith.addi %mul3A_150, %scan3A_452 : i32
        %get3A_494 = arith.index_cast %add3A_493 : i32 to index
        %get3A_495 = arith.constant 64 : index
        %get3A_496 = tpu.vector_load %arg6[%get3A_494, %get3A_495] {strides = array<i32>} : memref<200x128xf32, #tpu.memory_space<vmem>>, vector<1x16xf32>,
        %get3A_497 = vector.shape_cast %get3A_496 : vector<1x16xf32> to vector<16xf32>
        %swap3A_498 = arith.index_cast %scan3A_452 : i32 to index
        %swap3A_499 = arith.constant 64 : index
        %swap3A_500 = tpu.vector_load %arg10[%swap3A_498, %swap3A_499] {strides = array<i32>} : memref<100x128xf32, #tpu.memory_space<vmem>>, vector<1x16xf32>,
        %swap3A_501 = vector.shape_cast %swap3A_500 : vector<1x16xf32> to vector<16xf32>
        %swap3A_502 = vector.shape_cast %get3A_497 : vector<16xf32> to vector<1x16xf32>
        tpu.vector_store %arg10[%swap3A_498, %swap3A_499], %swap3A_502 {add = true, strides = array<i32>} : memref<100x128xf32, #tpu.memory_space<vmem>>, vector<1x16xf32>,
        %add3A_503 = arith.addi %mul3A_150, %scan3A_452 : i32
        %get3A_504 = arith.index_cast %add3A_503 : i32 to index
        %get3A_505 = arith.constant 80 : index
        %get3A_506 = tpu.vector_load %arg6[%get3A_504, %get3A_505] {strides = array<i32>} : memref<200x128xf32, #tpu.memory_space<vmem>>, vector<1x16xf32>,
        %get3A_507 = vector.shape_cast %get3A_506 : vector<1x16xf32> to vector<16xf32>
        %swap3A_508 = arith.index_cast %scan3A_452 : i32 to index
        %swap3A_509 = arith.constant 80 : index
        %swap3A_510 = tpu.vector_load %arg10[%swap3A_508, %swap3A_509] {strides = array<i32>} : memref<100x128xf32, #tpu.memory_space<vmem>>, vector<1x16xf32>,
        %swap3A_511 = vector.shape_cast %swap3A_510 : vector<1x16xf32> to vector<16xf32>
        %swap3A_512 = vector.shape_cast %get3A_507 : vector<16xf32> to vector<1x16xf32>
        tpu.vector_store %arg10[%swap3A_508, %swap3A_509], %swap3A_512 {add = true, strides = array<i32>} : memref<100x128xf32, #tpu.memory_space<vmem>>, vector<1x16xf32>,
        %add3A_513 = arith.addi %mul3A_150, %scan3A_452 : i32
        %get3A_514 = arith.index_cast %add3A_513 : i32 to index
        %get3A_515 = arith.constant 96 : index
        %get3A_516 = tpu.vector_load %arg6[%get3A_514, %get3A_515] {strides = array<i32>} : memref<200x128xf32, #tpu.memory_space<vmem>>, vector<1x16xf32>,
        %get3A_517 = vector.shape_cast %get3A_516 : vector<1x16xf32> to vector<16xf32>
        %swap3A_518 = arith.index_cast %scan3A_452 : i32 to index
        %swap3A_519 = arith.constant 96 : index
        %swap3A_520 = tpu.vector_load %arg10[%swap3A_518, %swap3A_519] {strides = array<i32>} : memref<100x128xf32, #tpu.memory_space<vmem>>, vector<1x16xf32>,
        %swap3A_521 = vector.shape_cast %swap3A_520 : vector<1x16xf32> to vector<16xf32>
        %swap3A_522 = vector.shape_cast %get3A_517 : vector<16xf32> to vector<1x16xf32>
        tpu.vector_store %arg10[%swap3A_518, %swap3A_519], %swap3A_522 {add = true, strides = array<i32>} : memref<100x128xf32, #tpu.memory_space<vmem>>, vector<1x16xf32>,
        %add3A_523 = arith.addi %mul3A_150, %scan3A_452 : i32
        %get3A_524 = arith.index_cast %add3A_523 : i32 to index
        %get3A_525 = arith.constant 112 : index
        %get3A_526 = tpu.vector_load %arg6[%get3A_524, %get3A_525] {strides = array<i32>} : memref<200x128xf32, #tpu.memory_space<vmem>>, vector<1x16xf32>,
        %get3A_527 = vector.shape_cast %get3A_526 : vector<1x16xf32> to vector<16xf32>
        %swap3A_528 = arith.index_cast %scan3A_452 : i32 to index
        %swap3A_529 = arith.constant 112 : index
        %swap3A_530 = tpu.vector_load %arg10[%swap3A_528, %swap3A_529] {strides = array<i32>} : memref<100x128xf32, #tpu.memory_space<vmem>>, vector<1x16xf32>,
        %swap3A_531 = vector.shape_cast %swap3A_530 : vector<1x16xf32> to vector<16xf32>
        %swap3A_532 = vector.shape_cast %get3A_527 : vector<16xf32> to vector<1x16xf32>
        tpu.vector_store %arg10[%swap3A_528, %swap3A_529], %swap3A_532 {add = true, strides = array<i32>} : memref<100x128xf32, #tpu.memory_space<vmem>>, vector<1x16xf32>,
      }
      %scan3A_156 = arith.constant 100 : i32
      %add3A_157 = arith.addi %mul3A_2, %add3A_137 : i32
      %dma_start3A_158 = arith.constant 0 : i32
      %dma_start3A_159 = arith.constant 0 : i32
      %dma_start3A_160 = tpu.memref_slice %arg5[%add3A_157, %dma_start3A_158, %dma_start3A_159] : memref<8192x100x128xf32, #tpu.memory_space<hbm>> -> memref<1x100x128xf32, #tpu.memory_space<hbm>>
      %dma_start3A_161 = tpu.memref_squeeze %dma_start3A_160 : memref<1x100x128xf32, #tpu.memory_space<hbm>> -> memref<100x128xf32, #tpu.memory_space<hbm>>
      %dma_start3A_162 = arith.constant 0 : i32
      %dma_start3A_163 = arith.constant 0 : i32
      %dma_start3A_164 = tpu.memref_slice %arg5[%add3A_157, %dma_start3A_162, %dma_start3A_163] : memref<8192x100x128xf32, #tpu.memory_space<hbm>> -> memref<1x100x128xf32, #tpu.memory_space<hbm>>
      %dma_start3A_165 = tpu.memref_squeeze %dma_start3A_164 : memref<1x100x128xf32, #tpu.memory_space<hbm>> -> memref<100x128xf32, #tpu.memory_space<hbm>>
      tpu.enqueue_dma source(%arg10 : memref<100x128xf32, #tpu.memory_space<vmem>>) target(%dma_start3A_165 : memref<100x128xf32, #tpu.memory_space<hbm>>) target_semaphore(%arg18 : memref<!tpu.dma_semaphore, #tpu.memory_space<semaphore_mem>>)
      %lt3A_166 = arith.constant 253 : i32
      %lt3A_167 = arith.cmpi slt, %add3A_137, %lt3A_166 : i32
      %convert_element_type3A_168 = arith.extui %lt3A_167 : i1 to i32
      %cond3A_169 = arith.constant 0 : i32
      %cond3A_170 = arith.cmpi ne, %convert_element_type3A_168, %cond3A_169 : i32
      scf.if %cond3A_170 {
        %ge3A = arith.constant 1 : i32
        %ge3A_208 = arith.cmpi sge, %add3A_137, %ge3A : i32
        %convert_element_type3A_209 = arith.extui %ge3A_208 : i1 to i32
        %cond3A_210 = arith.constant 0 : i32
        %cond3A_211 = arith.cmpi ne, %convert_element_type3A_209, %cond3A_210 : i32
        scf.if %cond3A_211 {
          %dma_wait3A_221 = arith.constant 0 : i32
          %dma_wait3A_222 = arith.constant 0 : i32
          %dma_wait3A_223 = arith.constant 0 : i32
          %dma_wait3A_224 = tpu.memref_slice %arg5[%dma_wait3A_221, %dma_wait3A_222, %dma_wait3A_223] : memref<8192x100x128xf32, #tpu.memory_space<hbm>> -> memref<1x100x128xf32, #tpu.memory_space<hbm>>
          %dma_wait3A_225 = tpu.memref_squeeze %dma_wait3A_224 : memref<1x100x128xf32, #tpu.memory_space<hbm>> -> memref<100x128xf32, #tpu.memory_space<hbm>>
          %dma_wait3A_226 = arith.constant 0 : i32
          %dma_wait3A_227 = arith.constant 0 : i32
          %dma_wait3A_228 = tpu.memref_slice %arg5[%dma_wait3A_221, %dma_wait3A_226, %dma_wait3A_227] : memref<8192x100x128xf32, #tpu.memory_space<hbm>> -> memref<1x100x128xf32, #tpu.memory_space<hbm>>
          %dma_wait3A_229 = tpu.memref_squeeze %dma_wait3A_228 : memref<1x100x128xf32, #tpu.memory_space<hbm>> -> memref<100x128xf32, #tpu.memory_space<hbm>>
          tpu.wait_dma2 semaphore(%arg17 : memref<!tpu.dma_semaphore, #tpu.memory_space<semaphore_mem>>) src(%arg9 : memref<100x128xf32, #tpu.memory_space<vmem>>) dst(%dma_wait3A_229 : memref<100x128xf32, #tpu.memory_space<hbm>>)
        } else {
        }
        %add3A_212 = arith.constant 4 : i32
        %add3A_213 = arith.addi %add3A_137, %add3A_212 : i32
        %sub3A = arith.constant 1 : i32
        %sub3A_214 = arith.subi %add3A_213, %sub3A : i32
        %dma_start3A_215 = arith.constant 0 : i32
        %dma_start3A_216 = tpu.memref_slice %arg7[%sub3A_214, %dma_start3A_215] : memref<256x100xi32, #tpu.memory_space<vmem>> -> memref<1x100xi32, #tpu.memory_space<vmem>>
        %dma_start3A_217 = tpu.memref_squeeze %dma_start3A_216 : memref<1x100xi32, #tpu.memory_space<vmem>> -> memref<100xi32, #tpu.memory_space<vmem>>
        %dma_start3A_218 = arith.constant 0 : i32
        %dma_start3A_219 = arith.constant 0 : i32
        %dma_start3A_220 = tpu.memref_slice %arg4[%dma_start3A_218, %dma_start3A_219] : memref<100000x128xf32, #tpu.memory_space<hbm>> -> memref<100000x128xf32, #tpu.memory_space<hbm>>
        tpu.enqueue_indirect_dma source(%dma_start3A_220 : memref<100000x128xf32, #tpu.memory_space<hbm>>) target(%arg9 : memref<100x128xf32, #tpu.memory_space<vmem>>) offsets(%dma_start3A_217 : memref<100xi32, #tpu.memory_space<vmem>>) semaphore(%arg13 : memref<!tpu.dma_semaphore, #tpu.memory_space<semaphore_mem>>)
      } else {
      }
      %mul3A_171 = arith.constant 4 : i32
      %mul3A_172 = arith.muli %mul3A_171, %scan3A_63 : i32
      %add3A_173 = arith.constant 3 : i32
      %add3A_174 = arith.addi %mul3A_172, %add3A_173 : i32
      %dma_wait3A_175 = arith.constant 0 : i32
      %dma_wait3A_176 = arith.constant 0 : i32
      %dma_wait3A_177 = arith.constant 0 : i32
      %dma_wait3A_178 = tpu.memref_slice %arg5[%dma_wait3A_175, %dma_wait3A_176, %dma_wait3A_177] : memref<8192x100x128xf32, #tpu.memory_space<hbm>> -> memref<1x100x128xf32, #tpu.memory_space<hbm>>
      %dma_wait3A_179 = tpu.memref_squeeze %dma_wait3A_178 : memref<1x100x128xf32, #tpu.memory_space<hbm>> -> memref<100x128xf32, #tpu.memory_space<hbm>>
      %dma_wait3A_180 = arith.constant 0 : i32
      %dma_wait3A_181 = arith.constant 0 : i32
      %dma_wait3A_182 = tpu.memref_slice %arg5[%dma_wait3A_175, %dma_wait3A_180, %dma_wait3A_181] : memref<8192x100x128xf32, #tpu.memory_space<hbm>> -> memref<1x100x128xf32, #tpu.memory_space<hbm>>
      %dma_wait3A_183 = tpu.memref_squeeze %dma_wait3A_182 : memref<1x100x128xf32, #tpu.memory_space<hbm>> -> memref<100x128xf32, #tpu.memory_space<hbm>>
      tpu.wait_dma2 semaphore(%arg15 : memref<!tpu.dma_semaphore, #tpu.memory_space<semaphore_mem>>) src(%dma_wait3A_183 : memref<100x128xf32, #tpu.memory_space<hbm>>) dst(%arg11 : memref<100x128xf32, #tpu.memory_space<vmem>>)
      %rem3A_184 = arith.constant 2 : i32
      %rem3A_185 = arith.remsi %add3A_174, %rem3A_184 : i32
      %mul3A_186 = arith.constant 100 : i32
      %mul3A_187 = arith.muli %rem3A_185, %mul3A_186 : i32
      %scan3A_188 = arith.constant 0 : i32
      %scan3A_189 = arith.constant 0 : i32
      %scan3A_190 = arith.constant 100 : i32
      %scan3A_191 = arith.addi %scan3A_189, %scan3A_190 : i32
      %scan3A_192 = arith.constant 4 : i32
      scf.for %scan3A_208 = %scan3A_189 to %scan3A_191 step %scan3A_192  : i32 {
        %add3A_209 = arith.addi %mul3A_187, %scan3A_208 : i32
        %get3A = arith.index_cast %add3A_209 : i32 to index
        %get3A_210 = arith.constant 0 : index
        %get3A_211 = tpu.vector_load %arg6[%get3A, %get3A_210] {strides = array<i32>} : memref<200x128xf32, #tpu.memory_space<vmem>>, vector<1x16xf32>,
        %get3A_212 = vector.shape_cast %get3A_211 : vector<1x16xf32> to vector<16xf32>
        %swap3A = arith.index_cast %scan3A_208 : i32 to index
        %swap3A_213 = arith.constant 0 : index
        %swap3A_214 = tpu.vector_load %arg11[%swap3A, %swap3A_213] {strides = array<i32>} : memref<100x128xf32, #tpu.memory_space<vmem>>, vector<1x16xf32>,
        %swap3A_215 = vector.shape_cast %swap3A_214 : vector<1x16xf32> to vector<16xf32>
        %swap3A_216 = vector.shape_cast %get3A_212 : vector<16xf32> to vector<1x16xf32>
        tpu.vector_store %arg11[%swap3A, %swap3A_213], %swap3A_216 {add = true, strides = array<i32>} : memref<100x128xf32, #tpu.memory_space<vmem>>, vector<1x16xf32>,
        %add3A_217 = arith.addi %mul3A_187, %scan3A_208 : i32
        %get3A_218 = arith.index_cast %add3A_217 : i32 to index
        %get3A_219 = arith.constant 16 : index
        %get3A_220 = tpu.vector_load %arg6[%get3A_218, %get3A_219] {strides = array<i32>} : memref<200x128xf32, #tpu.memory_space<vmem>>, vector<1x16xf32>,
        %get3A_221 = vector.shape_cast %get3A_220 : vector<1x16xf32> to vector<16xf32>
        %swap3A_222 = arith.index_cast %scan3A_208 : i32 to index
        %swap3A_223 = arith.constant 16 : index
        %swap3A_224 = tpu.vector_load %arg11[%swap3A_222, %swap3A_223] {strides = array<i32>} : memref<100x128xf32, #tpu.memory_space<vmem>>, vector<1x16xf32>,
        %swap3A_225 = vector.shape_cast %swap3A_224 : vector<1x16xf32> to vector<16xf32>
        %swap3A_226 = vector.shape_cast %get3A_221 : vector<16xf32> to vector<1x16xf32>
        tpu.vector_store %arg11[%swap3A_222, %swap3A_223], %swap3A_226 {add = true, strides = array<i32>} : memref<100x128xf32, #tpu.memory_space<vmem>>, vector<1x16xf32>,
        %add3A_227 = arith.addi %mul3A_187, %scan3A_208 : i32
        %get3A_228 = arith.index_cast %add3A_227 : i32 to index
        %get3A_229 = arith.constant 32 : index
        %get3A_230 = tpu.vector_load %arg6[%get3A_228, %get3A_229] {strides = array<i32>} : memref<200x128xf32, #tpu.memory_space<vmem>>, vector<1x16xf32>,
        %get3A_231 = vector.shape_cast %get3A_230 : vector<1x16xf32> to vector<16xf32>
        %swap3A_232 = arith.index_cast %scan3A_208 : i32 to index
        %swap3A_233 = arith.constant 32 : index
        %swap3A_234 = tpu.vector_load %arg11[%swap3A_232, %swap3A_233] {strides = array<i32>} : memref<100x128xf32, #tpu.memory_space<vmem>>, vector<1x16xf32>,
        %swap3A_235 = vector.shape_cast %swap3A_234 : vector<1x16xf32> to vector<16xf32>
        %swap3A_236 = vector.shape_cast %get3A_231 : vector<16xf32> to vector<1x16xf32>
        tpu.vector_store %arg11[%swap3A_232, %swap3A_233], %swap3A_236 {add = true, strides = array<i32>} : memref<100x128xf32, #tpu.memory_space<vmem>>, vector<1x16xf32>,
        %add3A_237 = arith.addi %mul3A_187, %scan3A_208 : i32
        %get3A_238 = arith.index_cast %add3A_237 : i32 to index
        %get3A_239 = arith.constant 48 : index
        %get3A_240 = tpu.vector_load %arg6[%get3A_238, %get3A_239] {strides = array<i32>} : memref<200x128xf32, #tpu.memory_space<vmem>>, vector<1x16xf32>,
        %get3A_241 = vector.shape_cast %get3A_240 : vector<1x16xf32> to vector<16xf32>
        %swap3A_242 = arith.index_cast %scan3A_208 : i32 to index
        %swap3A_243 = arith.constant 48 : index
        %swap3A_244 = tpu.vector_load %arg11[%swap3A_242, %swap3A_243] {strides = array<i32>} : memref<100x128xf32, #tpu.memory_space<vmem>>, vector<1x16xf32>,
        %swap3A_245 = vector.shape_cast %swap3A_244 : vector<1x16xf32> to vector<16xf32>
        %swap3A_246 = vector.shape_cast %get3A_241 : vector<16xf32> to vector<1x16xf32>
        tpu.vector_store %arg11[%swap3A_242, %swap3A_243], %swap3A_246 {add = true, strides = array<i32>} : memref<100x128xf32, #tpu.memory_space<vmem>>, vector<1x16xf32>,
        %add3A_247 = arith.addi %mul3A_187, %scan3A_208 : i32
        %get3A_248 = arith.index_cast %add3A_247 : i32 to index
        %get3A_249 = arith.constant 64 : index
        %get3A_250 = tpu.vector_load %arg6[%get3A_248, %get3A_249] {strides = array<i32>} : memref<200x128xf32, #tpu.memory_space<vmem>>, vector<1x16xf32>,
        %get3A_251 = vector.shape_cast %get3A_250 : vector<1x16xf32> to vector<16xf32>
        %swap3A_252 = arith.index_cast %scan3A_208 : i32 to index
        %swap3A_253 = arith.constant 64 : index
        %swap3A_254 = tpu.vector_load %arg11[%swap3A_252, %swap3A_253] {strides = array<i32>} : memref<100x128xf32, #tpu.memory_space<vmem>>, vector<1x16xf32>,
        %swap3A_255 = vector.shape_cast %swap3A_254 : vector<1x16xf32> to vector<16xf32>
        %swap3A_256 = vector.shape_cast %get3A_251 : vector<16xf32> to vector<1x16xf32>
        tpu.vector_store %arg11[%swap3A_252, %swap3A_253], %swap3A_256 {add = true, strides = array<i32>} : memref<100x128xf32, #tpu.memory_space<vmem>>, vector<1x16xf32>,
        %add3A_257 = arith.addi %mul3A_187, %scan3A_208 : i32
        %get3A_258 = arith.index_cast %add3A_257 : i32 to index
        %get3A_259 = arith.constant 80 : index
        %get3A_260 = tpu.vector_load %arg6[%get3A_258, %get3A_259] {strides = array<i32>} : memref<200x128xf32, #tpu.memory_space<vmem>>, vector<1x16xf32>,
        %get3A_261 = vector.shape_cast %get3A_260 : vector<1x16xf32> to vector<16xf32>
        %swap3A_262 = arith.index_cast %scan3A_208 : i32 to index
        %swap3A_263 = arith.constant 80 : index
        %swap3A_264 = tpu.vector_load %arg11[%swap3A_262, %swap3A_263] {strides = array<i32>} : memref<100x128xf32, #tpu.memory_space<vmem>>, vector<1x16xf32>,
        %swap3A_265 = vector.shape_cast %swap3A_264 : vector<1x16xf32> to vector<16xf32>
        %swap3A_266 = vector.shape_cast %get3A_261 : vector<16xf32> to vector<1x16xf32>
        tpu.vector_store %arg11[%swap3A_262, %swap3A_263], %swap3A_266 {add = true, strides = array<i32>} : memref<100x128xf32, #tpu.memory_space<vmem>>, vector<1x16xf32>,
        %add3A_267 = arith.addi %mul3A_187, %scan3A_208 : i32
        %get3A_268 = arith.index_cast %add3A_267 : i32 to index
        %get3A_269 = arith.constant 96 : index
        %get3A_270 = tpu.vector_load %arg6[%get3A_268, %get3A_269] {strides = array<i32>} : memref<200x128xf32, #tpu.memory_space<vmem>>, vector<1x16xf32>,
        %get3A_271 = vector.shape_cast %get3A_270 : vector<1x16xf32> to vector<16xf32>
        %swap3A_272 = arith.index_cast %scan3A_208 : i32 to index
        %swap3A_273 = arith.constant 96 : index
        %swap3A_274 = tpu.vector_load %arg11[%swap3A_272, %swap3A_273] {strides = array<i32>} : memref<100x128xf32, #tpu.memory_space<vmem>>, vector<1x16xf32>,
        %swap3A_275 = vector.shape_cast %swap3A_274 : vector<1x16xf32> to vector<16xf32>
        %swap3A_276 = vector.shape_cast %get3A_271 : vector<16xf32> to vector<1x16xf32>
        tpu.vector_store %arg11[%swap3A_272, %swap3A_273], %swap3A_276 {add = true, strides = array<i32>} : memref<100x128xf32, #tpu.memory_space<vmem>>, vector<1x16xf32>,
        %add3A_277 = arith.addi %mul3A_187, %scan3A_208 : i32
        %get3A_278 = arith.index_cast %add3A_277 : i32 to index
        %get3A_279 = arith.constant 112 : index
        %get3A_280 = tpu.vector_load %arg6[%get3A_278, %get3A_279] {strides = array<i32>} : memref<200x128xf32, #tpu.memory_space<vmem>>, vector<1x16xf32>,
        %get3A_281 = vector.shape_cast %get3A_280 : vector<1x16xf32> to vector<16xf32>
        %swap3A_282 = arith.index_cast %scan3A_208 : i32 to index
        %swap3A_283 = arith.constant 112 : index
        %swap3A_284 = tpu.vector_load %arg11[%swap3A_282, %swap3A_283] {strides = array<i32>} : memref<100x128xf32, #tpu.memory_space<vmem>>, vector<1x16xf32>,
        %swap3A_285 = vector.shape_cast %swap3A_284 : vector<1x16xf32> to vector<16xf32>
        %swap3A_286 = vector.shape_cast %get3A_281 : vector<16xf32> to vector<1x16xf32>
        tpu.vector_store %arg11[%swap3A_282, %swap3A_283], %swap3A_286 {add = true, strides = array<i32>} : memref<100x128xf32, #tpu.memory_space<vmem>>, vector<1x16xf32>,
        %scan3A_287 = arith.constant 1 : i32
        %scan3A_288 = arith.addi %scan3A_208, %scan3A_287 : i32
        %add3A_289 = arith.addi %mul3A_187, %scan3A_288 : i32
        %get3A_290 = arith.index_cast %add3A_289 : i32 to index
        %get3A_291 = arith.constant 0 : index
        %get3A_292 = tpu.vector_load %arg6[%get3A_290, %get3A_291] {strides = array<i32>} : memref<200x128xf32, #tpu.memory_space<vmem>>, vector<1x16xf32>,
        %get3A_293 = vector.shape_cast %get3A_292 : vector<1x16xf32> to vector<16xf32>
        %swap3A_294 = arith.index_cast %scan3A_288 : i32 to index
        %swap3A_295 = arith.constant 0 : index
        %swap3A_296 = tpu.vector_load %arg11[%swap3A_294, %swap3A_295] {strides = array<i32>} : memref<100x128xf32, #tpu.memory_space<vmem>>, vector<1x16xf32>,
        %swap3A_297 = vector.shape_cast %swap3A_296 : vector<1x16xf32> to vector<16xf32>
        %swap3A_298 = vector.shape_cast %get3A_293 : vector<16xf32> to vector<1x16xf32>
        tpu.vector_store %arg11[%swap3A_294, %swap3A_295], %swap3A_298 {add = true, strides = array<i32>} : memref<100x128xf32, #tpu.memory_space<vmem>>, vector<1x16xf32>,
        %add3A_299 = arith.addi %mul3A_187, %scan3A_288 : i32
        %get3A_300 = arith.index_cast %add3A_299 : i32 to index
        %get3A_301 = arith.constant 16 : index
        %get3A_302 = tpu.vector_load %arg6[%get3A_300, %get3A_301] {strides = array<i32>} : memref<200x128xf32, #tpu.memory_space<vmem>>, vector<1x16xf32>,
        %get3A_303 = vector.shape_cast %get3A_302 : vector<1x16xf32> to vector<16xf32>
        %swap3A_304 = arith.index_cast %scan3A_288 : i32 to index
        %swap3A_305 = arith.constant 16 : index
        %swap3A_306 = tpu.vector_load %arg11[%swap3A_304, %swap3A_305] {strides = array<i32>} : memref<100x128xf32, #tpu.memory_space<vmem>>, vector<1x16xf32>,
        %swap3A_307 = vector.shape_cast %swap3A_306 : vector<1x16xf32> to vector<16xf32>
        %swap3A_308 = vector.shape_cast %get3A_303 : vector<16xf32> to vector<1x16xf32>
        tpu.vector_store %arg11[%swap3A_304, %swap3A_305], %swap3A_308 {add = true, strides = array<i32>} : memref<100x128xf32, #tpu.memory_space<vmem>>, vector<1x16xf32>,
        %add3A_309 = arith.addi %mul3A_187, %scan3A_288 : i32
        %get3A_310 = arith.index_cast %add3A_309 : i32 to index
        %get3A_311 = arith.constant 32 : index
        %get3A_312 = tpu.vector_load %arg6[%get3A_310, %get3A_311] {strides = array<i32>} : memref<200x128xf32, #tpu.memory_space<vmem>>, vector<1x16xf32>,
        %get3A_313 = vector.shape_cast %get3A_312 : vector<1x16xf32> to vector<16xf32>
        %swap3A_314 = arith.index_cast %scan3A_288 : i32 to index
        %swap3A_315 = arith.constant 32 : index
        %swap3A_316 = tpu.vector_load %arg11[%swap3A_314, %swap3A_315] {strides = array<i32>} : memref<100x128xf32, #tpu.memory_space<vmem>>, vector<1x16xf32>,
        %swap3A_317 = vector.shape_cast %swap3A_316 : vector<1x16xf32> to vector<16xf32>
        %swap3A_318 = vector.shape_cast %get3A_313 : vector<16xf32> to vector<1x16xf32>
        tpu.vector_store %arg11[%swap3A_314, %swap3A_315], %swap3A_318 {add = true, strides = array<i32>} : memref<100x128xf32, #tpu.memory_space<vmem>>, vector<1x16xf32>,
        %add3A_319 = arith.addi %mul3A_187, %scan3A_288 : i32
        %get3A_320 = arith.index_cast %add3A_319 : i32 to index
        %get3A_321 = arith.constant 48 : index
        %get3A_322 = tpu.vector_load %arg6[%get3A_320, %get3A_321] {strides = array<i32>} : memref<200x128xf32, #tpu.memory_space<vmem>>, vector<1x16xf32>,
        %get3A_323 = vector.shape_cast %get3A_322 : vector<1x16xf32> to vector<16xf32>
        %swap3A_324 = arith.index_cast %scan3A_288 : i32 to index
        %swap3A_325 = arith.constant 48 : index
        %swap3A_326 = tpu.vector_load %arg11[%swap3A_324, %swap3A_325] {strides = array<i32>} : memref<100x128xf32, #tpu.memory_space<vmem>>, vector<1x16xf32>,
        %swap3A_327 = vector.shape_cast %swap3A_326 : vector<1x16xf32> to vector<16xf32>
        %swap3A_328 = vector.shape_cast %get3A_323 : vector<16xf32> to vector<1x16xf32>
        tpu.vector_store %arg11[%swap3A_324, %swap3A_325], %swap3A_328 {add = true, strides = array<i32>} : memref<100x128xf32, #tpu.memory_space<vmem>>, vector<1x16xf32>,
        %add3A_329 = arith.addi %mul3A_187, %scan3A_288 : i32
        %get3A_330 = arith.index_cast %add3A_329 : i32 to index
        %get3A_331 = arith.constant 64 : index
        %get3A_332 = tpu.vector_load %arg6[%get3A_330, %get3A_331] {strides = array<i32>} : memref<200x128xf32, #tpu.memory_space<vmem>>, vector<1x16xf32>,
        %get3A_333 = vector.shape_cast %get3A_332 : vector<1x16xf32> to vector<16xf32>
        %swap3A_334 = arith.index_cast %scan3A_288 : i32 to index
        %swap3A_335 = arith.constant 64 : index
        %swap3A_336 = tpu.vector_load %arg11[%swap3A_334, %swap3A_335] {strides = array<i32>} : memref<100x128xf32, #tpu.memory_space<vmem>>, vector<1x16xf32>,
        %swap3A_337 = vector.shape_cast %swap3A_336 : vector<1x16xf32> to vector<16xf32>
        %swap3A_338 = vector.shape_cast %get3A_333 : vector<16xf32> to vector<1x16xf32>
        tpu.vector_store %arg11[%swap3A_334, %swap3A_335], %swap3A_338 {add = true, strides = array<i32>} : memref<100x128xf32, #tpu.memory_space<vmem>>, vector<1x16xf32>,
        %add3A_339 = arith.addi %mul3A_187, %scan3A_288 : i32
        %get3A_340 = arith.index_cast %add3A_339 : i32 to index
        %get3A_341 = arith.constant 80 : index
        %get3A_342 = tpu.vector_load %arg6[%get3A_340, %get3A_341] {strides = array<i32>} : memref<200x128xf32, #tpu.memory_space<vmem>>, vector<1x16xf32>,
        %get3A_343 = vector.shape_cast %get3A_342 : vector<1x16xf32> to vector<16xf32>
        %swap3A_344 = arith.index_cast %scan3A_288 : i32 to index
        %swap3A_345 = arith.constant 80 : index
        %swap3A_346 = tpu.vector_load %arg11[%swap3A_344, %swap3A_345] {strides = array<i32>} : memref<100x128xf32, #tpu.memory_space<vmem>>, vector<1x16xf32>,
        %swap3A_347 = vector.shape_cast %swap3A_346 : vector<1x16xf32> to vector<16xf32>
        %swap3A_348 = vector.shape_cast %get3A_343 : vector<16xf32> to vector<1x16xf32>
        tpu.vector_store %arg11[%swap3A_344, %swap3A_345], %swap3A_348 {add = true, strides = array<i32>} : memref<100x128xf32, #tpu.memory_space<vmem>>, vector<1x16xf32>,
        %add3A_349 = arith.addi %mul3A_187, %scan3A_288 : i32
        %get3A_350 = arith.index_cast %add3A_349 : i32 to index
        %get3A_351 = arith.constant 96 : index
        %get3A_352 = tpu.vector_load %arg6[%get3A_350, %get3A_351] {strides = array<i32>} : memref<200x128xf32, #tpu.memory_space<vmem>>, vector<1x16xf32>,
        %get3A_353 = vector.shape_cast %get3A_352 : vector<1x16xf32> to vector<16xf32>
        %swap3A_354 = arith.index_cast %scan3A_288 : i32 to index
        %swap3A_355 = arith.constant 96 : index
        %swap3A_356 = tpu.vector_load %arg11[%swap3A_354, %swap3A_355] {strides = array<i32>} : memref<100x128xf32, #tpu.memory_space<vmem>>, vector<1x16xf32>,
        %swap3A_357 = vector.shape_cast %swap3A_356 : vector<1x16xf32> to vector<16xf32>
        %swap3A_358 = vector.shape_cast %get3A_353 : vector<16xf32> to vector<1x16xf32>
        tpu.vector_store %arg11[%swap3A_354, %swap3A_355], %swap3A_358 {add = true, strides = array<i32>} : memref<100x128xf32, #tpu.memory_space<vmem>>, vector<1x16xf32>,
        %add3A_359 = arith.addi %mul3A_187, %scan3A_288 : i32
        %get3A_360 = arith.index_cast %add3A_359 : i32 to index
        %get3A_361 = arith.constant 112 : index
        %get3A_362 = tpu.vector_load %arg6[%get3A_360, %get3A_361] {strides = array<i32>} : memref<200x128xf32, #tpu.memory_space<vmem>>, vector<1x16xf32>,
        %get3A_363 = vector.shape_cast %get3A_362 : vector<1x16xf32> to vector<16xf32>
        %swap3A_364 = arith.index_cast %scan3A_288 : i32 to index
        %swap3A_365 = arith.constant 112 : index
        %swap3A_366 = tpu.vector_load %arg11[%swap3A_364, %swap3A_365] {strides = array<i32>} : memref<100x128xf32, #tpu.memory_space<vmem>>, vector<1x16xf32>,
        %swap3A_367 = vector.shape_cast %swap3A_366 : vector<1x16xf32> to vector<16xf32>
        %swap3A_368 = vector.shape_cast %get3A_363 : vector<16xf32> to vector<1x16xf32>
        tpu.vector_store %arg11[%swap3A_364, %swap3A_365], %swap3A_368 {add = true, strides = array<i32>} : memref<100x128xf32, #tpu.memory_space<vmem>>, vector<1x16xf32>,
        %scan3A_369 = arith.constant 2 : i32
        %scan3A_370 = arith.addi %scan3A_208, %scan3A_369 : i32
        %add3A_371 = arith.addi %mul3A_187, %scan3A_370 : i32
        %get3A_372 = arith.index_cast %add3A_371 : i32 to index
        %get3A_373 = arith.constant 0 : index
        %get3A_374 = tpu.vector_load %arg6[%get3A_372, %get3A_373] {strides = array<i32>} : memref<200x128xf32, #tpu.memory_space<vmem>>, vector<1x16xf32>,
        %get3A_375 = vector.shape_cast %get3A_374 : vector<1x16xf32> to vector<16xf32>
        %swap3A_376 = arith.index_cast %scan3A_370 : i32 to index
        %swap3A_377 = arith.constant 0 : index
        %swap3A_378 = tpu.vector_load %arg11[%swap3A_376, %swap3A_377] {strides = array<i32>} : memref<100x128xf32, #tpu.memory_space<vmem>>, vector<1x16xf32>,
        %swap3A_379 = vector.shape_cast %swap3A_378 : vector<1x16xf32> to vector<16xf32>
        %swap3A_380 = vector.shape_cast %get3A_375 : vector<16xf32> to vector<1x16xf32>
        tpu.vector_store %arg11[%swap3A_376, %swap3A_377], %swap3A_380 {add = true, strides = array<i32>} : memref<100x128xf32, #tpu.memory_space<vmem>>, vector<1x16xf32>,
        %add3A_381 = arith.addi %mul3A_187, %scan3A_370 : i32
        %get3A_382 = arith.index_cast %add3A_381 : i32 to index
        %get3A_383 = arith.constant 16 : index
        %get3A_384 = tpu.vector_load %arg6[%get3A_382, %get3A_383] {strides = array<i32>} : memref<200x128xf32, #tpu.memory_space<vmem>>, vector<1x16xf32>,
        %get3A_385 = vector.shape_cast %get3A_384 : vector<1x16xf32> to vector<16xf32>
        %swap3A_386 = arith.index_cast %scan3A_370 : i32 to index
        %swap3A_387 = arith.constant 16 : index
        %swap3A_388 = tpu.vector_load %arg11[%swap3A_386, %swap3A_387] {strides = array<i32>} : memref<100x128xf32, #tpu.memory_space<vmem>>, vector<1x16xf32>,
        %swap3A_389 = vector.shape_cast %swap3A_388 : vector<1x16xf32> to vector<16xf32>
        %swap3A_390 = vector.shape_cast %get3A_385 : vector<16xf32> to vector<1x16xf32>
        tpu.vector_store %arg11[%swap3A_386, %swap3A_387], %swap3A_390 {add = true, strides = array<i32>} : memref<100x128xf32, #tpu.memory_space<vmem>>, vector<1x16xf32>,
        %add3A_391 = arith.addi %mul3A_187, %scan3A_370 : i32
        %get3A_392 = arith.index_cast %add3A_391 : i32 to index
        %get3A_393 = arith.constant 32 : index
        %get3A_394 = tpu.vector_load %arg6[%get3A_392, %get3A_393] {strides = array<i32>} : memref<200x128xf32, #tpu.memory_space<vmem>>, vector<1x16xf32>,
        %get3A_395 = vector.shape_cast %get3A_394 : vector<1x16xf32> to vector<16xf32>
        %swap3A_396 = arith.index_cast %scan3A_370 : i32 to index
        %swap3A_397 = arith.constant 32 : index
        %swap3A_398 = tpu.vector_load %arg11[%swap3A_396, %swap3A_397] {strides = array<i32>} : memref<100x128xf32, #tpu.memory_space<vmem>>, vector<1x16xf32>,
        %swap3A_399 = vector.shape_cast %swap3A_398 : vector<1x16xf32> to vector<16xf32>
        %swap3A_400 = vector.shape_cast %get3A_395 : vector<16xf32> to vector<1x16xf32>
        tpu.vector_store %arg11[%swap3A_396, %swap3A_397], %swap3A_400 {add = true, strides = array<i32>} : memref<100x128xf32, #tpu.memory_space<vmem>>, vector<1x16xf32>,
        %add3A_401 = arith.addi %mul3A_187, %scan3A_370 : i32
        %get3A_402 = arith.index_cast %add3A_401 : i32 to index
        %get3A_403 = arith.constant 48 : index
        %get3A_404 = tpu.vector_load %arg6[%get3A_402, %get3A_403] {strides = array<i32>} : memref<200x128xf32, #tpu.memory_space<vmem>>, vector<1x16xf32>,
        %get3A_405 = vector.shape_cast %get3A_404 : vector<1x16xf32> to vector<16xf32>
        %swap3A_406 = arith.index_cast %scan3A_370 : i32 to index
        %swap3A_407 = arith.constant 48 : index
        %swap3A_408 = tpu.vector_load %arg11[%swap3A_406, %swap3A_407] {strides = array<i32>} : memref<100x128xf32, #tpu.memory_space<vmem>>, vector<1x16xf32>,
        %swap3A_409 = vector.shape_cast %swap3A_408 : vector<1x16xf32> to vector<16xf32>
        %swap3A_410 = vector.shape_cast %get3A_405 : vector<16xf32> to vector<1x16xf32>
        tpu.vector_store %arg11[%swap3A_406, %swap3A_407], %swap3A_410 {add = true, strides = array<i32>} : memref<100x128xf32, #tpu.memory_space<vmem>>, vector<1x16xf32>,
        %add3A_411 = arith.addi %mul3A_187, %scan3A_370 : i32
        %get3A_412 = arith.index_cast %add3A_411 : i32 to index
        %get3A_413 = arith.constant 64 : index
        %get3A_414 = tpu.vector_load %arg6[%get3A_412, %get3A_413] {strides = array<i32>} : memref<200x128xf32, #tpu.memory_space<vmem>>, vector<1x16xf32>,
        %get3A_415 = vector.shape_cast %get3A_414 : vector<1x16xf32> to vector<16xf32>
        %swap3A_416 = arith.index_cast %scan3A_370 : i32 to index
        %swap3A_417 = arith.constant 64 : index
        %swap3A_418 = tpu.vector_load %arg11[%swap3A_416, %swap3A_417] {strides = array<i32>} : memref<100x128xf32, #tpu.memory_space<vmem>>, vector<1x16xf32>,
        %swap3A_419 = vector.shape_cast %swap3A_418 : vector<1x16xf32> to vector<16xf32>
        %swap3A_420 = vector.shape_cast %get3A_415 : vector<16xf32> to vector<1x16xf32>
        tpu.vector_store %arg11[%swap3A_416, %swap3A_417], %swap3A_420 {add = true, strides = array<i32>} : memref<100x128xf32, #tpu.memory_space<vmem>>, vector<1x16xf32>,
        %add3A_421 = arith.addi %mul3A_187, %scan3A_370 : i32
        %get3A_422 = arith.index_cast %add3A_421 : i32 to index
        %get3A_423 = arith.constant 80 : index
        %get3A_424 = tpu.vector_load %arg6[%get3A_422, %get3A_423] {strides = array<i32>} : memref<200x128xf32, #tpu.memory_space<vmem>>, vector<1x16xf32>,
        %get3A_425 = vector.shape_cast %get3A_424 : vector<1x16xf32> to vector<16xf32>
        %swap3A_426 = arith.index_cast %scan3A_370 : i32 to index
        %swap3A_427 = arith.constant 80 : index
        %swap3A_428 = tpu.vector_load %arg11[%swap3A_426, %swap3A_427] {strides = array<i32>} : memref<100x128xf32, #tpu.memory_space<vmem>>, vector<1x16xf32>,
        %swap3A_429 = vector.shape_cast %swap3A_428 : vector<1x16xf32> to vector<16xf32>
        %swap3A_430 = vector.shape_cast %get3A_425 : vector<16xf32> to vector<1x16xf32>
        tpu.vector_store %arg11[%swap3A_426, %swap3A_427], %swap3A_430 {add = true, strides = array<i32>} : memref<100x128xf32, #tpu.memory_space<vmem>>, vector<1x16xf32>,
        %add3A_431 = arith.addi %mul3A_187, %scan3A_370 : i32
        %get3A_432 = arith.index_cast %add3A_431 : i32 to index
        %get3A_433 = arith.constant 96 : index
        %get3A_434 = tpu.vector_load %arg6[%get3A_432, %get3A_433] {strides = array<i32>} : memref<200x128xf32, #tpu.memory_space<vmem>>, vector<1x16xf32>,
        %get3A_435 = vector.shape_cast %get3A_434 : vector<1x16xf32> to vector<16xf32>
        %swap3A_436 = arith.index_cast %scan3A_370 : i32 to index
        %swap3A_437 = arith.constant 96 : index
        %swap3A_438 = tpu.vector_load %arg11[%swap3A_436, %swap3A_437] {strides = array<i32>} : memref<100x128xf32, #tpu.memory_space<vmem>>, vector<1x16xf32>,
        %swap3A_439 = vector.shape_cast %swap3A_438 : vector<1x16xf32> to vector<16xf32>
        %swap3A_440 = vector.shape_cast %get3A_435 : vector<16xf32> to vector<1x16xf32>
        tpu.vector_store %arg11[%swap3A_436, %swap3A_437], %swap3A_440 {add = true, strides = array<i32>} : memref<100x128xf32, #tpu.memory_space<vmem>>, vector<1x16xf32>,
        %add3A_441 = arith.addi %mul3A_187, %scan3A_370 : i32
        %get3A_442 = arith.index_cast %add3A_441 : i32 to index
        %get3A_443 = arith.constant 112 : index
        %get3A_444 = tpu.vector_load %arg6[%get3A_442, %get3A_443] {strides = array<i32>} : memref<200x128xf32, #tpu.memory_space<vmem>>, vector<1x16xf32>,
        %get3A_445 = vector.shape_cast %get3A_444 : vector<1x16xf32> to vector<16xf32>
        %swap3A_446 = arith.index_cast %scan3A_370 : i32 to index
        %swap3A_447 = arith.constant 112 : index
        %swap3A_448 = tpu.vector_load %arg11[%swap3A_446, %swap3A_447] {strides = array<i32>} : memref<100x128xf32, #tpu.memory_space<vmem>>, vector<1x16xf32>,
        %swap3A_449 = vector.shape_cast %swap3A_448 : vector<1x16xf32> to vector<16xf32>
        %swap3A_450 = vector.shape_cast %get3A_445 : vector<16xf32> to vector<1x16xf32>
        tpu.vector_store %arg11[%swap3A_446, %swap3A_447], %swap3A_450 {add = true, strides = array<i32>} : memref<100x128xf32, #tpu.memory_space<vmem>>, vector<1x16xf32>,
        %scan3A_451 = arith.constant 3 : i32
        %scan3A_452 = arith.addi %scan3A_208, %scan3A_451 : i32
        %add3A_453 = arith.addi %mul3A_187, %scan3A_452 : i32
        %get3A_454 = arith.index_cast %add3A_453 : i32 to index
        %get3A_455 = arith.constant 0 : index
        %get3A_456 = tpu.vector_load %arg6[%get3A_454, %get3A_455] {strides = array<i32>} : memref<200x128xf32, #tpu.memory_space<vmem>>, vector<1x16xf32>,
        %get3A_457 = vector.shape_cast %get3A_456 : vector<1x16xf32> to vector<16xf32>
        %swap3A_458 = arith.index_cast %scan3A_452 : i32 to index
        %swap3A_459 = arith.constant 0 : index
        %swap3A_460 = tpu.vector_load %arg11[%swap3A_458, %swap3A_459] {strides = array<i32>} : memref<100x128xf32, #tpu.memory_space<vmem>>, vector<1x16xf32>,
        %swap3A_461 = vector.shape_cast %swap3A_460 : vector<1x16xf32> to vector<16xf32>
        %swap3A_462 = vector.shape_cast %get3A_457 : vector<16xf32> to vector<1x16xf32>
        tpu.vector_store %arg11[%swap3A_458, %swap3A_459], %swap3A_462 {add = true, strides = array<i32>} : memref<100x128xf32, #tpu.memory_space<vmem>>, vector<1x16xf32>,
        %add3A_463 = arith.addi %mul3A_187, %scan3A_452 : i32
        %get3A_464 = arith.index_cast %add3A_463 : i32 to index
        %get3A_465 = arith.constant 16 : index
        %get3A_466 = tpu.vector_load %arg6[%get3A_464, %get3A_465] {strides = array<i32>} : memref<200x128xf32, #tpu.memory_space<vmem>>, vector<1x16xf32>,
        %get3A_467 = vector.shape_cast %get3A_466 : vector<1x16xf32> to vector<16xf32>
        %swap3A_468 = arith.index_cast %scan3A_452 : i32 to index
        %swap3A_469 = arith.constant 16 : index
        %swap3A_470 = tpu.vector_load %arg11[%swap3A_468, %swap3A_469] {strides = array<i32>} : memref<100x128xf32, #tpu.memory_space<vmem>>, vector<1x16xf32>,
        %swap3A_471 = vector.shape_cast %swap3A_470 : vector<1x16xf32> to vector<16xf32>
        %swap3A_472 = vector.shape_cast %get3A_467 : vector<16xf32> to vector<1x16xf32>
        tpu.vector_store %arg11[%swap3A_468, %swap3A_469], %swap3A_472 {add = true, strides = array<i32>} : memref<100x128xf32, #tpu.memory_space<vmem>>, vector<1x16xf32>,
        %add3A_473 = arith.addi %mul3A_187, %scan3A_452 : i32
        %get3A_474 = arith.index_cast %add3A_473 : i32 to index
        %get3A_475 = arith.constant 32 : index
        %get3A_476 = tpu.vector_load %arg6[%get3A_474, %get3A_475] {strides = array<i32>} : memref<200x128xf32, #tpu.memory_space<vmem>>, vector<1x16xf32>,
        %get3A_477 = vector.shape_cast %get3A_476 : vector<1x16xf32> to vector<16xf32>
        %swap3A_478 = arith.index_cast %scan3A_452 : i32 to index
        %swap3A_479 = arith.constant 32 : index
        %swap3A_480 = tpu.vector_load %arg11[%swap3A_478, %swap3A_479] {strides = array<i32>} : memref<100x128xf32, #tpu.memory_space<vmem>>, vector<1x16xf32>,
        %swap3A_481 = vector.shape_cast %swap3A_480 : vector<1x16xf32> to vector<16xf32>
        %swap3A_482 = vector.shape_cast %get3A_477 : vector<16xf32> to vector<1x16xf32>
        tpu.vector_store %arg11[%swap3A_478, %swap3A_479], %swap3A_482 {add = true, strides = array<i32>} : memref<100x128xf32, #tpu.memory_space<vmem>>, vector<1x16xf32>,
        %add3A_483 = arith.addi %mul3A_187, %scan3A_452 : i32
        %get3A_484 = arith.index_cast %add3A_483 : i32 to index
        %get3A_485 = arith.constant 48 : index
        %get3A_486 = tpu.vector_load %arg6[%get3A_484, %get3A_485] {strides = array<i32>} : memref<200x128xf32, #tpu.memory_space<vmem>>, vector<1x16xf32>,
        %get3A_487 = vector.shape_cast %get3A_486 : vector<1x16xf32> to vector<16xf32>
        %swap3A_488 = arith.index_cast %scan3A_452 : i32 to index
        %swap3A_489 = arith.constant 48 : index
        %swap3A_490 = tpu.vector_load %arg11[%swap3A_488, %swap3A_489] {strides = array<i32>} : memref<100x128xf32, #tpu.memory_space<vmem>>, vector<1x16xf32>,
        %swap3A_491 = vector.shape_cast %swap3A_490 : vector<1x16xf32> to vector<16xf32>
        %swap3A_492 = vector.shape_cast %get3A_487 : vector<16xf32> to vector<1x16xf32>
        tpu.vector_store %arg11[%swap3A_488, %swap3A_489], %swap3A_492 {add = true, strides = array<i32>} : memref<100x128xf32, #tpu.memory_space<vmem>>, vector<1x16xf32>,
        %add3A_493 = arith.addi %mul3A_187, %scan3A_452 : i32
        %get3A_494 = arith.index_cast %add3A_493 : i32 to index
        %get3A_495 = arith.constant 64 : index
        %get3A_496 = tpu.vector_load %arg6[%get3A_494, %get3A_495] {strides = array<i32>} : memref<200x128xf32, #tpu.memory_space<vmem>>, vector<1x16xf32>,
        %get3A_497 = vector.shape_cast %get3A_496 : vector<1x16xf32> to vector<16xf32>
        %swap3A_498 = arith.index_cast %scan3A_452 : i32 to index
        %swap3A_499 = arith.constant 64 : index
        %swap3A_500 = tpu.vector_load %arg11[%swap3A_498, %swap3A_499] {strides = array<i32>} : memref<100x128xf32, #tpu.memory_space<vmem>>, vector<1x16xf32>,
        %swap3A_501 = vector.shape_cast %swap3A_500 : vector<1x16xf32> to vector<16xf32>
        %swap3A_502 = vector.shape_cast %get3A_497 : vector<16xf32> to vector<1x16xf32>
        tpu.vector_store %arg11[%swap3A_498, %swap3A_499], %swap3A_502 {add = true, strides = array<i32>} : memref<100x128xf32, #tpu.memory_space<vmem>>, vector<1x16xf32>,
        %add3A_503 = arith.addi %mul3A_187, %scan3A_452 : i32
        %get3A_504 = arith.index_cast %add3A_503 : i32 to index
        %get3A_505 = arith.constant 80 : index
        %get3A_506 = tpu.vector_load %arg6[%get3A_504, %get3A_505] {strides = array<i32>} : memref<200x128xf32, #tpu.memory_space<vmem>>, vector<1x16xf32>,
        %get3A_507 = vector.shape_cast %get3A_506 : vector<1x16xf32> to vector<16xf32>
        %swap3A_508 = arith.index_cast %scan3A_452 : i32 to index
        %swap3A_509 = arith.constant 80 : index
        %swap3A_510 = tpu.vector_load %arg11[%swap3A_508, %swap3A_509] {strides = array<i32>} : memref<100x128xf32, #tpu.memory_space<vmem>>, vector<1x16xf32>,
        %swap3A_511 = vector.shape_cast %swap3A_510 : vector<1x16xf32> to vector<16xf32>
        %swap3A_512 = vector.shape_cast %get3A_507 : vector<16xf32> to vector<1x16xf32>
        tpu.vector_store %arg11[%swap3A_508, %swap3A_509], %swap3A_512 {add = true, strides = array<i32>} : memref<100x128xf32, #tpu.memory_space<vmem>>, vector<1x16xf32>,
        %add3A_513 = arith.addi %mul3A_187, %scan3A_452 : i32
        %get3A_514 = arith.index_cast %add3A_513 : i32 to index
        %get3A_515 = arith.constant 96 : index
        %get3A_516 = tpu.vector_load %arg6[%get3A_514, %get3A_515] {strides = array<i32>} : memref<200x128xf32, #tpu.memory_space<vmem>>, vector<1x16xf32>,
        %get3A_517 = vector.shape_cast %get3A_516 : vector<1x16xf32> to vector<16xf32>
        %swap3A_518 = arith.index_cast %scan3A_452 : i32 to index
        %swap3A_519 = arith.constant 96 : index
        %swap3A_520 = tpu.vector_load %arg11[%swap3A_518, %swap3A_519] {strides = array<i32>} : memref<100x128xf32, #tpu.memory_space<vmem>>, vector<1x16xf32>,
        %swap3A_521 = vector.shape_cast %swap3A_520 : vector<1x16xf32> to vector<16xf32>
        %swap3A_522 = vector.shape_cast %get3A_517 : vector<16xf32> to vector<1x16xf32>
        tpu.vector_store %arg11[%swap3A_518, %swap3A_519], %swap3A_522 {add = true, strides = array<i32>} : memref<100x128xf32, #tpu.memory_space<vmem>>, vector<1x16xf32>,
        %add3A_523 = arith.addi %mul3A_187, %scan3A_452 : i32
        %get3A_524 = arith.index_cast %add3A_523 : i32 to index
        %get3A_525 = arith.constant 112 : index
        %get3A_526 = tpu.vector_load %arg6[%get3A_524, %get3A_525] {strides = array<i32>} : memref<200x128xf32, #tpu.memory_space<vmem>>, vector<1x16xf32>,
        %get3A_527 = vector.shape_cast %get3A_526 : vector<1x16xf32> to vector<16xf32>
        %swap3A_528 = arith.index_cast %scan3A_452 : i32 to index
        %swap3A_529 = arith.constant 112 : index
        %swap3A_530 = tpu.vector_load %arg11[%swap3A_528, %swap3A_529] {strides = array<i32>} : memref<100x128xf32, #tpu.memory_space<vmem>>, vector<1x16xf32>,
        %swap3A_531 = vector.shape_cast %swap3A_530 : vector<1x16xf32> to vector<16xf32>
        %swap3A_532 = vector.shape_cast %get3A_527 : vector<16xf32> to vector<1x16xf32>
        tpu.vector_store %arg11[%swap3A_528, %swap3A_529], %swap3A_532 {add = true, strides = array<i32>} : memref<100x128xf32, #tpu.memory_space<vmem>>, vector<1x16xf32>,
      }
      %scan3A_193 = arith.constant 100 : i32
      %add3A_194 = arith.addi %mul3A_2, %add3A_174 : i32
      %dma_start3A_195 = arith.constant 0 : i32
      %dma_start3A_196 = arith.constant 0 : i32
      %dma_start3A_197 = tpu.memref_slice %arg5[%add3A_194, %dma_start3A_195, %dma_start3A_196] : memref<8192x100x128xf32, #tpu.memory_space<hbm>> -> memref<1x100x128xf32, #tpu.memory_space<hbm>>
      %dma_start3A_198 = tpu.memref_squeeze %dma_start3A_197 : memref<1x100x128xf32, #tpu.memory_space<hbm>> -> memref<100x128xf32, #tpu.memory_space<hbm>>
      %dma_start3A_199 = arith.constant 0 : i32
      %dma_start3A_200 = arith.constant 0 : i32
      %dma_start3A_201 = tpu.memref_slice %arg5[%add3A_194, %dma_start3A_199, %dma_start3A_200] : memref<8192x100x128xf32, #tpu.memory_space<hbm>> -> memref<1x100x128xf32, #tpu.memory_space<hbm>>
      %dma_start3A_202 = tpu.memref_squeeze %dma_start3A_201 : memref<1x100x128xf32, #tpu.memory_space<hbm>> -> memref<100x128xf32, #tpu.memory_space<hbm>>
      tpu.enqueue_dma source(%arg11 : memref<100x128xf32, #tpu.memory_space<vmem>>) target(%dma_start3A_202 : memref<100x128xf32, #tpu.memory_space<hbm>>) target_semaphore(%arg19 : memref<!tpu.dma_semaphore, #tpu.memory_space<semaphore_mem>>)
      %lt3A_203 = arith.constant 253 : i32
      %lt3A_204 = arith.cmpi slt, %add3A_174, %lt3A_203 : i32
      %convert_element_type3A_205 = arith.extui %lt3A_204 : i1 to i32
      %cond3A_206 = arith.constant 0 : i32
      %cond3A_207 = arith.cmpi ne, %convert_element_type3A_205, %cond3A_206 : i32
      scf.if %cond3A_207 {
        %ge3A = arith.constant 1 : i32
        %ge3A_208 = arith.cmpi sge, %add3A_174, %ge3A : i32
        %convert_element_type3A_209 = arith.extui %ge3A_208 : i1 to i32
        %cond3A_210 = arith.constant 0 : i32
        %cond3A_211 = arith.cmpi ne, %convert_element_type3A_209, %cond3A_210 : i32
        scf.if %cond3A_211 {
          %dma_wait3A_221 = arith.constant 0 : i32
          %dma_wait3A_222 = arith.constant 0 : i32
          %dma_wait3A_223 = arith.constant 0 : i32
          %dma_wait3A_224 = tpu.memref_slice %arg5[%dma_wait3A_221, %dma_wait3A_222, %dma_wait3A_223] : memref<8192x100x128xf32, #tpu.memory_space<hbm>> -> memref<1x100x128xf32, #tpu.memory_space<hbm>>
          %dma_wait3A_225 = tpu.memref_squeeze %dma_wait3A_224 : memref<1x100x128xf32, #tpu.memory_space<hbm>> -> memref<100x128xf32, #tpu.memory_space<hbm>>
          %dma_wait3A_226 = arith.constant 0 : i32
          %dma_wait3A_227 = arith.constant 0 : i32
          %dma_wait3A_228 = tpu.memref_slice %arg5[%dma_wait3A_221, %dma_wait3A_226, %dma_wait3A_227] : memref<8192x100x128xf32, #tpu.memory_space<hbm>> -> memref<1x100x128xf32, #tpu.memory_space<hbm>>
          %dma_wait3A_229 = tpu.memref_squeeze %dma_wait3A_228 : memref<1x100x128xf32, #tpu.memory_space<hbm>> -> memref<100x128xf32, #tpu.memory_space<hbm>>
          tpu.wait_dma2 semaphore(%arg18 : memref<!tpu.dma_semaphore, #tpu.memory_space<semaphore_mem>>) src(%arg10 : memref<100x128xf32, #tpu.memory_space<vmem>>) dst(%dma_wait3A_229 : memref<100x128xf32, #tpu.memory_space<hbm>>)
        } else {
        }
        %add3A_212 = arith.constant 4 : i32
        %add3A_213 = arith.addi %add3A_174, %add3A_212 : i32
        %sub3A = arith.constant 1 : i32
        %sub3A_214 = arith.subi %add3A_213, %sub3A : i32
        %dma_start3A_215 = arith.constant 0 : i32
        %dma_start3A_216 = tpu.memref_slice %arg7[%sub3A_214, %dma_start3A_215] : memref<256x100xi32, #tpu.memory_space<vmem>> -> memref<1x100xi32, #tpu.memory_space<vmem>>
        %dma_start3A_217 = tpu.memref_squeeze %dma_start3A_216 : memref<1x100xi32, #tpu.memory_space<vmem>> -> memref<100xi32, #tpu.memory_space<vmem>>
        %dma_start3A_218 = arith.constant 0 : i32
        %dma_start3A_219 = arith.constant 0 : i32
        %dma_start3A_220 = tpu.memref_slice %arg4[%dma_start3A_218, %dma_start3A_219] : memref<100000x128xf32, #tpu.memory_space<hbm>> -> memref<100000x128xf32, #tpu.memory_space<hbm>>
        tpu.enqueue_indirect_dma source(%dma_start3A_220 : memref<100000x128xf32, #tpu.memory_space<hbm>>) target(%arg10 : memref<100x128xf32, #tpu.memory_space<vmem>>) offsets(%dma_start3A_217 : memref<100xi32, #tpu.memory_space<vmem>>) semaphore(%arg14 : memref<!tpu.dma_semaphore, #tpu.memory_space<semaphore_mem>>)
      } else {
      }
    }
    %scan3A_27 = arith.constant 64 : i32
    %dma_wait3A = arith.constant 0 : i32
    %dma_wait3A_28 = arith.constant 0 : i32
    %dma_wait3A_29 = arith.constant 0 : i32
    %dma_wait3A_30 = tpu.memref_slice %arg5[%dma_wait3A, %dma_wait3A_28, %dma_wait3A_29] : memref<8192x100x128xf32, #tpu.memory_space<hbm>> -> memref<1x100x128xf32, #tpu.memory_space<hbm>>
    %dma_wait3A_31 = tpu.memref_squeeze %dma_wait3A_30 : memref<1x100x128xf32, #tpu.memory_space<hbm>> -> memref<100x128xf32, #tpu.memory_space<hbm>>
    %dma_wait3A_32 = arith.constant 0 : i32
    %dma_wait3A_33 = arith.constant 0 : i32
    %dma_wait3A_34 = tpu.memref_slice %arg5[%dma_wait3A, %dma_wait3A_32, %dma_wait3A_33] : memref<8192x100x128xf32, #tpu.memory_space<hbm>> -> memref<1x100x128xf32, #tpu.memory_space<hbm>>
    %dma_wait3A_35 = tpu.memref_squeeze %dma_wait3A_34 : memref<1x100x128xf32, #tpu.memory_space<hbm>> -> memref<100x128xf32, #tpu.memory_space<hbm>>
    tpu.wait_dma2 semaphore(%arg16 : memref<!tpu.dma_semaphore, #tpu.memory_space<semaphore_mem>>) src(%arg8 : memref<100x128xf32, #tpu.memory_space<vmem>>) dst(%dma_wait3A_35 : memref<100x128xf32, #tpu.memory_space<hbm>>)
    %dma_wait3A_36 = arith.constant 0 : i32
    %dma_wait3A_37 = arith.constant 0 : i32
    %dma_wait3A_38 = arith.constant 0 : i32
    %dma_wait3A_39 = tpu.memref_slice %arg5[%dma_wait3A_36, %dma_wait3A_37, %dma_wait3A_38] : memref<8192x100x128xf32, #tpu.memory_space<hbm>> -> memref<1x100x128xf32, #tpu.memory_space<hbm>>
    %dma_wait3A_40 = tpu.memref_squeeze %dma_wait3A_39 : memref<1x100x128xf32, #tpu.memory_space<hbm>> -> memref<100x128xf32, #tpu.memory_space<hbm>>
    %dma_wait3A_41 = arith.constant 0 : i32
    %dma_wait3A_42 = arith.constant 0 : i32
    %dma_wait3A_43 = tpu.memref_slice %arg5[%dma_wait3A_36, %dma_wait3A_41, %dma_wait3A_42] : memref<8192x100x128xf32, #tpu.memory_space<hbm>> -> memref<1x100x128xf32, #tpu.memory_space<hbm>>
    %dma_wait3A_44 = tpu.memref_squeeze %dma_wait3A_43 : memref<1x100x128xf32, #tpu.memory_space<hbm>> -> memref<100x128xf32, #tpu.memory_space<hbm>>
    tpu.wait_dma2 semaphore(%arg17 : memref<!tpu.dma_semaphore, #tpu.memory_space<semaphore_mem>>) src(%arg9 : memref<100x128xf32, #tpu.memory_space<vmem>>) dst(%dma_wait3A_44 : memref<100x128xf32, #tpu.memory_space<hbm>>)
    %dma_wait3A_45 = arith.constant 0 : i32
    %dma_wait3A_46 = arith.constant 0 : i32
    %dma_wait3A_47 = arith.constant 0 : i32
    %dma_wait3A_48 = tpu.memref_slice %arg5[%dma_wait3A_45, %dma_wait3A_46, %dma_wait3A_47] : memref<8192x100x128xf32, #tpu.memory_space<hbm>> -> memref<1x100x128xf32, #tpu.memory_space<hbm>>
    %dma_wait3A_49 = tpu.memref_squeeze %dma_wait3A_48 : memref<1x100x128xf32, #tpu.memory_space<hbm>> -> memref<100x128xf32, #tpu.memory_space<hbm>>
    %dma_wait3A_50 = arith.constant 0 : i32
    %dma_wait3A_51 = arith.constant 0 : i32
    %dma_wait3A_52 = tpu.memref_slice %arg5[%dma_wait3A_45, %dma_wait3A_50, %dma_wait3A_51] : memref<8192x100x128xf32, #tpu.memory_space<hbm>> -> memref<1x100x128xf32, #tpu.memory_space<hbm>>
    %dma_wait3A_53 = tpu.memref_squeeze %dma_wait3A_52 : memref<1x100x128xf32, #tpu.memory_space<hbm>> -> memref<100x128xf32, #tpu.memory_space<hbm>>
    tpu.wait_dma2 semaphore(%arg18 : memref<!tpu.dma_semaphore, #tpu.memory_space<semaphore_mem>>) src(%arg10 : memref<100x128xf32, #tpu.memory_space<vmem>>) dst(%dma_wait3A_53 : memref<100x128xf32, #tpu.memory_space<hbm>>)
    %dma_wait3A_54 = arith.constant 0 : i32
    %dma_wait3A_55 = arith.constant 0 : i32
    %dma_wait3A_56 = arith.constant 0 : i32
    %dma_wait3A_57 = tpu.memref_slice %arg5[%dma_wait3A_54, %dma_wait3A_55, %dma_wait3A_56] : memref<8192x100x128xf32, #tpu.memory_space<hbm>> -> memref<1x100x128xf32, #tpu.memory_space<hbm>>
    %dma_wait3A_58 = tpu.memref_squeeze %dma_wait3A_57 : memref<1x100x128xf32, #tpu.memory_space<hbm>> -> memref<100x128xf32, #tpu.memory_space<hbm>>
    %dma_wait3A_59 = arith.constant 0 : i32
    %dma_wait3A_60 = arith.constant 0 : i32
    %dma_wait3A_61 = tpu.memref_slice %arg5[%dma_wait3A_54, %dma_wait3A_59, %dma_wait3A_60] : memref<8192x100x128xf32, #tpu.memory_space<hbm>> -> memref<1x100x128xf32, #tpu.memory_space<hbm>>
    %dma_wait3A_62 = tpu.memref_squeeze %dma_wait3A_61 : memref<1x100x128xf32, #tpu.memory_space<hbm>> -> memref<100x128xf32, #tpu.memory_space<hbm>>
    tpu.wait_dma2 semaphore(%arg19 : memref<!tpu.dma_semaphore, #tpu.memory_space<semaphore_mem>>) src(%arg11 : memref<100x128xf32, #tpu.memory_space<vmem>>) dst(%dma_wait3A_62 : memref<100x128xf32, #tpu.memory_space<hbm>>)
    return
  }
}

</mosaic_0001>

<sc_bundles>
// kernel: kernel.3.cloned.1.call-start
scs
__scs_entry_jumppad:
0x0: {  	(pc) =	sbr.rel $0x88, $3  }
0x1: {  	(tag) =	ssettag $0x0;
	lr =	simm.s32 $0x1  }
0x2: {  	[smem:$0x3F9F] =	sst lr;
	_ =	strace $0xD0000000  }
0x3: {  	_ = 	snop  }
0x4: {  	_ = 	snop  }
0x5: {  	_ = 	snop  }
0x6: {  	_ = 	snop  }
0x7: {  	_ = 	snop  }
__scs_overlays_trampoline_lowered:
0x8: {  	[smem:$0x3FAE] =	sst s0  }
0x9: {  	[smem:$0x3FAF] =	sst s1  }
0xa: {  	[smem:$0x3FB0] =	sst s2  }
0xb: {  	[smem:$0x3FB1] =	sst s3  }
0xc: {  	[smem:$0x3FB2] =	sst s4  }
0xd: {  	[smem:$0x3FB3] =	sst s5  }
0xe: {  	[smem:$0x3FB4] =	sst s6  }
0xf: {  	[smem:$0x3FB5] =	sst s7  }
0x10: {  	[smem:$0x3FB6] =	sst s8  }
0x11: {  	[smem:$0x3FB7] =	sst s9;
	s0 =	simm.s32 @!p0 $0x0  }
0x12: {  	s1 =	sld [smem:$0x3F9D];
	s0 =	simm.s32 @p0 $0x1  }
0x13: {  	[smem:$0x3FB8] =	sst s0;
	s0 =	simm.s32 @!p1 $0x0  }
0x14: {  	s2 =	sld [smem:$0x3F9C];
	s0 =	simm.s32 @p1 $0x1  }
0x15: {  	[smem:$0x3FB9] =	sst s0;
	s0 =	simm.s32 @!p2 $0x0  }
0x16: {  	s3 =	sld [smem:$0x3FDB];
	s0 =	simm.s32 @p2 $0x1  }
0x17: {  	s4 =	simm.s32 $0x1BF5;
	[smem:$0x3FBB] =	sst s0  }
0x18: {  	s0 =	sld [smem:$0x3F9E];
	_ =	swait.ge [sflag:s4], $0x0  }
0x19: {  	s7 =	sld [smem:$0x3F9F]  }
0x1a: {  	s8 =	sadd.s32 $0xFFFFE003, lr  }
0x1b: {  	s9 =	sadd.s32 $0xFFFFFEF7, lr;
	s5 =	simm.s32 $0xFFFFFFFF;
	p2 =	slt.u32 s8, $0xFFFFF086  }
0x1c: {  	p1 =	slt.u32 s9, $0xF7A;
	s5 =	simm.s32 @!p2 $0x0  }
0x1d: {  	s5 =	simm.s32 @p1 $0x1;
	p0 =	seq.s32 s7, s2  }
0x1e: {  	s7 =	smul.u32 @!p0 $0xF7A, s2;
	p2 =	seq.s32 @!p0 s5, $0x0  }
0x1f: {  	s9 =	smul.u32 $0xF7A, s1;
	s8 =	simm.s32 @!p0 $0x1BF5;
	p2 =	por !p2, p0  }
0x20: {  	[sflag:s8] =	ssyncset.s32 @!p0 $0xFFFFF086;
	s6 =	sadd.s32 @!p0 s3, s7;
	s7 =	simm.s32 @!p0 $0x108  }
0x21: {  	s3 =	sadd.s32 s3, s9;
	s6 =	sadd.s32 @!p0 $0x88, s6;
	s7 =	simm.s32 @p2 $0x1082  }
0x22: {  	[simem:s7], [sflag:s8] =	dma.local @!p0 [hbm:s6], $0xF7A  }
0x23: {  	s9 =	sor.u32 $0xD0000000, s2;
	s6 =	simm.s32 $0x108;
	_ =	swait.ge @!p0 [sflag:s8], $0x0  }
0x24: {  	s3 =	sadd.s32 $0x88, s3;
	s6 =	simm.s32 @!p1 $0x1082;
	[sflag:s4] =	ssyncset.s32 $0xFFFFF086  }
0x25: {  	[simem:s6], [sflag:s4] =	dma.local [hbm:s3], $0xF7A  }
0x26: {  	[smem:$0x3F9F] =	sst s1;
	(tag) =	ssettag s2;
	_ =	strace s9  }
0x27: {  	s1 =	sld [smem:$0x3FAF]  }
0x28: {  	s2 =	sld [smem:$0x3FB0]  }
0x29: {  	s4 =	sld [smem:$0x3FB2]  }
0x2a: {  	p0 =	seq.s32 s5, $0x0;
	s5 =	sld [smem:$0x3FB3]  }
0x2b: {  	s6 =	sld [smem:$0x3FB4]  }
0x2c: {  	s7 =	sld [smem:$0x3FB5]  }
0x2d: {  	s3 =	simm.s32 $0x108;
	s8 =	sld [smem:$0x3FB6]  }
0x2e: {  	s3 =	simm.s32 @!p0 $0x1082;
	s9 =	sld [smem:$0x3FB7]  }
0x2f: {  	lr =	sadd.s32 s0, s3;
	s0 =	sld [smem:$0x3FAE]  }
0x30: {  	s3 =	sld [smem:$0x3FB1]  }
0x31: {  	[smem:$0x3FBA] =	sst s10  }
0x32: {  	s10 =	sld [smem:$0x3FB8];
	_ =	sdelay $0x3  }
0x33: {  	p0 =	seq.s32 s10, $0x1;
	s10 =	sld [smem:$0x3FBA];
	_ =	sdelay $0x3  }
0x34: {  	[smem:$0x3FBA] =	sst s10  }
0x35: {  	s10 =	sld [smem:$0x3FB9];
	_ =	sdelay $0x3  }
0x36: {  	p1 =	seq.s32 s10, $0x1;
	s10 =	sld [smem:$0x3FBA];
	_ =	sdelay $0x3  }
0x37: {  	[smem:$0x3FBA] =	sst s10  }
0x38: {  	s10 =	sld [smem:$0x3FBB]  }
0x39: {  	_ = 	snop;
	(pc) =	sbr.ind lr, $3  }
0x3a: {  	_ = 	snop  }
0x3b: {  	_ = 	snop  }
0x3c: {  	p2 =	seq.s32 s10, $0x1;
	s10 =	sld [smem:$0x3FBA]  }
0x3d: {  	_ =	shalt  }
0x3e: {  	_ =	shalt  }
0x3f: {  	_ =	shalt  }
0x40: {  	_ =	shalt  }
0x41: {  	_ =	shalt  }
0x42: {  	_ =	shalt  }
0x43: {  	_ =	shalt  }
0x44: {  	_ =	shalt  }
0x45: {  	_ =	shalt  }
0x46: {  	_ =	shalt  }
0x47: {  	_ =	shalt  }
0x48: {  	_ =	shalt  }
0x49: {  	_ =	shalt  }
0x4a: {  	_ =	shalt  }
0x4b: {  	_ =	shalt  }
0x4c: {  	_ =	shalt  }
0x4d: {  	_ =	shalt  }
0x4e: {  	_ =	shalt  }
0x4f: {  	_ =	shalt  }
0x50: {  	_ =	shalt  }
0x51: {  	_ =	shalt  }
0x52: {  	_ =	shalt  }
0x53: {  	_ =	shalt  }
0x54: {  	_ =	shalt  }
0x55: {  	_ =	shalt  }
0x56: {  	_ =	shalt  }
0x57: {  	_ =	shalt  }
0x58: {  	_ =	shalt  }
0x59: {  	_ =	shalt  }
0x5a: {  	_ =	shalt  }
0x5b: {  	_ =	shalt  }
0x5c: {  	_ =	shalt  }
0x5d: {  	_ =	shalt  }
0x5e: {  	_ =	shalt  }
0x5f: {  	_ =	shalt  }
0x60: {  	_ =	shalt  }
0x61: {  	_ =	shalt  }
0x62: {  	_ =	shalt  }
0x63: {  	_ =	shalt  }
0x64: {  	_ =	shalt  }
0x65: {  	_ =	shalt  }
0x66: {  	_ =	shalt  }
0x67: {  	_ =	shalt  }
0x68: {  	_ =	shalt  }
0x69: {  	_ =	shalt  }
0x6a: {  	_ =	shalt  }
0x6b: {  	_ =	shalt  }
0x6c: {  	_ =	shalt  }
0x6d: {  	_ =	shalt  }
0x6e: {  	_ =	shalt  }
0x6f: {  	_ =	shalt  }
0x70: {  	_ =	shalt  }
0x71: {  	_ =	shalt  }
0x72: {  	_ =	shalt  }
0x73: {  	_ =	shalt  }
0x74: {  	_ =	shalt  }
0x75: {  	_ =	shalt  }
0x76: {  	_ =	shalt  }
0x77: {  	_ =	shalt  }
0x78: {  	_ =	shalt  }
0x79: {  	_ =	shalt  }
0x7a: {  	_ =	shalt  }
0x7b: {  	_ =	shalt  }
0x7c: {  	_ =	shalt  }
0x7d: {  	_ =	shalt  }
0x7e: {  	_ =	shalt  }
0x7f: {  	_ =	shalt  }
0x80: {  	_ =	shalt  }
0x81: {  	_ =	shalt  }
0x82: {  	_ =	shalt  }
0x83: {  	_ =	shalt  }
0x84: {  	_ =	shalt  }
0x85: {  	_ =	shalt  }
0x86: {  	_ =	shalt  }
0x87: {  	_ =	shalt  }
.Lfunc_end0:
.L_simem_size_0:
called_computation_lowered:
.L_overlay_start_0:
0x88: {  	s2 =	sld [smem:$0x3FD9]  }
0x89: {  	s3 =	sld [smem:$0x3FFE];
	_ =	sdelay $0x1  }
0x8a: {  	s1 =	srdreg.scid  }
0x8b: {  	s0 =	sand.u32 $0x1, s1  }
0x8c: {  	s17 =	sshll.u32 s0, $0xA;
	s2 =	sadd.s32 s3, s2  }
0x8d: {  	s2 =	sadd.s32 s2, s17  }
0x8e: {  	[smem:$0x3FC6] =	sst s2  }
0x8f: {  	_ = 	snop  }
0x90: {  	s2 =	sld [smem:$0x3FC8]  }
0x91: {  	s18 =	sld [smem:$0x3FD0];
	(tm) =	ssettm $0x1  }
0x92: {  	s4 =	sld [smem:$0x3FFB];
	_ =	sdelay $0x3  }
0x93: {  	_ =	strace s4  }
0x94: {  	s4 =	sld [smem:$0x3FFC];
	_ =	sdelay $0x3  }
0x95: {  	_ =	strace s4  }
0x96: {  	s4 =	sld [smem:$0x3FFD];
	_ =	sdelay $0x3  }
0x97: {  	_ =	strace s4  }
0x98: {  	_ =	strace $0x8FFFFFFF  }
0x99: {  	s19 =	sld [smem:$0x3FDB];
	_ =	sdelay $0x1  }
0x9a: {  	s5 =	simm.s32 $_scs_section_size  }
0x9b: {  	s6 =	simm.s32 $_size__tile_overlayer_lowered;
	s7 =	simm.s32 $_tile_overlayer_lowered  }
0x9c: {  	s22 =	simm.s32 $0x1BFF;
	s21 =	sshll.u32 s7, $0x1;
	s4 =	sadd.s32 s5, s19  }
0x9d: {  	s8 =	simm.s32 $0x0;
	s20 =	sshll.u32 s6, $0x1;
	s6 =	sadd.s32 s21, s4  }
0x9e: {  	[timem:s8], [sflag:s22] =	dma.local [hbm:s6], s20  }
0x9f: {  	_ =	swait.ge [sflag:s22], s20  }
0xa0: {  	s5 =	ssub.s32 $0x0, s20;
	[sflag:s22] =	ssyncset.done $0x0  }
0xa1: {  	[sflag:s22] =	ssyncadd.s32 s5;
	_ =	sdelay $0x1  }
0xa2: {  	s23 =	simm.s32 $0x1B8B  }
0xa3: {  	_ =	swait.ge [sflag:s23], $0x1  }
0xa4: {  	[sflag:s23] =	ssyncset.done $0x0  }
0xa5: {  	s25 =	simm.s32 $0x1B8E;
	s24 =	sld [smem:$0x3FFE];
	[sflag:s23] =	ssyncadd.s32 $0xFFFFFFFF  }
0xa6: {  	s26 =	simm.s32 $execute0_lowered;
	[smem:$0x3FD2] =	sst s25  }
0xa7: {  	s6 =	sshll.u32 s26, $0x1;
	_ =	strace $0x80000046;
	[dreg:$0x1] =	wrdreg $0xFFFFFFFF  }
0xa8: {  	s28 =	simm.s32 $_size_execute0_lowered;
	s4 =	sadd.s32 s4, s6;
	[dreg:$0x0] =	wrdreg $0x0  }
0xa9: {  	s6 =	sshll.u32 s28, $0x1;
	[dreg:$0x2] =	wrdreg s4  }
0xaa: {  	[dreg:$0x3] =	wrdreg s6  }
0xab: {  	[dreg:$0x4] =	wrdreg $0xC0  }
0xac: {  	_ =	task [dreg:s8], $0x5FFFF  }
0xad: {  	[dreg:$0x1] =	wrdreg $0xFFFFFFFF  }
0xae: {  	[dreg:$0x0] =	wrdreg $0x60  }
0xaf: {  	[dreg:$0x2] =	wrdreg s24  }
0xb0: {  	[dreg:$0x3] =	wrdreg s2  }
0xb1: {  	[dreg:$0x4] =	wrdreg s18  }
0xb2: {  	[dreg:$0x5] =	wrdreg $0x9  }
0xb3: {  	_ =	task.clear_ibuf [dreg:s8], $0x6FFFF;
	_ =	strace $0x90000046  }
0xb4: {  	s29 =	simm.s32 $0x9;
	_ =	strace $0x80000048  }
0xb5: {  	_ =	swait.ge [sflag:s29], $0x1  }
0xb6: {  	[sflag:s29] =	ssyncadd.s32 $0xFFFFFFFF  }
0xb7: {  	_ =	strace $0x90000048  }
0xb8: {  	_ =	sfence  }
0xb9: {  	s30 =	sld [smem:$0x0];
	_ =	sdelay $0x2  }
0xba: {  	s31 =	sshll.u32 s1, $0xD;
	s1 =	sshrl.u32 s1, $0x2  }
0xbb: {  	s3 =	sand.u32 $0x4000, s31;
	s1 =	sadd.s32 s1, s30  }
0xbc: {  	s0 =	sor.u32 s3, s0;
	s1 =	sshll.u32 s1, $0x11  }
0xbd: {  	s0 =	sor.u32 s1, s0  }
0xbe: {  	s0 =	sadd.s32 $0x8F2B, s0  }
0xbf: {  	[sflag:s0] =	ssyncadd.remote.s32 $0x1  }
0xc0: {  	_ =	sfence.sel $0xFFFF  }
0xc1: {  	[dreg:$0x0] =	wrdreg $0xFFFFFFFF;
	(pc) =	sbr.abs _section_cstart, $3  }
0xc2: {  	[dreg:$0x1] =	wrdreg $0xFFFFFFFF  }
0xc3: {  	_ =	task.clear_ibuf [dreg:s8], $0x2FFFF;
	_ =	strace $0x9FFFFFFF  }
0xc4: {  	(tm) =	ssettm $0x7FFFFFFF  }
0xc5: {  	_ =	shalt  }
tec
execute0_lowered:
.L_overlay_start_1:
0x0: {  	(tag) =	ssettag $0x1  }
0x1: {  	s0 =	rddreg [dreg:$0x0]  }
0x2: {  	s1 =	srdreg.scid;
	s2 =	rddreg [dreg:$0x1]  }
0x3: {  	s4 =	stileid.u32;
	s3 =	rddreg [dreg:$0x2]  }
0x4: {  	s9 =	simm.s32 $0x9;
	s10 =	simm.s32 $0x6400;
	s11 =	simm.s32 $0x64  }
0x5: {  	s12 =	simm.s32 $0xCC00;
	s13 =	simm.s32 $0x6468;
	s14 =	simm.s32 $0xFE00  }
0x6: {  	s15 =	simm.s32 $0x64D0;
	s16 =	simm.s32 $0x13000;
	s17 =	simm.s32 $0x1  }
0x7: {  	s18 =	simm.s32 $0x16200;
	s19 =	simm.s32 $0x2;
	s20 =	simm.s32 $0x3  }
0x8: {  	s21 =	simm.s32 $0x4;
	s22 =	simm.s32 $0x5;
	s1 =	sand.u32 $0x1, s1  }
0x9: {  	s23 =	simm.s32 $0x6;
	s4 =	sshll.u32 s4, $0x9;
	s5 =	sshll.u32 s1, $0x8  }
0xa: {  	s24 =	simm.s32 $0x7;
	s25 =	simm.s32 $0x8;
	s4 =	sor.u32 s5, s4  }
0xb: {  	s1 =	ssub.s32 $0x2, s1;
	s5 =	simm.s32 $0x0;
	s6 =	smul.u32 $0xD, s4  }
0xc: {  	s26 =	simm.s32 $0x0;
	s7 =	sshrl.u32 s1, $0x1;
	[smem:$0x7FF] =	sst s5  }
0xd: {  	s1 =	ssub.s32 s1, s7;
	_ =	strace $0x80000047;
	s8 =	sadd.s32 s6, s0  }
0xe: {  	s6 =	sadd.s32 $0x1A600, s0;
	s7 =	sadd.s32 $0x600, s8;
	s8 =	smax.u32 s1, $0x1  }
.LBB2_1:
0xf: {  	[tilespmem:s5], [sflag:$0x9] =	stream.linear.gather [hbm4b:s6+s5], $0x6400, $0x38;
	[tilespmem:$0x19400] =	vst v63  }
0x10: {  	_ =	swait.ge [sflag:s9], $0x6400  }
0x11: {  	[sflag:s9] =	ssyncset.done $0x0  }
0x12: {  	[sflag:s9] =	ssyncadd.s32 $0xFFFF9C00  }
0x13: {  	[tilespmem:s10], [sflag:$0x9] =	stream.linear.gather [hbm4b:s7+s5], $0x6800, $0x38;
	[tilespmem:$0x19400] =	vst v63  }
0x14: {  	_ =	swait.ge [sflag:s9], $0x6800  }
0x15: {  	[sflag:s9] =	ssyncset.done $0x0  }
0x16: {  	[sflag:s9] =	ssyncadd.s32 $0xFFFF9800  }
0x17: {  	[tilespmem:s12], [sflag:$0x1] =	stream.indirect.gather [hbm4b:s2+s11], $0x80, s10, s11, $0xb8;
	[tilespmem:$0x19400] =	vst v63  }
0x18: {  	_ = 	snop  }
0x19: {  	[tilespmem:s14], [sflag:$0x2] =	stream.indirect.gather [hbm4b:s2+s11], $0x80, s13, s11, $0xb8;
	[tilespmem:$0x19400] =	vst v63  }
0x1a: {  	s28 =	simm.s32 $0x0  }
0x1b: {  	[tilespmem:s16], [sflag:$0x3] =	stream.indirect.gather [hbm4b:s2+s11], $0x80, s15, s11, $0xb8;
	[tilespmem:$0x19400] =	vst v63  }
.LBB2_2:
0x1c: {  	_ =	swait.ge [sflag:s17], $0x3200  }
0x1d: {  	[sflag:s17] =	ssyncset.done $0x0  }
0x1e: {  	s30 =	simm.s32 $0x0;
	[sflag:s17] =	ssyncadd.s32 $0xFFFFCE00  }
0x1f: {  	v0 =	vld [tilespmem:s30+$0x1F0]  }
0x20: {  	v1 =	vld [tilespmem:s30+$0x0]  }
0x21: {  	v2 =	vld [tilespmem:s30+$0x10]  }
0x22: {  	v3 =	vld [tilespmem:s30+$0x20]  }
0x23: {  	v4 =	vld [tilespmem:s30+$0x30]  }
0x24: {  	v5 =	vld [tilespmem:s30+$0x40]  }
0x25: {  	v6 =	vld [tilespmem:s30+$0x50]  }
0x26: {  	v7 =	vld [tilespmem:s30+$0x60]  }
0x27: {  	v8 =	vld [tilespmem:s30+$0x70]  }
0x28: {  	v9 =	vld [tilespmem:s30+$0x80]  }
0x29: {  	v10 =	vld [tilespmem:s30+$0x90]  }
0x2a: {  	v11 =	vld [tilespmem:s30+$0xA0]  }
0x2b: {  	v12 =	vld [tilespmem:s30+$0xB0]  }
0x2c: {  	v13 =	vld [tilespmem:s30+$0xC0]  }
0x2d: {  	v14 =	vld [tilespmem:s30+$0xD0]  }
0x2e: {  	v15 =	vld [tilespmem:s30+$0xE0]  }
0x2f: {  	v16 =	vld [tilespmem:s30+$0xF0]  }
0x30: {  	v17 =	vld [tilespmem:s30+$0x100]  }
0x31: {  	v18 =	vld [tilespmem:s30+$0x110]  }
0x32: {  	v19 =	vld [tilespmem:s30+$0x120]  }
0x33: {  	v20 =	vld [tilespmem:s30+$0x130]  }
0x34: {  	v21 =	vld [tilespmem:s30+$0x140]  }
0x35: {  	v22 =	vld [tilespmem:s30+$0x150]  }
0x36: {  	v23 =	vld [tilespmem:s30+$0x160]  }
0x37: {  	v24 =	vld [tilespmem:s30+$0x170]  }
0x38: {  	v25 =	vld [tilespmem:s30+$0x180]  }
0x39: {  	v26 =	vld [tilespmem:s30+$0x190]  }
0x3a: {  	v27 =	vld [tilespmem:s30+$0x1A0]  }
0x3b: {  	v28 =	vld [tilespmem:s30+$0x1B0]  }
0x3c: {  	v29 =	vld [tilespmem:s30+$0x1C0]  }
0x3d: {  	v30 =	vld [tilespmem:s30+$0x1D0]  }
0x3e: {  	[tilespmem:s30+$0xCDF0] =	vst.add.f32.msk $0xffff, v0  }
0x3f: {  	v0 =	vld [tilespmem:s30+$0x1E0]  }
0x40: {  	[tilespmem:s30+$0xCC00] =	vst.add.f32.msk $0xffff, v1  }
0x41: {  	[tilespmem:s30+$0xCC10] =	vst.add.f32.msk $0xffff, v2  }
0x42: {  	[tilespmem:s30+$0xCC20] =	vst.add.f32.msk $0xffff, v3  }
0x43: {  	[tilespmem:s30+$0xCC30] =	vst.add.f32.msk $0xffff, v4  }
0x44: {  	[tilespmem:s30+$0xCC40] =	vst.add.f32.msk $0xffff, v5  }
0x45: {  	[tilespmem:s30+$0xCC50] =	vst.add.f32.msk $0xffff, v6  }
0x46: {  	[tilespmem:s30+$0xCC60] =	vst.add.f32.msk $0xffff, v7  }
0x47: {  	[tilespmem:s30+$0xCC70] =	vst.add.f32.msk $0xffff, v8  }
0x48: {  	[tilespmem:s30+$0xCC80] =	vst.add.f32.msk $0xffff, v9  }
0x49: {  	[tilespmem:s30+$0xCC90] =	vst.add.f32.msk $0xffff, v10  }
0x4a: {  	[tilespmem:s30+$0xCCA0] =	vst.add.f32.msk $0xffff, v11  }
0x4b: {  	[tilespmem:s30+$0xCCB0] =	vst.add.f32.msk $0xffff, v12  }
0x4c: {  	[tilespmem:s30+$0xCCC0] =	vst.add.f32.msk $0xffff, v13  }
0x4d: {  	[tilespmem:s30+$0xCCD0] =	vst.add.f32.msk $0xffff, v14  }
0x4e: {  	[tilespmem:s30+$0xCCE0] =	vst.add.f32.msk $0xffff, v15  }
0x4f: {  	[tilespmem:s30+$0xCCF0] =	vst.add.f32.msk $0xffff, v16  }
0x50: {  	[tilespmem:s30+$0xCD00] =	vst.add.f32.msk $0xffff, v17  }
0x51: {  	[tilespmem:s30+$0xCD10] =	vst.add.f32.msk $0xffff, v18  }
0x52: {  	[tilespmem:s30+$0xCD20] =	vst.add.f32.msk $0xffff, v19  }
0x53: {  	[tilespmem:s30+$0xCD30] =	vst.add.f32.msk $0xffff, v20  }
0x54: {  	[tilespmem:s30+$0xCD40] =	vst.add.f32.msk $0xffff, v21  }
0x55: {  	[tilespmem:s30+$0xCD50] =	vst.add.f32.msk $0xffff, v22  }
0x56: {  	[tilespmem:s30+$0xCD60] =	vst.add.f32.msk $0xffff, v23  }
0x57: {  	[tilespmem:s30+$0xCD70] =	vst.add.f32.msk $0xffff, v24  }
0x58: {  	[tilespmem:s30+$0xCD80] =	vst.add.f32.msk $0xffff, v25  }
0x59: {  	[tilespmem:s30+$0xCD90] =	vst.add.f32.msk $0xffff, v26  }
0x5a: {  	[tilespmem:s30+$0xCDA0] =	vst.add.f32.msk $0xffff, v27  }
0x5b: {  	[tilespmem:s30+$0xCDB0] =	vst.add.f32.msk $0xffff, v28  }
0x5c: {  	[tilespmem:s30+$0xCDC0] =	vst.add.f32.msk $0xffff, v29  }
0x5d: {  	s29 =	simm.s32 $0x0;
	s1 =	simm.s32 $0x800;
	[tilespmem:s30+$0xCDD0] =	vst.add.f32.msk $0xffff, v30  }
.LBB2_3:
0x5e: {  	s29 =	sadd.s32 $0x4, s29;
	[tilespmem:s30+$0xCDE0] =	vst.add.f32.msk $0xffff, v0;
	s30 =	sshra.s32 s1, $0x2  }
0x5f: {  	v0 =	vld [tilespmem:s30+$0x1F0];
	p0 =	slt.u32 s29, $0x60  }
0x60: {  	v1 =	vld [tilespmem:s30+$0x0]  }
0x61: {  	v2 =	vld [tilespmem:s30+$0x10]  }
0x62: {  	v3 =	vld [tilespmem:s30+$0x20]  }
0x63: {  	v4 =	vld [tilespmem:s30+$0x30]  }
0x64: {  	[tilespmem:s30+$0xCDF0] =	vst.add.f32.msk $0xffff, v0  }
0x65: {  	v5 =	vld [tilespmem:s30+$0x40]  }
0x66: {  	v6 =	vld [tilespmem:s30+$0x50]  }
0x67: {  	v7 =	vld [tilespmem:s30+$0x60]  }
0x68: {  	v8 =	vld [tilespmem:s30+$0x70]  }
0x69: {  	v9 =	vld [tilespmem:s30+$0x80]  }
0x6a: {  	v10 =	vld [tilespmem:s30+$0x90]  }
0x6b: {  	v11 =	vld [tilespmem:s30+$0xA0]  }
0x6c: {  	v12 =	vld [tilespmem:s30+$0xB0]  }
0x6d: {  	v13 =	vld [tilespmem:s30+$0xC0]  }
0x6e: {  	v14 =	vld [tilespmem:s30+$0xD0]  }
0x6f: {  	v15 =	vld [tilespmem:s30+$0xE0]  }
0x70: {  	v16 =	vld [tilespmem:s30+$0xF0]  }
0x71: {  	v17 =	vld [tilespmem:s30+$0x100]  }
0x72: {  	v18 =	vld [tilespmem:s30+$0x110]  }
0x73: {  	v19 =	vld [tilespmem:s30+$0x120]  }
0x74: {  	v20 =	vld [tilespmem:s30+$0x130]  }
0x75: {  	v21 =	vld [tilespmem:s30+$0x140]  }
0x76: {  	v22 =	vld [tilespmem:s30+$0x150]  }
0x77: {  	v23 =	vld [tilespmem:s30+$0x160]  }
0x78: {  	v24 =	vld [tilespmem:s30+$0x170]  }
0x79: {  	v25 =	vld [tilespmem:s30+$0x180]  }
0x7a: {  	v26 =	vld [tilespmem:s30+$0x190]  }
0x7b: {  	v27 =	vld [tilespmem:s30+$0x1A0]  }
0x7c: {  	v28 =	vld [tilespmem:s30+$0x1B0]  }
0x7d: {  	v29 =	vld [tilespmem:s30+$0x1C0]  }
0x7e: {  	v30 =	vld [tilespmem:s30+$0x1D0]  }
0x7f: {  	v0 =	vld [tilespmem:s30+$0x1E0]  }
0x80: {  	[tilespmem:s30+$0xCC00] =	vst.add.f32.msk $0xffff, v1  }
0x81: {  	[tilespmem:s30+$0xCC10] =	vst.add.f32.msk $0xffff, v2  }
0x82: {  	[tilespmem:s30+$0xCC20] =	vst.add.f32.msk $0xffff, v3  }
0x83: {  	[tilespmem:s30+$0xCC30] =	vst.add.f32.msk $0xffff, v4  }
0x84: {  	[tilespmem:s30+$0xCC40] =	vst.add.f32.msk $0xffff, v5  }
0x85: {  	[tilespmem:s30+$0xCC50] =	vst.add.f32.msk $0xffff, v6  }
0x86: {  	[tilespmem:s30+$0xCC60] =	vst.add.f32.msk $0xffff, v7  }
0x87: {  	[tilespmem:s30+$0xCC70] =	vst.add.f32.msk $0xffff, v8  }
0x88: {  	[tilespmem:s30+$0xCC80] =	vst.add.f32.msk $0xffff, v9  }
0x89: {  	[tilespmem:s30+$0xCC90] =	vst.add.f32.msk $0xffff, v10  }
0x8a: {  	[tilespmem:s30+$0xCCA0] =	vst.add.f32.msk $0xffff, v11  }
0x8b: {  	[tilespmem:s30+$0xCCB0] =	vst.add.f32.msk $0xffff, v12  }
0x8c: {  	[tilespmem:s30+$0xCCC0] =	vst.add.f32.msk $0xffff, v13  }
0x8d: {  	[tilespmem:s30+$0xCCD0] =	vst.add.f32.msk $0xffff, v14  }
0x8e: {  	[tilespmem:s30+$0xCCE0] =	vst.add.f32.msk $0xffff, v15  }
0x8f: {  	[tilespmem:s30+$0xCCF0] =	vst.add.f32.msk $0xffff, v16  }
0x90: {  	[tilespmem:s30+$0xCD00] =	vst.add.f32.msk $0xffff, v17  }
0x91: {  	[tilespmem:s30+$0xCD10] =	vst.add.f32.msk $0xffff, v18  }
0x92: {  	[tilespmem:s30+$0xCD20] =	vst.add.f32.msk $0xffff, v19  }
0x93: {  	[tilespmem:s30+$0xCD30] =	vst.add.f32.msk $0xffff, v20  }
0x94: {  	[tilespmem:s30+$0xCD40] =	vst.add.f32.msk $0xffff, v21  }
0x95: {  	[tilespmem:s30+$0xCD50] =	vst.add.f32.msk $0xffff, v22  }
0x96: {  	[tilespmem:s30+$0xCD60] =	vst.add.f32.msk $0xffff, v23  }
0x97: {  	[tilespmem:s30+$0xCD70] =	vst.add.f32.msk $0xffff, v24  }
0x98: {  	[tilespmem:s30+$0xCD80] =	vst.add.f32.msk $0xffff, v25  }
.Ltmp0:
0x99: {  	[tilespmem:s30+$0xCD90] =	vst.add.f32.msk $0xffff, v26;
	(pc) =	sbr.rel @p0 .LBB2_3-.Ltmp0, $4  }
0x9a: {  	[tilespmem:s30+$0xCDA0] =	vst.add.f32.msk $0xffff, v27  }
0x9b: {  	[tilespmem:s30+$0xCDB0] =	vst.add.f32.msk $0xffff, v28  }
0x9c: {  	[tilespmem:s30+$0xCDC0] =	vst.add.f32.msk $0xffff, v29  }
0x9d: {  	s1 =	sadd.s32 $0x800, s1;
	[tilespmem:s30+$0xCDD0] =	vst.add.f32.msk $0xffff, v30  }
0x9e: {  	s29 =	sshll.u32 s28, $0x2  }
0x9f: {  	s0 =	sadd.s32 s4, s29  }
0xa0: {  	s0 =	smul.u32 $0x640, s0;
	_ =	sdelay $0x1  }
0xa1: {  	[tilespmem:s30+$0xCDE0] =	vst.add.f32.msk $0xffff, v0;
	p0 =	seq.s32 s28, $0x0;
	s0 =	sadd.s32 s3, s0  }
0xa2: {  	[hbm4b:s0+s5] =	stream.linear.scatter [tilespmem:s12], [sflag:$0x5], $0x3200, $0x38;
	[tilespmem:$0x19400] =	vst v63  }
0xa3: {  	s1 =	smul.u32 $0x680, s28;
	s0 =	simm.s32 @!p0 $0x8  }
0xa4: {  	_ =	swait.ge @!p0 [sflag:s0], $0x3200  }
0xa5: {  	s30 =	sshra.s32 s1, $0x2;
	[sflag:s0] =	ssyncset.done @!p0 $0x0  }
0xa6: {  	s1 =	sadd.s32 $0x6538, s30;
	[sflag:s0] =	ssyncadd.s32 @!p0 $0xFFFFCE00  }
0xa7: {  	[tilespmem:s18], [sflag:$0x4] =	stream.indirect.gather [hbm4b:s2+s11], $0x80, s1, s11, $0xb8;
	[tilespmem:$0x19400] =	vst v63  }
0xa8: {  	_ =	swait.ge [sflag:s19], $0x3200  }
0xa9: {  	[sflag:s19] =	ssyncset.done $0x0  }
0xaa: {  	s31 =	simm.s32 $0x0;
	[sflag:s19] =	ssyncadd.s32 $0xFFFFCE00  }
0xab: {  	v0 =	vld [tilespmem:s31+$0x33F0]  }
0xac: {  	v1 =	vld [tilespmem:s31+$0x3200]  }
0xad: {  	v2 =	vld [tilespmem:s31+$0x3210]  }
0xae: {  	v3 =	vld [tilespmem:s31+$0x3220]  }
0xaf: {  	v4 =	vld [tilespmem:s31+$0x3230]  }
0xb0: {  	v5 =	vld [tilespmem:s31+$0x3240]  }
0xb1: {  	v6 =	vld [tilespmem:s31+$0x3250]  }
0xb2: {  	v7 =	vld [tilespmem:s31+$0x3260]  }
0xb3: {  	v8 =	vld [tilespmem:s31+$0x3270]  }
0xb4: {  	v9 =	vld [tilespmem:s31+$0x3280]  }
0xb5: {  	v10 =	vld [tilespmem:s31+$0x3290]  }
0xb6: {  	v11 =	vld [tilespmem:s31+$0x32A0]  }
0xb7: {  	v12 =	vld [tilespmem:s31+$0x32B0]  }
0xb8: {  	v13 =	vld [tilespmem:s31+$0x32C0]  }
0xb9: {  	v14 =	vld [tilespmem:s31+$0x32D0]  }
0xba: {  	v15 =	vld [tilespmem:s31+$0x32E0]  }
0xbb: {  	v16 =	vld [tilespmem:s31+$0x32F0]  }
0xbc: {  	v17 =	vld [tilespmem:s31+$0x3300]  }
0xbd: {  	v18 =	vld [tilespmem:s31+$0x3310]  }
0xbe: {  	v19 =	vld [tilespmem:s31+$0x3320]  }
0xbf: {  	v20 =	vld [tilespmem:s31+$0x3330]  }
0xc0: {  	v21 =	vld [tilespmem:s31+$0x3340]  }
0xc1: {  	v22 =	vld [tilespmem:s31+$0x3350]  }
0xc2: {  	v23 =	vld [tilespmem:s31+$0x3360]  }
0xc3: {  	v24 =	vld [tilespmem:s31+$0x3370]  }
0xc4: {  	v25 =	vld [tilespmem:s31+$0x3380]  }
0xc5: {  	v26 =	vld [tilespmem:s31+$0x3390]  }
0xc6: {  	v27 =	vld [tilespmem:s31+$0x33A0]  }
0xc7: {  	v28 =	vld [tilespmem:s31+$0x33B0]  }
0xc8: {  	v29 =	vld [tilespmem:s31+$0x33C0]  }
0xc9: {  	v30 =	vld [tilespmem:s31+$0x33D0]  }
0xca: {  	[tilespmem:s31+$0xFFF0] =	vst.add.f32.msk $0xffff, v0  }
0xcb: {  	v0 =	vld [tilespmem:s31+$0x33E0]  }
0xcc: {  	[tilespmem:s31+$0xFE00] =	vst.add.f32.msk $0xffff, v1  }
0xcd: {  	[tilespmem:s31+$0xFE10] =	vst.add.f32.msk $0xffff, v2  }
0xce: {  	[tilespmem:s31+$0xFE20] =	vst.add.f32.msk $0xffff, v3  }
0xcf: {  	[tilespmem:s31+$0xFE30] =	vst.add.f32.msk $0xffff, v4  }
0xd0: {  	[tilespmem:s31+$0xFE40] =	vst.add.f32.msk $0xffff, v5  }
0xd1: {  	[tilespmem:s31+$0xFE50] =	vst.add.f32.msk $0xffff, v6  }
0xd2: {  	[tilespmem:s31+$0xFE60] =	vst.add.f32.msk $0xffff, v7  }
0xd3: {  	[tilespmem:s31+$0xFE70] =	vst.add.f32.msk $0xffff, v8  }
0xd4: {  	[tilespmem:s31+$0xFE80] =	vst.add.f32.msk $0xffff, v9  }
0xd5: {  	[tilespmem:s31+$0xFE90] =	vst.add.f32.msk $0xffff, v10  }
0xd6: {  	[tilespmem:s31+$0xFEA0] =	vst.add.f32.msk $0xffff, v11  }
0xd7: {  	[tilespmem:s31+$0xFEB0] =	vst.add.f32.msk $0xffff, v12  }
0xd8: {  	[tilespmem:s31+$0xFEC0] =	vst.add.f32.msk $0xffff, v13  }
0xd9: {  	[tilespmem:s31+$0xFED0] =	vst.add.f32.msk $0xffff, v14  }
0xda: {  	[tilespmem:s31+$0xFEE0] =	vst.add.f32.msk $0xffff, v15  }
0xdb: {  	[tilespmem:s31+$0xFEF0] =	vst.add.f32.msk $0xffff, v16  }
0xdc: {  	[tilespmem:s31+$0xFF00] =	vst.add.f32.msk $0xffff, v17  }
0xdd: {  	[tilespmem:s31+$0xFF10] =	vst.add.f32.msk $0xffff, v18  }
0xde: {  	[tilespmem:s31+$0xFF20] =	vst.add.f32.msk $0xffff, v19  }
0xdf: {  	[tilespmem:s31+$0xFF30] =	vst.add.f32.msk $0xffff, v20  }
0xe0: {  	[tilespmem:s31+$0xFF40] =	vst.add.f32.msk $0xffff, v21  }
0xe1: {  	[tilespmem:s31+$0xFF50] =	vst.add.f32.msk $0xffff, v22  }
0xe2: {  	[tilespmem:s31+$0xFF60] =	vst.add.f32.msk $0xffff, v23  }
0xe3: {  	[tilespmem:s31+$0xFF70] =	vst.add.f32.msk $0xffff, v24  }
0xe4: {  	[tilespmem:s31+$0xFF80] =	vst.add.f32.msk $0xffff, v25  }
0xe5: {  	[tilespmem:s31+$0xFF90] =	vst.add.f32.msk $0xffff, v26  }
0xe6: {  	[tilespmem:s31+$0xFFA0] =	vst.add.f32.msk $0xffff, v27  }
0xe7: {  	[tilespmem:s31+$0xFFB0] =	vst.add.f32.msk $0xffff, v28  }
0xe8: {  	[tilespmem:s31+$0xFFC0] =	vst.add.f32.msk $0xffff, v29  }
0xe9: {  	s0 =	simm.s32 $0x800;
	s1 =	simm.s32 $0x0;
	[tilespmem:s31+$0xFFD0] =	vst.add.f32.msk $0xffff, v30  }
.LBB2_5:
0xea: {  	s1 =	sadd.s32 $0x4, s1;
	[tilespmem:s31+$0xFFE0] =	vst.add.f32.msk $0xffff, v0;
	s31 =	sshra.s32 s0, $0x2  }
0xeb: {  	v0 =	vld [tilespmem:s31+$0x33F0];
	p0 =	slt.u32 s1, $0x60  }
0xec: {  	v1 =	vld [tilespmem:s31+$0x3200]  }
0xed: {  	v2 =	vld [tilespmem:s31+$0x3210]  }
0xee: {  	v3 =	vld [tilespmem:s31+$0x3220]  }
0xef: {  	v4 =	vld [tilespmem:s31+$0x3230]  }
0xf0: {  	[tilespmem:s31+$0xFFF0] =	vst.add.f32.msk $0xffff, v0  }
0xf1: {  	v5 =	vld [tilespmem:s31+$0x3240]  }
0xf2: {  	v6 =	vld [tilespmem:s31+$0x3250]  }
0xf3: {  	v7 =	vld [tilespmem:s31+$0x3260]  }
0xf4: {  	v8 =	vld [tilespmem:s31+$0x3270]  }
0xf5: {  	v9 =	vld [tilespmem:s31+$0x3280]  }
0xf6: {  	v10 =	vld [tilespmem:s31+$0x3290]  }
0xf7: {  	v11 =	vld [tilespmem:s31+$0x32A0]  }
0xf8: {  	v12 =	vld [tilespmem:s31+$0x32B0]  }
0xf9: {  	v13 =	vld [tilespmem:s31+$0x32C0]  }
0xfa: {  	v14 =	vld [tilespmem:s31+$0x32D0]  }
0xfb: {  	v15 =	vld [tilespmem:s31+$0x32E0]  }
0xfc: {  	v16 =	vld [tilespmem:s31+$0x32F0]  }
0xfd: {  	v17 =	vld [tilespmem:s31+$0x3300]  }
0xfe: {  	v18 =	vld [tilespmem:s31+$0x3310]  }
0xff: {  	v19 =	vld [tilespmem:s31+$0x3320]  }
0x100: {  	v20 =	vld [tilespmem:s31+$0x3330]  }
0x101: {  	v21 =	vld [tilespmem:s31+$0x3340]  }
0x102: {  	v22 =	vld [tilespmem:s31+$0x3350]  }
0x103: {  	v23 =	vld [tilespmem:s31+$0x3360]  }
0x104: {  	v24 =	vld [tilespmem:s31+$0x3370]  }
0x105: {  	v25 =	vld [tilespmem:s31+$0x3380]  }
0x106: {  	v26 =	vld [tilespmem:s31+$0x3390]  }
0x107: {  	v27 =	vld [tilespmem:s31+$0x33A0]  }
0x108: {  	v28 =	vld [tilespmem:s31+$0x33B0]  }
0x109: {  	v29 =	vld [tilespmem:s31+$0x33C0]  }
0x10a: {  	v30 =	vld [tilespmem:s31+$0x33D0]  }
0x10b: {  	v0 =	vld [tilespmem:s31+$0x33E0]  }
0x10c: {  	[tilespmem:s31+$0xFE00] =	vst.add.f32.msk $0xffff, v1  }
0x10d: {  	[tilespmem:s31+$0xFE10] =	vst.add.f32.msk $0xffff, v2  }
0x10e: {  	[tilespmem:s31+$0xFE20] =	vst.add.f32.msk $0xffff, v3  }
0x10f: {  	[tilespmem:s31+$0xFE30] =	vst.add.f32.msk $0xffff, v4  }
0x110: {  	[tilespmem:s31+$0xFE40] =	vst.add.f32.msk $0xffff, v5  }
0x111: {  	[tilespmem:s31+$0xFE50] =	vst.add.f32.msk $0xffff, v6  }
0x112: {  	[tilespmem:s31+$0xFE60] =	vst.add.f32.msk $0xffff, v7  }
0x113: {  	[tilespmem:s31+$0xFE70] =	vst.add.f32.msk $0xffff, v8  }
0x114: {  	[tilespmem:s31+$0xFE80] =	vst.add.f32.msk $0xffff, v9  }
0x115: {  	[tilespmem:s31+$0xFE90] =	vst.add.f32.msk $0xffff, v10  }
0x116: {  	[tilespmem:s31+$0xFEA0] =	vst.add.f32.msk $0xffff, v11  }
0x117: {  	[tilespmem:s31+$0xFEB0] =	vst.add.f32.msk $0xffff, v12  }
0x118: {  	[tilespmem:s31+$0xFEC0] =	vst.add.f32.msk $0xffff, v13  }
0x119: {  	[tilespmem:s31+$0xFED0] =	vst.add.f32.msk $0xffff, v14  }
0x11a: {  	[tilespmem:s31+$0xFEE0] =	vst.add.f32.msk $0xffff, v15  }
0x11b: {  	[tilespmem:s31+$0xFEF0] =	vst.add.f32.msk $0xffff, v16  }
0x11c: {  	[tilespmem:s31+$0xFF00] =	vst.add.f32.msk $0xffff, v17  }
0x11d: {  	[tilespmem:s31+$0xFF10] =	vst.add.f32.msk $0xffff, v18  }
0x11e: {  	[tilespmem:s31+$0xFF20] =	vst.add.f32.msk $0xffff, v19  }
0x11f: {  	[tilespmem:s31+$0xFF30] =	vst.add.f32.msk $0xffff, v20  }
0x120: {  	[tilespmem:s31+$0xFF40] =	vst.add.f32.msk $0xffff, v21  }
0x121: {  	[tilespmem:s31+$0xFF50] =	vst.add.f32.msk $0xffff, v22  }
0x122: {  	[tilespmem:s31+$0xFF60] =	vst.add.f32.msk $0xffff, v23  }
0x123: {  	[tilespmem:s31+$0xFF70] =	vst.add.f32.msk $0xffff, v24  }
0x124: {  	[tilespmem:s31+$0xFF80] =	vst.add.f32.msk $0xffff, v25  }
.Ltmp1:
0x125: {  	[tilespmem:s31+$0xFF90] =	vst.add.f32.msk $0xffff, v26;
	(pc) =	sbr.rel @p0 .LBB2_5-.Ltmp1, $4  }
0x126: {  	[tilespmem:s31+$0xFFA0] =	vst.add.f32.msk $0xffff, v27  }
0x127: {  	[tilespmem:s31+$0xFFB0] =	vst.add.f32.msk $0xffff, v28  }
0x128: {  	[tilespmem:s31+$0xFFC0] =	vst.add.f32.msk $0xffff, v29  }
0x129: {  	s0 =	sadd.s32 $0x800, s0;
	[tilespmem:s31+$0xFFD0] =	vst.add.f32.msk $0xffff, v30  }
0x12a: {  	s0 =	sor.u32 $0x1, s29  }
0x12b: {  	s1 =	sadd.s32 s4, s0  }
0x12c: {  	s1 =	smul.u32 $0x640, s1  }
0x12d: {  	p0 =	sgt.u32 s0, $0xFC  }
0x12e: {  	[tilespmem:s31+$0xFFE0] =	vst.add.f32.msk $0xffff, v0;
	s0 =	simm.s32 @!p0 $0x5;
	s1 =	sadd.s32 s3, s1  }
0x12f: {  	[hbm4b:s1+s5] =	stream.linear.scatter [tilespmem:s14], [sflag:$0x6], $0x3200, $0x38;
	[tilespmem:$0x19400] =	vst v63  }
0x130: {  	_ =	swait.ge @!p0 [sflag:s0], $0x3200  }
0x131: {  	s31 =	simm.s32 @!p0 $0xCC00;
	[sflag:s0] =	ssyncset.done @!p0 $0x0  }
0x132: {  	s1 =	simm.s32 @!p0 $0x64;
	[sflag:s0] =	ssyncadd.s32 @!p0 $0xFFFFCE00;
	s0 =	sadd.s32 @!p0 $0x65A0, s30  }
0x133: {  	[tilespmem:s31], [sflag:$0x1] =	stream.indirect.gather @!p0 [hbm4b:s2+s1], $0x80, s0, s1, $0xb8;
	[tilespmem:$0x19400] =	vst v63  }
0x134: {  	_ =	swait.ge [sflag:s20], $0x3200  }
0x135: {  	[sflag:s20] =	ssyncset.done $0x0  }
0x136: {  	s31 =	simm.s32 $0x0;
	[sflag:s20] =	ssyncadd.s32 $0xFFFFCE00  }
0x137: {  	v0 =	vld [tilespmem:s31+$0x1F0]  }
0x138: {  	v1 =	vld [tilespmem:s31+$0x0]  }
0x139: {  	v2 =	vld [tilespmem:s31+$0x10]  }
0x13a: {  	v3 =	vld [tilespmem:s31+$0x20]  }
0x13b: {  	v4 =	vld [tilespmem:s31+$0x30]  }
0x13c: {  	v5 =	vld [tilespmem:s31+$0x40]  }
0x13d: {  	v6 =	vld [tilespmem:s31+$0x50]  }
0x13e: {  	v7 =	vld [tilespmem:s31+$0x60]  }
0x13f: {  	v8 =	vld [tilespmem:s31+$0x70]  }
0x140: {  	v9 =	vld [tilespmem:s31+$0x80]  }
0x141: {  	v10 =	vld [tilespmem:s31+$0x90]  }
0x142: {  	v11 =	vld [tilespmem:s31+$0xA0]  }
0x143: {  	v12 =	vld [tilespmem:s31+$0xB0]  }
0x144: {  	v13 =	vld [tilespmem:s31+$0xC0]  }
0x145: {  	v14 =	vld [tilespmem:s31+$0xD0]  }
0x146: {  	v15 =	vld [tilespmem:s31+$0xE0]  }
0x147: {  	v16 =	vld [tilespmem:s31+$0xF0]  }
0x148: {  	v17 =	vld [tilespmem:s31+$0x100]  }
0x149: {  	v18 =	vld [tilespmem:s31+$0x110]  }
0x14a: {  	v19 =	vld [tilespmem:s31+$0x120]  }
0x14b: {  	v20 =	vld [tilespmem:s31+$0x130]  }
0x14c: {  	v21 =	vld [tilespmem:s31+$0x140]  }
0x14d: {  	v22 =	vld [tilespmem:s31+$0x150]  }
0x14e: {  	v23 =	vld [tilespmem:s31+$0x160]  }
0x14f: {  	v24 =	vld [tilespmem:s31+$0x170]  }
0x150: {  	v25 =	vld [tilespmem:s31+$0x180]  }
0x151: {  	v26 =	vld [tilespmem:s31+$0x190]  }
0x152: {  	v27 =	vld [tilespmem:s31+$0x1A0]  }
0x153: {  	v28 =	vld [tilespmem:s31+$0x1B0]  }
0x154: {  	v29 =	vld [tilespmem:s31+$0x1C0]  }
0x155: {  	v30 =	vld [tilespmem:s31+$0x1D0]  }
0x156: {  	[tilespmem:s31+$0x131F0] =	vst.add.f32.msk $0xffff, v0  }
0x157: {  	v0 =	vld [tilespmem:s31+$0x1E0]  }
0x158: {  	[tilespmem:s31+$0x13000] =	vst.add.f32.msk $0xffff, v1  }
0x159: {  	[tilespmem:s31+$0x13010] =	vst.add.f32.msk $0xffff, v2  }
0x15a: {  	[tilespmem:s31+$0x13020] =	vst.add.f32.msk $0xffff, v3  }
0x15b: {  	[tilespmem:s31+$0x13030] =	vst.add.f32.msk $0xffff, v4  }
0x15c: {  	[tilespmem:s31+$0x13040] =	vst.add.f32.msk $0xffff, v5  }
0x15d: {  	[tilespmem:s31+$0x13050] =	vst.add.f32.msk $0xffff, v6  }
0x15e: {  	[tilespmem:s31+$0x13060] =	vst.add.f32.msk $0xffff, v7  }
0x15f: {  	[tilespmem:s31+$0x13070] =	vst.add.f32.msk $0xffff, v8  }
0x160: {  	[tilespmem:s31+$0x13080] =	vst.add.f32.msk $0xffff, v9  }
0x161: {  	[tilespmem:s31+$0x13090] =	vst.add.f32.msk $0xffff, v10  }
0x162: {  	[tilespmem:s31+$0x130A0] =	vst.add.f32.msk $0xffff, v11  }
0x163: {  	[tilespmem:s31+$0x130B0] =	vst.add.f32.msk $0xffff, v12  }
0x164: {  	[tilespmem:s31+$0x130C0] =	vst.add.f32.msk $0xffff, v13  }
0x165: {  	[tilespmem:s31+$0x130D0] =	vst.add.f32.msk $0xffff, v14  }
0x166: {  	[tilespmem:s31+$0x130E0] =	vst.add.f32.msk $0xffff, v15  }
0x167: {  	[tilespmem:s31+$0x130F0] =	vst.add.f32.msk $0xffff, v16  }
0x168: {  	[tilespmem:s31+$0x13100] =	vst.add.f32.msk $0xffff, v17  }
0x169: {  	[tilespmem:s31+$0x13110] =	vst.add.f32.msk $0xffff, v18  }
0x16a: {  	[tilespmem:s31+$0x13120] =	vst.add.f32.msk $0xffff, v19  }
0x16b: {  	[tilespmem:s31+$0x13130] =	vst.add.f32.msk $0xffff, v20  }
0x16c: {  	[tilespmem:s31+$0x13140] =	vst.add.f32.msk $0xffff, v21  }
0x16d: {  	[tilespmem:s31+$0x13150] =	vst.add.f32.msk $0xffff, v22  }
0x16e: {  	[tilespmem:s31+$0x13160] =	vst.add.f32.msk $0xffff, v23  }
0x16f: {  	[tilespmem:s31+$0x13170] =	vst.add.f32.msk $0xffff, v24  }
0x170: {  	[tilespmem:s31+$0x13180] =	vst.add.f32.msk $0xffff, v25  }
0x171: {  	[tilespmem:s31+$0x13190] =	vst.add.f32.msk $0xffff, v26  }
0x172: {  	[tilespmem:s31+$0x131A0] =	vst.add.f32.msk $0xffff, v27  }
0x173: {  	[tilespmem:s31+$0x131B0] =	vst.add.f32.msk $0xffff, v28  }
0x174: {  	[tilespmem:s31+$0x131C0] =	vst.add.f32.msk $0xffff, v29  }
0x175: {  	s1 =	simm.s32 $0x0;
	s0 =	simm.s32 $0x800;
	[tilespmem:s31+$0x131D0] =	vst.add.f32.msk $0xffff, v30  }
.LBB2_7:
0x176: {  	s1 =	sadd.s32 $0x4, s1;
	[tilespmem:s31+$0x131E0] =	vst.add.f32.msk $0xffff, v0;
	s31 =	sshra.s32 s0, $0x2  }
0x177: {  	v0 =	vld [tilespmem:s31+$0x1F0];
	p0 =	slt.u32 s1, $0x60  }
0x178: {  	v1 =	vld [tilespmem:s31+$0x0]  }
0x179: {  	v2 =	vld [tilespmem:s31+$0x10]  }
0x17a: {  	v3 =	vld [tilespmem:s31+$0x20]  }
0x17b: {  	v4 =	vld [tilespmem:s31+$0x30]  }
0x17c: {  	[tilespmem:s31+$0x131F0] =	vst.add.f32.msk $0xffff, v0  }
0x17d: {  	v5 =	vld [tilespmem:s31+$0x40]  }
0x17e: {  	v6 =	vld [tilespmem:s31+$0x50]  }
0x17f: {  	v7 =	vld [tilespmem:s31+$0x60]  }
0x180: {  	v8 =	vld [tilespmem:s31+$0x70]  }
0x181: {  	v9 =	vld [tilespmem:s31+$0x80]  }
0x182: {  	v10 =	vld [tilespmem:s31+$0x90]  }
0x183: {  	v11 =	vld [tilespmem:s31+$0xA0]  }
0x184: {  	v12 =	vld [tilespmem:s31+$0xB0]  }
0x185: {  	v13 =	vld [tilespmem:s31+$0xC0]  }
0x186: {  	v14 =	vld [tilespmem:s31+$0xD0]  }
0x187: {  	v15 =	vld [tilespmem:s31+$0xE0]  }
0x188: {  	v16 =	vld [tilespmem:s31+$0xF0]  }
0x189: {  	v17 =	vld [tilespmem:s31+$0x100]  }
0x18a: {  	v18 =	vld [tilespmem:s31+$0x110]  }
0x18b: {  	v19 =	vld [tilespmem:s31+$0x120]  }
0x18c: {  	v20 =	vld [tilespmem:s31+$0x130]  }
0x18d: {  	v21 =	vld [tilespmem:s31+$0x140]  }
0x18e: {  	v22 =	vld [tilespmem:s31+$0x150]  }
0x18f: {  	v23 =	vld [tilespmem:s31+$0x160]  }
0x190: {  	v24 =	vld [tilespmem:s31+$0x170]  }
0x191: {  	v25 =	vld [tilespmem:s31+$0x180]  }
0x192: {  	v26 =	vld [tilespmem:s31+$0x190]  }
0x193: {  	v27 =	vld [tilespmem:s31+$0x1A0]  }
0x194: {  	v28 =	vld [tilespmem:s31+$0x1B0]  }
0x195: {  	v29 =	vld [tilespmem:s31+$0x1C0]  }
0x196: {  	v30 =	vld [tilespmem:s31+$0x1D0]  }
0x197: {  	v0 =	vld [tilespmem:s31+$0x1E0]  }
0x198: {  	[tilespmem:s31+$0x13000] =	vst.add.f32.msk $0xffff, v1  }
0x199: {  	[tilespmem:s31+$0x13010] =	vst.add.f32.msk $0xffff, v2  }
0x19a: {  	[tilespmem:s31+$0x13020] =	vst.add.f32.msk $0xffff, v3  }
0x19b: {  	[tilespmem:s31+$0x13030] =	vst.add.f32.msk $0xffff, v4  }
0x19c: {  	[tilespmem:s31+$0x13040] =	vst.add.f32.msk $0xffff, v5  }
0x19d: {  	[tilespmem:s31+$0x13050] =	vst.add.f32.msk $0xffff, v6  }
0x19e: {  	[tilespmem:s31+$0x13060] =	vst.add.f32.msk $0xffff, v7  }
0x19f: {  	[tilespmem:s31+$0x13070] =	vst.add.f32.msk $0xffff, v8  }
0x1a0: {  	[tilespmem:s31+$0x13080] =	vst.add.f32.msk $0xffff, v9  }
0x1a1: {  	[tilespmem:s31+$0x13090] =	vst.add.f32.msk $0xffff, v10  }
0x1a2: {  	[tilespmem:s31+$0x130A0] =	vst.add.f32.msk $0xffff, v11  }
0x1a3: {  	[tilespmem:s31+$0x130B0] =	vst.add.f32.msk $0xffff, v12  }
0x1a4: {  	[tilespmem:s31+$0x130C0] =	vst.add.f32.msk $0xffff, v13  }
0x1a5: {  	[tilespmem:s31+$0x130D0] =	vst.add.f32.msk $0xffff, v14  }
0x1a6: {  	[tilespmem:s31+$0x130E0] =	vst.add.f32.msk $0xffff, v15  }
0x1a7: {  	[tilespmem:s31+$0x130F0] =	vst.add.f32.msk $0xffff, v16  }
0x1a8: {  	[tilespmem:s31+$0x13100] =	vst.add.f32.msk $0xffff, v17  }
0x1a9: {  	[tilespmem:s31+$0x13110] =	vst.add.f32.msk $0xffff, v18  }
0x1aa: {  	[tilespmem:s31+$0x13120] =	vst.add.f32.msk $0xffff, v19  }
0x1ab: {  	[tilespmem:s31+$0x13130] =	vst.add.f32.msk $0xffff, v20  }
0x1ac: {  	[tilespmem:s31+$0x13140] =	vst.add.f32.msk $0xffff, v21  }
0x1ad: {  	[tilespmem:s31+$0x13150] =	vst.add.f32.msk $0xffff, v22  }
0x1ae: {  	[tilespmem:s31+$0x13160] =	vst.add.f32.msk $0xffff, v23  }
0x1af: {  	[tilespmem:s31+$0x13170] =	vst.add.f32.msk $0xffff, v24  }
0x1b0: {  	[tilespmem:s31+$0x13180] =	vst.add.f32.msk $0xffff, v25  }
.Ltmp2:
0x1b1: {  	[tilespmem:s31+$0x13190] =	vst.add.f32.msk $0xffff, v26;
	(pc) =	sbr.rel @p0 .LBB2_7-.Ltmp2, $4  }
0x1b2: {  	[tilespmem:s31+$0x131A0] =	vst.add.f32.msk $0xffff, v27  }
0x1b3: {  	[tilespmem:s31+$0x131B0] =	vst.add.f32.msk $0xffff, v28  }
0x1b4: {  	[tilespmem:s31+$0x131C0] =	vst.add.f32.msk $0xffff, v29  }
0x1b5: {  	s0 =	sadd.s32 $0x800, s0;
	[tilespmem:s31+$0x131D0] =	vst.add.f32.msk $0xffff, v30  }
0x1b6: {  	s0 =	sor.u32 $0x2, s29  }
0x1b7: {  	s1 =	sadd.s32 s4, s0  }
0x1b8: {  	s1 =	smul.u32 $0x640, s1  }
0x1b9: {  	p0 =	sgt.u32 s0, $0xFC  }
0x1ba: {  	[tilespmem:s31+$0x131E0] =	vst.add.f32.msk $0xffff, v0;
	s0 =	simm.s32 @!p0 $0x6;
	s1 =	sadd.s32 s3, s1  }
0x1bb: {  	[hbm4b:s1+s5] =	stream.linear.scatter [tilespmem:s16], [sflag:$0x7], $0x3200, $0x38;
	[tilespmem:$0x19400] =	vst v63  }
0x1bc: {  	_ =	swait.ge @!p0 [sflag:s0], $0x3200  }
0x1bd: {  	s31 =	simm.s32 @!p0 $0xFE00;
	[sflag:s0] =	ssyncset.done @!p0 $0x0  }
0x1be: {  	s1 =	simm.s32 @!p0 $0x64;
	[sflag:s0] =	ssyncadd.s32 @!p0 $0xFFFFCE00;
	s0 =	sadd.s32 @!p0 $0x6608, s30  }
0x1bf: {  	[tilespmem:s31], [sflag:$0x2] =	stream.indirect.gather @!p0 [hbm4b:s2+s1], $0x80, s0, s1, $0xb8;
	[tilespmem:$0x19400] =	vst v63  }
0x1c0: {  	_ =	swait.ge [sflag:s21], $0x3200  }
0x1c1: {  	[sflag:s21] =	ssyncset.done $0x0  }
0x1c2: {  	s31 =	simm.s32 $0x0;
	[sflag:s21] =	ssyncadd.s32 $0xFFFFCE00  }
0x1c3: {  	v0 =	vld [tilespmem:s31+$0x33F0]  }
0x1c4: {  	v1 =	vld [tilespmem:s31+$0x3200]  }
0x1c5: {  	v2 =	vld [tilespmem:s31+$0x3210]  }
0x1c6: {  	v3 =	vld [tilespmem:s31+$0x3220]  }
0x1c7: {  	v4 =	vld [tilespmem:s31+$0x3230]  }
0x1c8: {  	v5 =	vld [tilespmem:s31+$0x3240]  }
0x1c9: {  	v6 =	vld [tilespmem:s31+$0x3250]  }
0x1ca: {  	v7 =	vld [tilespmem:s31+$0x3260]  }
0x1cb: {  	v8 =	vld [tilespmem:s31+$0x3270]  }
0x1cc: {  	v9 =	vld [tilespmem:s31+$0x3280]  }
0x1cd: {  	v10 =	vld [tilespmem:s31+$0x3290]  }
0x1ce: {  	v11 =	vld [tilespmem:s31+$0x32A0]  }
0x1cf: {  	v12 =	vld [tilespmem:s31+$0x32B0]  }
0x1d0: {  	v13 =	vld [tilespmem:s31+$0x32C0]  }
0x1d1: {  	v14 =	vld [tilespmem:s31+$0x32D0]  }
0x1d2: {  	v15 =	vld [tilespmem:s31+$0x32E0]  }
0x1d3: {  	v16 =	vld [tilespmem:s31+$0x32F0]  }
0x1d4: {  	v17 =	vld [tilespmem:s31+$0x3300]  }
0x1d5: {  	v18 =	vld [tilespmem:s31+$0x3310]  }
0x1d6: {  	v19 =	vld [tilespmem:s31+$0x3320]  }
0x1d7: {  	v20 =	vld [tilespmem:s31+$0x3330]  }
0x1d8: {  	v21 =	vld [tilespmem:s31+$0x3340]  }
0x1d9: {  	v22 =	vld [tilespmem:s31+$0x3350]  }
0x1da: {  	v23 =	vld [tilespmem:s31+$0x3360]  }
0x1db: {  	v24 =	vld [tilespmem:s31+$0x3370]  }
0x1dc: {  	v25 =	vld [tilespmem:s31+$0x3380]  }
0x1dd: {  	v26 =	vld [tilespmem:s31+$0x3390]  }
0x1de: {  	v27 =	vld [tilespmem:s31+$0x33A0]  }
0x1df: {  	v28 =	vld [tilespmem:s31+$0x33B0]  }
0x1e0: {  	v29 =	vld [tilespmem:s31+$0x33C0]  }
0x1e1: {  	v30 =	vld [tilespmem:s31+$0x33D0]  }
0x1e2: {  	[tilespmem:s31+$0x163F0] =	vst.add.f32.msk $0xffff, v0  }
0x1e3: {  	v0 =	vld [tilespmem:s31+$0x33E0]  }
0x1e4: {  	[tilespmem:s31+$0x16200] =	vst.add.f32.msk $0xffff, v1  }
0x1e5: {  	[tilespmem:s31+$0x16210] =	vst.add.f32.msk $0xffff, v2  }
0x1e6: {  	[tilespmem:s31+$0x16220] =	vst.add.f32.msk $0xffff, v3  }
0x1e7: {  	[tilespmem:s31+$0x16230] =	vst.add.f32.msk $0xffff, v4  }
0x1e8: {  	[tilespmem:s31+$0x16240] =	vst.add.f32.msk $0xffff, v5  }
0x1e9: {  	[tilespmem:s31+$0x16250] =	vst.add.f32.msk $0xffff, v6  }
0x1ea: {  	[tilespmem:s31+$0x16260] =	vst.add.f32.msk $0xffff, v7  }
0x1eb: {  	[tilespmem:s31+$0x16270] =	vst.add.f32.msk $0xffff, v8  }
0x1ec: {  	[tilespmem:s31+$0x16280] =	vst.add.f32.msk $0xffff, v9  }
0x1ed: {  	[tilespmem:s31+$0x16290] =	vst.add.f32.msk $0xffff, v10  }
0x1ee: {  	[tilespmem:s31+$0x162A0] =	vst.add.f32.msk $0xffff, v11  }
0x1ef: {  	[tilespmem:s31+$0x162B0] =	vst.add.f32.msk $0xffff, v12  }
0x1f0: {  	[tilespmem:s31+$0x162C0] =	vst.add.f32.msk $0xffff, v13  }
0x1f1: {  	[tilespmem:s31+$0x162D0] =	vst.add.f32.msk $0xffff, v14  }
0x1f2: {  	[tilespmem:s31+$0x162E0] =	vst.add.f32.msk $0xffff, v15  }
0x1f3: {  	[tilespmem:s31+$0x162F0] =	vst.add.f32.msk $0xffff, v16  }
0x1f4: {  	[tilespmem:s31+$0x16300] =	vst.add.f32.msk $0xffff, v17  }
0x1f5: {  	[tilespmem:s31+$0x16310] =	vst.add.f32.msk $0xffff, v18  }
0x1f6: {  	[tilespmem:s31+$0x16320] =	vst.add.f32.msk $0xffff, v19  }
0x1f7: {  	[tilespmem:s31+$0x16330] =	vst.add.f32.msk $0xffff, v20  }
0x1f8: {  	[tilespmem:s31+$0x16340] =	vst.add.f32.msk $0xffff, v21  }
0x1f9: {  	[tilespmem:s31+$0x16350] =	vst.add.f32.msk $0xffff, v22  }
0x1fa: {  	[tilespmem:s31+$0x16360] =	vst.add.f32.msk $0xffff, v23  }
0x1fb: {  	[tilespmem:s31+$0x16370] =	vst.add.f32.msk $0xffff, v24  }
0x1fc: {  	[tilespmem:s31+$0x16380] =	vst.add.f32.msk $0xffff, v25  }
0x1fd: {  	[tilespmem:s31+$0x16390] =	vst.add.f32.msk $0xffff, v26  }
0x1fe: {  	[tilespmem:s31+$0x163A0] =	vst.add.f32.msk $0xffff, v27  }
0x1ff: {  	[tilespmem:s31+$0x163B0] =	vst.add.f32.msk $0xffff, v28  }
0x200: {  	[tilespmem:s31+$0x163C0] =	vst.add.f32.msk $0xffff, v29  }
0x201: {  	s1 =	simm.s32 $0x0;
	s0 =	simm.s32 $0x800;
	[tilespmem:s31+$0x163D0] =	vst.add.f32.msk $0xffff, v30  }
.LBB2_9:
0x202: {  	s1 =	sadd.s32 $0x4, s1;
	[tilespmem:s31+$0x163E0] =	vst.add.f32.msk $0xffff, v0;
	s31 =	sshra.s32 s0, $0x2  }
0x203: {  	v0 =	vld [tilespmem:s31+$0x33F0];
	p0 =	slt.u32 s1, $0x60  }
0x204: {  	v1 =	vld [tilespmem:s31+$0x3200]  }
0x205: {  	v2 =	vld [tilespmem:s31+$0x3210]  }
0x206: {  	v3 =	vld [tilespmem:s31+$0x3220]  }
0x207: {  	v4 =	vld [tilespmem:s31+$0x3230]  }
0x208: {  	[tilespmem:s31+$0x163F0] =	vst.add.f32.msk $0xffff, v0  }
0x209: {  	v5 =	vld [tilespmem:s31+$0x3240]  }
0x20a: {  	v6 =	vld [tilespmem:s31+$0x3250]  }
0x20b: {  	v7 =	vld [tilespmem:s31+$0x3260]  }
0x20c: {  	v8 =	vld [tilespmem:s31+$0x3270]  }
0x20d: {  	v9 =	vld [tilespmem:s31+$0x3280]  }
0x20e: {  	v10 =	vld [tilespmem:s31+$0x3290]  }
0x20f: {  	v11 =	vld [tilespmem:s31+$0x32A0]  }
0x210: {  	v12 =	vld [tilespmem:s31+$0x32B0]  }
0x211: {  	v13 =	vld [tilespmem:s31+$0x32C0]  }
0x212: {  	v14 =	vld [tilespmem:s31+$0x32D0]  }
0x213: {  	v15 =	vld [tilespmem:s31+$0x32E0]  }
0x214: {  	v16 =	vld [tilespmem:s31+$0x32F0]  }
0x215: {  	v17 =	vld [tilespmem:s31+$0x3300]  }
0x216: {  	v18 =	vld [tilespmem:s31+$0x3310]  }
0x217: {  	v19 =	vld [tilespmem:s31+$0x3320]  }
0x218: {  	v20 =	vld [tilespmem:s31+$0x3330]  }
0x219: {  	v21 =	vld [tilespmem:s31+$0x3340]  }
0x21a: {  	v22 =	vld [tilespmem:s31+$0x3350]  }
0x21b: {  	v23 =	vld [tilespmem:s31+$0x3360]  }
0x21c: {  	v24 =	vld [tilespmem:s31+$0x3370]  }
0x21d: {  	v25 =	vld [tilespmem:s31+$0x3380]  }
0x21e: {  	v26 =	vld [tilespmem:s31+$0x3390]  }
0x21f: {  	v27 =	vld [tilespmem:s31+$0x33A0]  }
0x220: {  	v28 =	vld [tilespmem:s31+$0x33B0]  }
0x221: {  	v29 =	vld [tilespmem:s31+$0x33C0]  }
0x222: {  	v30 =	vld [tilespmem:s31+$0x33D0]  }
0x223: {  	v0 =	vld [tilespmem:s31+$0x33E0]  }
0x224: {  	[tilespmem:s31+$0x16200] =	vst.add.f32.msk $0xffff, v1  }
0x225: {  	[tilespmem:s31+$0x16210] =	vst.add.f32.msk $0xffff, v2  }
0x226: {  	[tilespmem:s31+$0x16220] =	vst.add.f32.msk $0xffff, v3  }
0x227: {  	[tilespmem:s31+$0x16230] =	vst.add.f32.msk $0xffff, v4  }
0x228: {  	[tilespmem:s31+$0x16240] =	vst.add.f32.msk $0xffff, v5  }
0x229: {  	[tilespmem:s31+$0x16250] =	vst.add.f32.msk $0xffff, v6  }
0x22a: {  	[tilespmem:s31+$0x16260] =	vst.add.f32.msk $0xffff, v7  }
0x22b: {  	[tilespmem:s31+$0x16270] =	vst.add.f32.msk $0xffff, v8  }
0x22c: {  	[tilespmem:s31+$0x16280] =	vst.add.f32.msk $0xffff, v9  }
0x22d: {  	[tilespmem:s31+$0x16290] =	vst.add.f32.msk $0xffff, v10  }
0x22e: {  	[tilespmem:s31+$0x162A0] =	vst.add.f32.msk $0xffff, v11  }
0x22f: {  	[tilespmem:s31+$0x162B0] =	vst.add.f32.msk $0xffff, v12  }
0x230: {  	[tilespmem:s31+$0x162C0] =	vst.add.f32.msk $0xffff, v13  }
0x231: {  	[tilespmem:s31+$0x162D0] =	vst.add.f32.msk $0xffff, v14  }
0x232: {  	[tilespmem:s31+$0x162E0] =	vst.add.f32.msk $0xffff, v15  }
0x233: {  	[tilespmem:s31+$0x162F0] =	vst.add.f32.msk $0xffff, v16  }
0x234: {  	[tilespmem:s31+$0x16300] =	vst.add.f32.msk $0xffff, v17  }
0x235: {  	[tilespmem:s31+$0x16310] =	vst.add.f32.msk $0xffff, v18  }
0x236: {  	[tilespmem:s31+$0x16320] =	vst.add.f32.msk $0xffff, v19  }
0x237: {  	[tilespmem:s31+$0x16330] =	vst.add.f32.msk $0xffff, v20  }
0x238: {  	[tilespmem:s31+$0x16340] =	vst.add.f32.msk $0xffff, v21  }
0x239: {  	[tilespmem:s31+$0x16350] =	vst.add.f32.msk $0xffff, v22  }
0x23a: {  	[tilespmem:s31+$0x16360] =	vst.add.f32.msk $0xffff, v23  }
0x23b: {  	[tilespmem:s31+$0x16370] =	vst.add.f32.msk $0xffff, v24  }
0x23c: {  	[tilespmem:s31+$0x16380] =	vst.add.f32.msk $0xffff, v25  }
.Ltmp3:
0x23d: {  	[tilespmem:s31+$0x16390] =	vst.add.f32.msk $0xffff, v26;
	(pc) =	sbr.rel @p0 .LBB2_9-.Ltmp3, $4  }
0x23e: {  	[tilespmem:s31+$0x163A0] =	vst.add.f32.msk $0xffff, v27  }
0x23f: {  	[tilespmem:s31+$0x163B0] =	vst.add.f32.msk $0xffff, v28  }
0x240: {  	[tilespmem:s31+$0x163C0] =	vst.add.f32.msk $0xffff, v29  }
0x241: {  	s0 =	sadd.s32 $0x800, s0;
	[tilespmem:s31+$0x163D0] =	vst.add.f32.msk $0xffff, v30  }
0x242: {  	s0 =	sor.u32 $0x3, s29  }
0x243: {  	s1 =	sadd.s32 s4, s0  }
0x244: {  	s1 =	smul.u32 $0x640, s1  }
0x245: {  	p0 =	sgt.u32 s0, $0xFC  }
0x246: {  	[tilespmem:s31+$0x163E0] =	vst.add.f32.msk $0xffff, v0;
	s0 =	simm.s32 @!p0 $0x7;
	s1 =	sadd.s32 s3, s1  }
0x247: {  	[hbm4b:s1+s5] =	stream.linear.scatter [tilespmem:s18], [sflag:$0x8], $0x3200, $0x38;
	[tilespmem:$0x19400] =	vst v63  }
0x248: {  	_ =	swait.ge @!p0 [sflag:s0], $0x3200  }
0x249: {  	s28 =	sadd.s32 $0x1, s28;
	s29 =	simm.s32 @!p0 $0x13000;
	[sflag:s0] =	ssyncset.done @!p0 $0x0  }
0x24a: {  	s1 =	simm.s32 @!p0 $0x64;
	[sflag:s0] =	ssyncadd.s32 @!p0 $0xFFFFCE00;
	s0 =	sadd.s32 @!p0 $0x6670, s30  }
0x24b: {  	[tilespmem:s29], [sflag:$0x3] =	stream.indirect.gather @!p0 [hbm4b:s2+s1], $0x80, s0, s1, $0xb8;
	[tilespmem:$0x19400] =	vst v63  }
0x24c: {  	p0 =	sne.s32 s28, $0x40  }
.Ltmp4:
0x24d: {  	_ = 	snop;
	(pc) =	sbr.rel @p0 .LBB2_2-.Ltmp4, $1  }
0x24e: {  	_ =	sdelay $0x3  }
0x24f: {  	_ =	swait.ge [sflag:s22], $0x3200  }
0x250: {  	[sflag:s22] =	ssyncset.done $0x0  }
0x251: {  	[sflag:s22] =	ssyncadd.s32 $0xFFFFCE00  }
0x252: {  	_ =	swait.ge [sflag:s23], $0x3200  }
0x253: {  	[sflag:s23] =	ssyncset.done $0x0  }
0x254: {  	s26 =	sadd.s32 $0x1, s26;
	[sflag:s23] =	ssyncadd.s32 $0xFFFFCE00  }
0x255: {  	p0 =	sne.s32 s26, s8;
	_ =	swait.ge [sflag:s24], $0x3200  }
.Ltmp5:
0x256: {  	[sflag:s24] =	ssyncset.done $0x0;
	(pc) =	sbr.rel @p0 .LBB2_1-.Ltmp5, $4  }
0x257: {  	[sflag:s24] =	ssyncadd.s32 $0xFFFFCE00  }
0x258: {  	_ =	swait.ge [sflag:s25], $0x3200  }
0x259: {  	[sflag:s25] =	ssyncset.done $0x0  }
0x25a: {  	[sflag:s25] =	ssyncadd.s32 $0xFFFFCE00  }
0x25b: {  	_ =	sfence.sel $0x180000  }
0x25c: {  	[bflag:$0x0] =	sbarrier.arrive $0xFFFF  }
0x25d: {  	_ =	strace $0x90000047  }
0x25e: {  	s0 =	stileid.u32;
	[bflag:$0x2] =	sbarrier.arrive $0xFFFF  }
0x25f: {  	p0 =	sne.s32 s0, $0x0;
	s0 =	rddreg [dreg:$0x3]  }
0x260: {  	s0 =	sadd.s32 @!p0 $0x100000, s0  }
0x261: {  	[sflag:s0] =	ssyncadd.tile.s32 @!p0 $0x1;
	_ =	shalt  }
.Lfunc_end2:
_tile_overlayer_lowered:
.L_overlay_start_2:
0x262: {  	(tag) =	ssettag $0x2  }
0x263: {  	s0 =	rddreg [dreg:$0x0];
	s2 =	stileid.u32  }
0x264: {  	s1 =	rddreg [dreg:$0x1];
	p0 =	sne.s32 s2, $0x0  }
0x265: {  	s3 =	rddreg [dreg:$0x2];
	[bflag:$0x3] =	sbarrier.arrive $0xFFFF;
	s2 =	simm.s32 @!p0 $0x1C09  }
0x266: {  	[timem:s3], [sflag:s2] =	dma.local @!p0 [hbm:s0], s1  }
0x267: {  	s0 =	simm.s32 @!p0 $0x9  }
0x268: {  	_ =	swait.ge @!p0 [sflag:s0], s1  }
0x269: {  	s1 =	ssub.s32 @!p0 $0x0, s1;
	[sflag:s0] =	ssyncset.done @!p0 $0x0  }
0x26a: {  	[sflag:s0] =	ssyncadd.s32 @!p0 s1  }
0x26b: {  	[bflag:$0x3] =	sbarrier.arrive $0xFFFF  }
0x26c: {  	_ =	shalt  }

</sc_bundles>
